<compile_context>
chip_gen: v7x
topology: tpu7x:2x2x1
jax: 0.10.2.dev20260603
libtpu: 0.0.44.dev20260713+nightly
codegen_flags: <defaults>
</compile_context>

<pallas_src>
import functools
import math

import jax
import jax.numpy as jnp
import numpy as np
from jax import lax
from jax.experimental import pallas as pl
from jax.experimental.pallas import tpu as pltpu
from jax.experimental.pallas import tpu_sc as plsc

N_LEVELS = 16
BASE = 16.0
FINEST = 512.0
IMG = 512.0
_GROWTH = math.exp((math.log(FINEST) - math.log(BASE)) / (N_LEVELS - 1))
RES = [math.floor(BASE * _GROWTH**i) for i in range(N_LEVELS)]
GS = [np.float32(IMG / float(r)) for r in RES]
INV = [np.float32(1.0) / g for g in GS]

N_SMALL = 10
SMALL = list(range(N_SMALL))
BIG = list(range(N_SMALL, N_LEVELS))
NBIG = len(BIG)
SPM = [lvl for lvl in BIG if lvl < 12]
NSPM = len(SPM)
TBL_WORDS = [2 * (r + 1) ** 2 for r in RES]
SMALL_OFF = [0]
for _i in SMALL:
    SMALL_OFF.append(SMALL_OFF[-1] + TBL_WORDS[_i])
TSM_TOTAL = SMALL_OFF[-1]

NW = 32
LANES = 16
S = 256
NJ = S // LANES
CHUNK = 512
NCF = 4 * 2 * S // CHUNK


def _level_math(xa, xb, lvl):
    gs = GS[lvl]
    inv = INV[lvl]
    r = RES[lvl]
    ia = (xa * inv).astype(jnp.int32)
    ib = (xb * inv).astype(jnp.int32)
    fa = ia.astype(jnp.float32)
    fb = ib.astype(jnp.float32)
    wa = (xa - fa * gs) * inv
    wb = (xb - fb * gs) * inv
    h = ia * r + ib
    return h, wa, wb


def _lerp(e, wa, wb):
    omb = 1.0 - wb
    oma = 1.0 - wa
    c0_0 = e[0][0] * omb + e[1][0] * wb
    c0_1 = e[0][1] * omb + e[1][1] * wb
    c1_0 = e[2][0] * omb + e[3][0] * wb
    c1_1 = e[2][1] * omb + e[3][1] * wb
    return c0_0 * oma + c1_0 * wa, c0_1 * oma + c1_1 * wa


def _make_pallas(batch):
    nsb = batch // (NW * S)
    mesh = plsc.VectorSubcoreMesh(
        core_axis_name="c", subcore_axis_name="s", num_cores=2, num_subcores=16
    )
    out_type = [jax.ShapeDtypeStruct((batch * 32,), jnp.float32)]
    scratch = (
        [pltpu.VMEM((TSM_TOTAL,), jnp.float32)]
        + [pltpu.VMEM((S,), jnp.float32)] * 2
        + [pltpu.VMEM((S * 32,), jnp.float32)]
        + [pltpu.VMEM((NCF * CHUNK,), jnp.int32) for _ in BIG]
        + [pltpu.VMEM((NCF * CHUNK,), jnp.float32) for _ in BIG]
        + [pltpu.VMEM_SHARED((TBL_WORDS[i],), jnp.float32) for i in SPM]
        + [pltpu.SemaphoreType.DMA]
    )

    def body(*refs):
        (x0_hbm, x1_hbm, tsm_hbm) = refs[0:3]
        tbig_hbm = refs[3 : 3 + NBIG]
        out_hbm = refs[9]
        tsm_v = refs[10]
        x0_v, x1_v = refs[11:13]
        outb_v = refs[13]
        idxb_v = refs[14 : 14 + NBIG]
        dst_v = refs[20 : 20 + NBIG]
        sp_v = refs[26 : 26 + NSPM]
        sem = refs[26 + NSPM]
        gsrc = list(sp_v) + list(tbig_hbm[NSPM:])

        cid = lax.axis_index("c")
        sid = lax.axis_index("s")
        wid = sid * 2 + cid
        base = wid * (batch // NW)
        iota = lax.iota(jnp.int32, LANES)

        pltpu.sync_copy(tsm_hbm, tsm_v)

        @pl.when(sid == 0)
        def _stage():
            for li in range(NSPM):
                pltpu.sync_copy(tbig_hbm[li], sp_v[li])

        plsc.subcore_barrier()

        def subblock(s_ix, carry):
            p0 = base + s_ix * S
            pltpu.sync_copy(x0_hbm.at[pl.ds(p0, S)], x0_v)
            pltpu.sync_copy(x1_hbm.at[pl.ds(p0, S)], x1_v)

            def pass_a(j, c):
                off16 = j * LANES
                xa = x0_v[pl.ds(off16, LANES)]
                xb = x1_v[pl.ds(off16, LANES)]
                for li, lvl in enumerate(BIG):
                    r = RES[lvl]
                    inv = INV[lvl]
                    ia = (xa * inv).astype(jnp.int32)
                    ib = (xb * inv).astype(jnp.int32)
                    h = ia * r + ib
                    nl = TBL_WORDS[lvl] // 2
                    for c4, off in enumerate((0, 1, r, r + 1)):
                        for f in range(2):
                            idxb_v[li][
                                pl.ds((2 * c4 + f) * S + off16, LANES)
                            ] = h + (off + f * nl)
                return c

            lax.fori_loop(0, NJ, pass_a, 0)

            def fire_level(li):
                def fire(cf, c):
                    pltpu.async_copy(
                        gsrc[li].at[idxb_v[li].at[pl.ds(cf * CHUNK, CHUNK)]],
                        dst_v[li].at[pl.ds(cf * CHUNK, CHUNK)],
                        sem,
                    )
                    return c

                lax.fori_loop(0, NCF, fire, 0)

            def drain_level(li):
                def drain(cf, c):
                    pltpu.make_async_copy(
                        gsrc[li].at[idxb_v[li].at[pl.ds(cf * CHUNK, CHUNK)]],
                        dst_v[li].at[pl.ds(cf * CHUNK, CHUNK)],
                        sem,
                    ).wait()
                    return c

                lax.fori_loop(0, NCF, drain, 0)

            fire_level(0)
            fire_level(1)

            def pass_b(j, c):
                off16 = j * LANES
                xa = x0_v[pl.ds(off16, LANES)]
                xb = x1_v[pl.ds(off16, LANES)]
                p32 = (off16 + iota) * 32
                for lvl in SMALL:
                    r = RES[lvl]
                    h, wa, wb = _level_math(xa, xb, lvl)
                    w0 = SMALL_OFF[lvl] + 2 * h
                    e = [
                        [
                            plsc.load_gather(tsm_v, [w0 + (2 * off + f)])
                            for f in range(2)
                        ]
                        for off in (0, 1, r, r + 1)
                    ]
                    o0, o1 = _lerp(e, wa, wb)
                    plsc.store_scatter(outb_v, [p32 + 2 * lvl], o0)
                    plsc.store_scatter(outb_v, [p32 + (2 * lvl + 1)], o1)
                return c

            lax.fori_loop(0, NJ, pass_b, 0)

            for li, lvl in enumerate(BIG):
                drain_level(li)
                if li + 2 < NBIG:
                    fire_level(li + 2)
                r = RES[lvl]

                def pass_c(j, c, li=li, lvl=lvl, r=r):
                    off16 = j * LANES
                    xa = x0_v[pl.ds(off16, LANES)]
                    xb = x1_v[pl.ds(off16, LANES)]
                    p32 = (off16 + iota) * 32
                    h, wa, wb = _level_math(xa, xb, lvl)
                    e = [
                        [
                            dst_v[li][pl.ds((2 * c4 + f) * S + off16, LANES)]
                            for f in range(2)
                        ]
                        for c4 in range(4)
                    ]
                    o0, o1 = _lerp(e, wa, wb)
                    plsc.store_scatter(outb_v, [p32 + 2 * lvl], o0)
                    plsc.store_scatter(outb_v, [p32 + (2 * lvl + 1)], o1)
                    return c

                lax.fori_loop(0, NJ, pass_c, 0)

            pltpu.sync_copy(outb_v, out_hbm.at[pl.ds(p0 * 32, S * 32)])
            return carry

        lax.fori_loop(0, nsb, subblock, 0)

    return pl.kernel(
        body,
        out_type=out_type,
        mesh=mesh,
        scratch_types=scratch,
        compiler_params=pltpu.CompilerParams(
            needs_layout_passes=False, use_tc_tiling_on_sc=False
        ),
    )


@functools.cache
def _cached_pallas(batch):
    return _make_pallas(batch)


def kernel(x, table_0, table_1, table_2, table_3, table_4, table_5, table_6,
           table_7, table_8, table_9, table_10, table_11, table_12,
           table_13, table_14, table_15):
    tables = [table_0, table_1, table_2, table_3, table_4, table_5, table_6,
              table_7, table_8, table_9, table_10, table_11, table_12,
              table_13, table_14, table_15]
    batch = x.shape[0]
    x0 = x[:, 0]
    x1 = x[:, 1]
    tsm = jnp.concatenate([tables[i].reshape(-1) for i in SMALL])
    big = [tables[i].T.reshape(-1) for i in BIG]
    (out_flat,) = _cached_pallas(batch)(x0, x1, tsm, *big)
    out = out_flat.reshape(batch, 32)
    idxs = []
    for lvl in range(N_LEVELS):
        r = RES[lvl]
        gs = jnp.array([IMG / float(r), IMG / float(r)], dtype=jnp.float32)
        bl = jnp.floor(x / gs).astype(jnp.int32)
        h = bl[:, 0] * r + bl[:, 1]
        offs = jnp.array([0, 1, r, r + 1], dtype=jnp.int32)
        idxs.append(h[:, None] + offs[None, :])
    return out, tuple(idxs)

# --- scband reference (transcript-rebuilt; emitter-appended) ---
"""Pipeline reference for scband-consistent-hash-embedder-63788854280735 (READ-ONLY COPY).

The authoritative reference and input builder live on the scoring server;
editing this copy changes nothing except your own understanding.
"""

import math
import jax, jax.numpy as jnp
import numpy as np

N_LEVELS = 16
NF = 2
LOG2T = 19
BASE = 16.0
FINEST = 512.0
IMG_H = 512.0
IMG_W = 512.0
B_GROWTH = math.exp((math.log(FINEST) - math.log(BASE)) / (N_LEVELS - 1))
RES = [math.floor(BASE * B_GROWTH ** i) for i in range(N_LEVELS)]
BATCH = 262144


def setup_inputs(seed: int = 0) -> dict:
    key = jax.random.key(seed)
    kx, key = jax.random.split(key)
    # pixel coordinates in [0, img_size); fill=rand scaled to image extent
    x = jax.random.uniform(kx, (BATCH, 2), dtype=jnp.float32, minval=0.0, maxval=511.0)
    inp = {"x": x}
    # learned hash tables per level, init uniform(-1e-4, 1e-4) as in the torch module.
    # with finest_resolution=512 and log2_hashmap_size=19, every level satisfies
    # (res+1)^2 <= 2^19, so table i has (RES[i]+1)^2 rows (one2one hash path).
    for i, r in enumerate(RES):
        key, k = jax.random.split(key)
        inp[f"table_{i}"] = jax.random.uniform(k, ((r + 1) ** 2, NF), dtype=jnp.float32, minval=-1e-4, maxval=1e-4)
    return inp


def _forward(x, tables):
    offset = jnp.array([[0, 0], [0, 1], [1, 0], [1, 1]], dtype=jnp.int32)
    outs = []
    idxs = []
    for i in range(N_LEVELS):
        res = float(RES[i])
        grid_size = jnp.array([IMG_H / res, IMG_W / res], dtype=jnp.float32)
        bl_f = jax.lax.stop_gradient(jnp.floor(x / grid_size))
        bl = bl_f.astype(jnp.int32)
        grid_min_vertex = bl_f * grid_size
        grid_max_vertex = grid_min_vertex + grid_size
        grid_indices = bl[:, None, :] + offset[None, :, :]  # B x 4 x 2
        # one2one hash: coords[...,0]*resolution + coords[...,1]
        hashed = grid_indices[..., 0] * RES[i] + grid_indices[..., 1]  # B x 4, int32
        grid_embedds = jnp.take(tables[i], hashed, axis=0)  # B x 4 x NF
        weights = (x - grid_min_vertex) / (grid_max_vertex - grid_min_vertex)
        c0 = grid_embedds[:, 0] * (1 - weights[:, 1][:, None]) + grid_embedds[:, 1] * weights[:, 1][:, None]
        c1 = grid_embedds[:, 2] * (1 - weights[:, 1][:, None]) + grid_embedds[:, 3] * weights[:, 1][:, None]
        c = c0 * (1 - weights[:, 0][:, None]) + c1 * weights[:, 0][:, None]
        outs.append(c)
        idxs.append(hashed)
    return jnp.concatenate(outs, axis=-1), tuple(idxs)


def reference(x, table_0, table_1, table_2, table_3, table_4, table_5, table_6,
              table_7, table_8, table_9, table_10, table_11, table_12,
              table_13, table_14, table_15):
    tb = [table_0, table_1, table_2, table_3, table_4, table_5, table_6,
          table_7, table_8, table_9, table_10, table_11, table_12,
          table_13, table_14, table_15]
    return _forward(x, tb)

if __name__ == "__main__":
    import jax
    _d = setup_inputs()
    print(jax.jit(kernel)(*tuple(_d.values())))

</pallas_src>

<mosaic_0001>
#map = affine_map<(d0, d1) -> (0)>
module attributes {stable_mosaic.version = 14 : i64} {
  func.func @body(%arg0: i32, %arg1: i32, %arg2: memref<262144xf32, #tpu.memory_space<hbm>>, %arg3: memref<262144xf32, #tpu.memory_space<hbm>>, %arg4: memref<89216xf32, #tpu.memory_space<hbm>>, %arg5: memref<52488xf32, #tpu.memory_space<hbm>>, %arg6: memref<83232xf32, #tpu.memory_space<hbm>>, %arg7: memref<132098xf32, #tpu.memory_space<hbm>>, %arg8: memref<208658xf32, #tpu.memory_space<hbm>>, %arg9: memref<331298xf32, #tpu.memory_space<hbm>>, %arg10: memref<526338xf32, #tpu.memory_space<hbm>>, %arg11: memref<8388608xf32, #tpu.memory_space<hbm>>, %arg12: memref<89216xf32, #tpu.memory_space<vmem>>, %arg13: memref<256xf32, #tpu.memory_space<vmem>>, %arg14: memref<256xf32, #tpu.memory_space<vmem>>, %arg15: memref<8192xf32, #tpu.memory_space<vmem>>, %arg16: memref<2048xi32, #tpu.memory_space<vmem>>, %arg17: memref<2048xi32, #tpu.memory_space<vmem>>, %arg18: memref<2048xi32, #tpu.memory_space<vmem>>, %arg19: memref<2048xi32, #tpu.memory_space<vmem>>, %arg20: memref<2048xi32, #tpu.memory_space<vmem>>, %arg21: memref<2048xi32, #tpu.memory_space<vmem>>, %arg22: memref<2048xf32, #tpu.memory_space<vmem>>, %arg23: memref<2048xf32, #tpu.memory_space<vmem>>, %arg24: memref<2048xf32, #tpu.memory_space<vmem>>, %arg25: memref<2048xf32, #tpu.memory_space<vmem>>, %arg26: memref<2048xf32, #tpu.memory_space<vmem>>, %arg27: memref<2048xf32, #tpu.memory_space<vmem>>, %arg28: memref<52488xf32, #tpu.memory_space<vmem_shared>>, %arg29: memref<83232xf32, #tpu.memory_space<vmem_shared>>, %arg30: memref<!tpu.dma_semaphore, #tpu.memory_space<semaphore_mem>>) attributes {dimension_semantics = [#tpu.dimension_semantics<core_parallel>, #tpu.dimension_semantics<subcore_parallel>], iteration_bounds = array<i64: 2, 16>, scalar_prefetch = 0 : i64, scratch_operands = 19 : i64, tpu.core_type = #tpu.core_type<sc_vector_subcore>, window_params = [{transform_indices = #map}, {transform_indices = #map}, {transform_indices = #map}, {transform_indices = #map}, {transform_indices = #map}, {transform_indices = #map}, {transform_indices = #map}, {transform_indices = #map}, {transform_indices = #map}, {transform_indices = #map}]} {
    %mul3A = arith.constant 2 : i32
    %mul3A_0 = arith.muli %arg1, %mul3A : i32
    %add3A = arith.addi %mul3A_0, %arg0 : i32
    %mul3A_1 = arith.constant 8192 : i32
    %mul3A_2 = arith.muli %add3A, %mul3A_1 : i32
    %iota3A = tpu.iota {dimensions = array<i32: 0>} : vector<16xi32>
    "tpu.region"() ({
      %run_scoped3A = tpu.sem_alloc : memref<!tpu.dma_semaphore, #tpu.memory_space<semaphore_mem>>
      tpu.enqueue_dma source(%arg4 : memref<89216xf32, #tpu.memory_space<hbm>>) target(%arg12 : memref<89216xf32, #tpu.memory_space<vmem>>) target_semaphore(%run_scoped3A : memref<!tpu.dma_semaphore, #tpu.memory_space<semaphore_mem>>)
      tpu.wait_dma2 semaphore(%run_scoped3A : memref<!tpu.dma_semaphore, #tpu.memory_space<semaphore_mem>>) src(%arg4 : memref<89216xf32, #tpu.memory_space<hbm>>) dst(%arg12 : memref<89216xf32, #tpu.memory_space<vmem>>)
      tpu.yield
    }) : () -> ()
    %eq3A = arith.constant 0 : i32
    %eq3A_3 = arith.cmpi eq, %arg1, %eq3A : i32
    %convert_element_type3A = arith.extui %eq3A_3 : i1 to i32
    %cond3A = arith.constant 0 : i32
    %cond3A_4 = arith.cmpi ne, %convert_element_type3A, %cond3A : i32
    scf.if %cond3A_4 {
      "tpu.region"() ({
        %run_scoped3A = tpu.sem_alloc : memref<!tpu.dma_semaphore, #tpu.memory_space<semaphore_mem>>
        tpu.enqueue_dma source(%arg5 : memref<52488xf32, #tpu.memory_space<hbm>>) target(%arg28 : memref<52488xf32, #tpu.memory_space<vmem_shared>>) target_semaphore(%run_scoped3A : memref<!tpu.dma_semaphore, #tpu.memory_space<semaphore_mem>>)
        tpu.wait_dma2 semaphore(%run_scoped3A : memref<!tpu.dma_semaphore, #tpu.memory_space<semaphore_mem>>) src(%arg5 : memref<52488xf32, #tpu.memory_space<hbm>>) dst(%arg28 : memref<52488xf32, #tpu.memory_space<vmem_shared>>)
        tpu.yield
      }) : () -> ()
      "tpu.region"() ({
        %run_scoped3A = tpu.sem_alloc : memref<!tpu.dma_semaphore, #tpu.memory_space<semaphore_mem>>
        tpu.enqueue_dma source(%arg6 : memref<83232xf32, #tpu.memory_space<hbm>>) target(%arg29 : memref<83232xf32, #tpu.memory_space<vmem_shared>>) target_semaphore(%run_scoped3A : memref<!tpu.dma_semaphore, #tpu.memory_space<semaphore_mem>>)
        tpu.wait_dma2 semaphore(%run_scoped3A : memref<!tpu.dma_semaphore, #tpu.memory_space<semaphore_mem>>) src(%arg6 : memref<83232xf32, #tpu.memory_space<hbm>>) dst(%arg29 : memref<83232xf32, #tpu.memory_space<vmem_shared>>)
        tpu.yield
      }) : () -> ()
    } else {
    }
    %barrier3A = arith.constant 0 : index
    tpu.barrier barrier_id(%barrier3A)
    %scan3A = arith.constant 0 : i32
    %scan3A_5 = arith.constant 0 : i32
    %scan3A_6 = arith.constant 32 : i32
    %scan3A_7 = arith.addi %scan3A_5, %scan3A_6 : i32
    %scan3A_8 = arith.constant 1 : i32
    scf.for %scan3A_10 = %scan3A_5 to %scan3A_7 step %scan3A_8  : i32 {
      %mul3A_11 = arith.constant 256 : i32
      %mul3A_12 = arith.muli %scan3A_10, %mul3A_11 : i32
      %add3A_13 = arith.addi %mul3A_2, %mul3A_12 : i32
      "tpu.region"() ({
        %run_scoped3A = tpu.sem_alloc : memref<!tpu.dma_semaphore, #tpu.memory_space<semaphore_mem>>
        %dma_start3A = tpu.memref_slice %arg2[%add3A_13] : memref<262144xf32, #tpu.memory_space<hbm>> -> memref<256xf32, #tpu.memory_space<hbm>>
        %dma_start3A_136 = tpu.memref_slice %arg2[%add3A_13] : memref<262144xf32, #tpu.memory_space<hbm>> -> memref<256xf32, #tpu.memory_space<hbm>>
        tpu.enqueue_dma source(%dma_start3A_136 : memref<256xf32, #tpu.memory_space<hbm>>) target(%arg13 : memref<256xf32, #tpu.memory_space<vmem>>) target_semaphore(%run_scoped3A : memref<!tpu.dma_semaphore, #tpu.memory_space<semaphore_mem>>)
        %dma_wait3A = tpu.memref_slice %arg2[%add3A_13] : memref<262144xf32, #tpu.memory_space<hbm>> -> memref<256xf32, #tpu.memory_space<hbm>>
        %dma_wait3A_137 = tpu.memref_slice %arg2[%add3A_13] : memref<262144xf32, #tpu.memory_space<hbm>> -> memref<256xf32, #tpu.memory_space<hbm>>
        tpu.wait_dma2 semaphore(%run_scoped3A : memref<!tpu.dma_semaphore, #tpu.memory_space<semaphore_mem>>) src(%dma_wait3A_137 : memref<256xf32, #tpu.memory_space<hbm>>) dst(%arg13 : memref<256xf32, #tpu.memory_space<vmem>>)
        tpu.yield
      }) : () -> ()
      "tpu.region"() ({
        %run_scoped3A = tpu.sem_alloc : memref<!tpu.dma_semaphore, #tpu.memory_space<semaphore_mem>>
        %dma_start3A = tpu.memref_slice %arg3[%add3A_13] : memref<262144xf32, #tpu.memory_space<hbm>> -> memref<256xf32, #tpu.memory_space<hbm>>
        %dma_start3A_136 = tpu.memref_slice %arg3[%add3A_13] : memref<262144xf32, #tpu.memory_space<hbm>> -> memref<256xf32, #tpu.memory_space<hbm>>
        tpu.enqueue_dma source(%dma_start3A_136 : memref<256xf32, #tpu.memory_space<hbm>>) target(%arg14 : memref<256xf32, #tpu.memory_space<vmem>>) target_semaphore(%run_scoped3A : memref<!tpu.dma_semaphore, #tpu.memory_space<semaphore_mem>>)
        %dma_wait3A = tpu.memref_slice %arg3[%add3A_13] : memref<262144xf32, #tpu.memory_space<hbm>> -> memref<256xf32, #tpu.memory_space<hbm>>
        %dma_wait3A_137 = tpu.memref_slice %arg3[%add3A_13] : memref<262144xf32, #tpu.memory_space<hbm>> -> memref<256xf32, #tpu.memory_space<hbm>>
        tpu.wait_dma2 semaphore(%run_scoped3A : memref<!tpu.dma_semaphore, #tpu.memory_space<semaphore_mem>>) src(%dma_wait3A_137 : memref<256xf32, #tpu.memory_space<hbm>>) dst(%arg14 : memref<256xf32, #tpu.memory_space<vmem>>)
        tpu.yield
      }) : () -> ()
      %scan3A_14 = arith.constant 0 : i32
      %scan3A_15 = arith.constant 0 : i32
      %scan3A_16 = arith.constant 16 : i32
      %scan3A_17 = arith.addi %scan3A_15, %scan3A_16 : i32
      %scan3A_18 = arith.constant 1 : i32
      scf.for %scan3A_136 = %scan3A_15 to %scan3A_17 step %scan3A_18  : i32 {
        %mul3A_137 = arith.constant 16 : i32
        %mul3A_138 = arith.muli %scan3A_136, %mul3A_137 : i32
        %get3A = arith.index_cast %mul3A_138 : i32 to index
        %get3A_139 = tpu.vector_load %arg13[%get3A] {strides = array<i32>} : memref<256xf32, #tpu.memory_space<vmem>>, vector<16xf32>,
        %get3A_140 = arith.index_cast %mul3A_138 : i32 to index
        %get3A_141 = tpu.vector_load %arg14[%get3A_140] {strides = array<i32>} : memref<256xf32, #tpu.memory_space<vmem>>, vector<16xf32>,
        %mul3A_142 = arith.constant 0.314453125 : f32
        %mul3A_143 = vector.broadcast %mul3A_142 : f32 to vector<16xf32>
        %mul3A_144 = arith.mulf %get3A_139, %mul3A_143 : vector<16xf32>
        %convert_element_type3A_145 = arith.fptosi %mul3A_144 : vector<16xf32> to vector<16xi32>
        %mul3A_146 = arith.constant 0.314453125 : f32
        %mul3A_147 = vector.broadcast %mul3A_146 : f32 to vector<16xf32>
        %mul3A_148 = arith.mulf %get3A_141, %mul3A_147 : vector<16xf32>
        %convert_element_type3A_149 = arith.fptosi %mul3A_148 : vector<16xf32> to vector<16xi32>
        %mul3A_150 = arith.constant 161 : i32
        %mul3A_151 = vector.broadcast %mul3A_150 : i32 to vector<16xi32>
        %mul3A_152 = arith.muli %convert_element_type3A_145, %mul3A_151 : vector<16xi32>
        %add3A_153 = arith.addi %mul3A_152, %convert_element_type3A_149 : vector<16xi32>
        %add3A_154 = arith.constant 0 : i32
        %add3A_155 = vector.broadcast %add3A_154 : i32 to vector<16xi32>
        %add3A_156 = arith.addi %add3A_153, %add3A_155 : vector<16xi32>
        %add3A_157 = arith.constant 0 : i32
        %add3A_158 = arith.addi %add3A_157, %mul3A_138 : i32
        %swap3A = arith.index_cast %add3A_158 : i32 to index
        %swap3A_159 = tpu.vector_load %arg16[%swap3A] {strides = array<i32>} : memref<2048xi32, #tpu.memory_space<vmem>>, vector<16xi32>,
        tpu.vector_store %arg16[%swap3A], %add3A_156 {strides = array<i32>} : memref<2048xi32, #tpu.memory_space<vmem>>, vector<16xi32>,
        %add3A_160 = arith.constant 26244 : i32
        %add3A_161 = vector.broadcast %add3A_160 : i32 to vector<16xi32>
        %add3A_162 = arith.addi %add3A_153, %add3A_161 : vector<16xi32>
        %add3A_163 = arith.constant 256 : i32
        %add3A_164 = arith.addi %add3A_163, %mul3A_138 : i32
        %swap3A_165 = arith.index_cast %add3A_164 : i32 to index
        %swap3A_166 = tpu.vector_load %arg16[%swap3A_165] {strides = array<i32>} : memref<2048xi32, #tpu.memory_space<vmem>>, vector<16xi32>,
        tpu.vector_store %arg16[%swap3A_165], %add3A_162 {strides = array<i32>} : memref<2048xi32, #tpu.memory_space<vmem>>, vector<16xi32>,
        %add3A_167 = arith.constant 1 : i32
        %add3A_168 = vector.broadcast %add3A_167 : i32 to vector<16xi32>
        %add3A_169 = arith.addi %add3A_153, %add3A_168 : vector<16xi32>
        %add3A_170 = arith.constant 512 : i32
        %add3A_171 = arith.addi %add3A_170, %mul3A_138 : i32
        %swap3A_172 = arith.index_cast %add3A_171 : i32 to index
        %swap3A_173 = tpu.vector_load %arg16[%swap3A_172] {strides = array<i32>} : memref<2048xi32, #tpu.memory_space<vmem>>, vector<16xi32>,
        tpu.vector_store %arg16[%swap3A_172], %add3A_169 {strides = array<i32>} : memref<2048xi32, #tpu.memory_space<vmem>>, vector<16xi32>,
        %add3A_174 = arith.constant 26245 : i32
        %add3A_175 = vector.broadcast %add3A_174 : i32 to vector<16xi32>
        %add3A_176 = arith.addi %add3A_153, %add3A_175 : vector<16xi32>
        %add3A_177 = arith.constant 768 : i32
        %add3A_178 = arith.addi %add3A_177, %mul3A_138 : i32
        %swap3A_179 = arith.index_cast %add3A_178 : i32 to index
        %swap3A_180 = tpu.vector_load %arg16[%swap3A_179] {strides = array<i32>} : memref<2048xi32, #tpu.memory_space<vmem>>, vector<16xi32>,
        tpu.vector_store %arg16[%swap3A_179], %add3A_176 {strides = array<i32>} : memref<2048xi32, #tpu.memory_space<vmem>>, vector<16xi32>,
        %add3A_181 = arith.constant 161 : i32
        %add3A_182 = vector.broadcast %add3A_181 : i32 to vector<16xi32>
        %add3A_183 = arith.addi %add3A_153, %add3A_182 : vector<16xi32>
        %add3A_184 = arith.constant 1024 : i32
        %add3A_185 = arith.addi %add3A_184, %mul3A_138 : i32
        %swap3A_186 = arith.index_cast %add3A_185 : i32 to index
        %swap3A_187 = tpu.vector_load %arg16[%swap3A_186] {strides = array<i32>} : memref<2048xi32, #tpu.memory_space<vmem>>, vector<16xi32>,
        tpu.vector_store %arg16[%swap3A_186], %add3A_183 {strides = array<i32>} : memref<2048xi32, #tpu.memory_space<vmem>>, vector<16xi32>,
        %add3A_188 = arith.constant 26405 : i32
        %add3A_189 = vector.broadcast %add3A_188 : i32 to vector<16xi32>
        %add3A_190 = arith.addi %add3A_153, %add3A_189 : vector<16xi32>
        %add3A_191 = arith.constant 1280 : i32
        %add3A_192 = arith.addi %add3A_191, %mul3A_138 : i32
        %swap3A_193 = arith.index_cast %add3A_192 : i32 to index
        %swap3A_194 = tpu.vector_load %arg16[%swap3A_193] {strides = array<i32>} : memref<2048xi32, #tpu.memory_space<vmem>>, vector<16xi32>,
        tpu.vector_store %arg16[%swap3A_193], %add3A_190 {strides = array<i32>} : memref<2048xi32, #tpu.memory_space<vmem>>, vector<16xi32>,
        %add3A_195 = arith.constant 162 : i32
        %add3A_196 = vector.broadcast %add3A_195 : i32 to vector<16xi32>
        %add3A_197 = arith.addi %add3A_153, %add3A_196 : vector<16xi32>
        %add3A_198 = arith.constant 1536 : i32
        %add3A_199 = arith.addi %add3A_198, %mul3A_138 : i32
        %swap3A_200 = arith.index_cast %add3A_199 : i32 to index
        %swap3A_201 = tpu.vector_load %arg16[%swap3A_200] {strides = array<i32>} : memref<2048xi32, #tpu.memory_space<vmem>>, vector<16xi32>,
        tpu.vector_store %arg16[%swap3A_200], %add3A_197 {strides = array<i32>} : memref<2048xi32, #tpu.memory_space<vmem>>, vector<16xi32>,
        %add3A_202 = arith.constant 26406 : i32
        %add3A_203 = vector.broadcast %add3A_202 : i32 to vector<16xi32>
        %add3A_204 = arith.addi %add3A_153, %add3A_203 : vector<16xi32>
        %add3A_205 = arith.constant 1792 : i32
        %add3A_206 = arith.addi %add3A_205, %mul3A_138 : i32
        %swap3A_207 = arith.index_cast %add3A_206 : i32 to index
        %swap3A_208 = tpu.vector_load %arg16[%swap3A_207] {strides = array<i32>} : memref<2048xi32, #tpu.memory_space<vmem>>, vector<16xi32>,
        tpu.vector_store %arg16[%swap3A_207], %add3A_204 {strides = array<i32>} : memref<2048xi32, #tpu.memory_space<vmem>>, vector<16xi32>,
        %mul3A_209 = arith.constant 0.396484375 : f32
        %mul3A_210 = vector.broadcast %mul3A_209 : f32 to vector<16xf32>
        %mul3A_211 = arith.mulf %get3A_139, %mul3A_210 : vector<16xf32>
        %convert_element_type3A_212 = arith.fptosi %mul3A_211 : vector<16xf32> to vector<16xi32>
        %mul3A_213 = arith.constant 0.396484375 : f32
        %mul3A_214 = vector.broadcast %mul3A_213 : f32 to vector<16xf32>
        %mul3A_215 = arith.mulf %get3A_141, %mul3A_214 : vector<16xf32>
        %convert_element_type3A_216 = arith.fptosi %mul3A_215 : vector<16xf32> to vector<16xi32>
        %mul3A_217 = arith.constant 203 : i32
        %mul3A_218 = vector.broadcast %mul3A_217 : i32 to vector<16xi32>
        %mul3A_219 = arith.muli %convert_element_type3A_212, %mul3A_218 : vector<16xi32>
        %add3A_220 = arith.addi %mul3A_219, %convert_element_type3A_216 : vector<16xi32>
        %add3A_221 = arith.constant 0 : i32
        %add3A_222 = vector.broadcast %add3A_221 : i32 to vector<16xi32>
        %add3A_223 = arith.addi %add3A_220, %add3A_222 : vector<16xi32>
        %add3A_224 = arith.constant 0 : i32
        %add3A_225 = arith.addi %add3A_224, %mul3A_138 : i32
        %swap3A_226 = arith.index_cast %add3A_225 : i32 to index
        %swap3A_227 = tpu.vector_load %arg17[%swap3A_226] {strides = array<i32>} : memref<2048xi32, #tpu.memory_space<vmem>>, vector<16xi32>,
        tpu.vector_store %arg17[%swap3A_226], %add3A_223 {strides = array<i32>} : memref<2048xi32, #tpu.memory_space<vmem>>, vector<16xi32>,
        %add3A_228 = arith.constant 41616 : i32
        %add3A_229 = vector.broadcast %add3A_228 : i32 to vector<16xi32>
        %add3A_230 = arith.addi %add3A_220, %add3A_229 : vector<16xi32>
        %add3A_231 = arith.constant 256 : i32
        %add3A_232 = arith.addi %add3A_231, %mul3A_138 : i32
        %swap3A_233 = arith.index_cast %add3A_232 : i32 to index
        %swap3A_234 = tpu.vector_load %arg17[%swap3A_233] {strides = array<i32>} : memref<2048xi32, #tpu.memory_space<vmem>>, vector<16xi32>,
        tpu.vector_store %arg17[%swap3A_233], %add3A_230 {strides = array<i32>} : memref<2048xi32, #tpu.memory_space<vmem>>, vector<16xi32>,
        %add3A_235 = arith.constant 1 : i32
        %add3A_236 = vector.broadcast %add3A_235 : i32 to vector<16xi32>
        %add3A_237 = arith.addi %add3A_220, %add3A_236 : vector<16xi32>
        %add3A_238 = arith.constant 512 : i32
        %add3A_239 = arith.addi %add3A_238, %mul3A_138 : i32
        %swap3A_240 = arith.index_cast %add3A_239 : i32 to index
        %swap3A_241 = tpu.vector_load %arg17[%swap3A_240] {strides = array<i32>} : memref<2048xi32, #tpu.memory_space<vmem>>, vector<16xi32>,
        tpu.vector_store %arg17[%swap3A_240], %add3A_237 {strides = array<i32>} : memref<2048xi32, #tpu.memory_space<vmem>>, vector<16xi32>,
        %add3A_242 = arith.constant 41617 : i32
        %add3A_243 = vector.broadcast %add3A_242 : i32 to vector<16xi32>
        %add3A_244 = arith.addi %add3A_220, %add3A_243 : vector<16xi32>
        %add3A_245 = arith.constant 768 : i32
        %add3A_246 = arith.addi %add3A_245, %mul3A_138 : i32
        %swap3A_247 = arith.index_cast %add3A_246 : i32 to index
        %swap3A_248 = tpu.vector_load %arg17[%swap3A_247] {strides = array<i32>} : memref<2048xi32, #tpu.memory_space<vmem>>, vector<16xi32>,
        tpu.vector_store %arg17[%swap3A_247], %add3A_244 {strides = array<i32>} : memref<2048xi32, #tpu.memory_space<vmem>>, vector<16xi32>,
        %add3A_249 = arith.constant 203 : i32
        %add3A_250 = vector.broadcast %add3A_249 : i32 to vector<16xi32>
        %add3A_251 = arith.addi %add3A_220, %add3A_250 : vector<16xi32>
        %add3A_252 = arith.constant 1024 : i32
        %add3A_253 = arith.addi %add3A_252, %mul3A_138 : i32
        %swap3A_254 = arith.index_cast %add3A_253 : i32 to index
        %swap3A_255 = tpu.vector_load %arg17[%swap3A_254] {strides = array<i32>} : memref<2048xi32, #tpu.memory_space<vmem>>, vector<16xi32>,
        tpu.vector_store %arg17[%swap3A_254], %add3A_251 {strides = array<i32>} : memref<2048xi32, #tpu.memory_space<vmem>>, vector<16xi32>,
        %add3A_256 = arith.constant 41819 : i32
        %add3A_257 = vector.broadcast %add3A_256 : i32 to vector<16xi32>
        %add3A_258 = arith.addi %add3A_220, %add3A_257 : vector<16xi32>
        %add3A_259 = arith.constant 1280 : i32
        %add3A_260 = arith.addi %add3A_259, %mul3A_138 : i32
        %swap3A_261 = arith.index_cast %add3A_260 : i32 to index
        %swap3A_262 = tpu.vector_load %arg17[%swap3A_261] {strides = array<i32>} : memref<2048xi32, #tpu.memory_space<vmem>>, vector<16xi32>,
        tpu.vector_store %arg17[%swap3A_261], %add3A_258 {strides = array<i32>} : memref<2048xi32, #tpu.memory_space<vmem>>, vector<16xi32>,
        %add3A_263 = arith.constant 204 : i32
        %add3A_264 = vector.broadcast %add3A_263 : i32 to vector<16xi32>
        %add3A_265 = arith.addi %add3A_220, %add3A_264 : vector<16xi32>
        %add3A_266 = arith.constant 1536 : i32
        %add3A_267 = arith.addi %add3A_266, %mul3A_138 : i32
        %swap3A_268 = arith.index_cast %add3A_267 : i32 to index
        %swap3A_269 = tpu.vector_load %arg17[%swap3A_268] {strides = array<i32>} : memref<2048xi32, #tpu.memory_space<vmem>>, vector<16xi32>,
        tpu.vector_store %arg17[%swap3A_268], %add3A_265 {strides = array<i32>} : memref<2048xi32, #tpu.memory_space<vmem>>, vector<16xi32>,
        %add3A_270 = arith.constant 41820 : i32
        %add3A_271 = vector.broadcast %add3A_270 : i32 to vector<16xi32>
        %add3A_272 = arith.addi %add3A_220, %add3A_271 : vector<16xi32>
        %add3A_273 = arith.constant 1792 : i32
        %add3A_274 = arith.addi %add3A_273, %mul3A_138 : i32
        %swap3A_275 = arith.index_cast %add3A_274 : i32 to index
        %swap3A_276 = tpu.vector_load %arg17[%swap3A_275] {strides = array<i32>} : memref<2048xi32, #tpu.memory_space<vmem>>, vector<16xi32>,
        tpu.vector_store %arg17[%swap3A_275], %add3A_272 {strides = array<i32>} : memref<2048xi32, #tpu.memory_space<vmem>>, vector<16xi32>,
        %mul3A_277 = arith.constant 5.000000e-01 : f32
        %mul3A_278 = vector.broadcast %mul3A_277 : f32 to vector<16xf32>
        %mul3A_279 = arith.mulf %get3A_139, %mul3A_278 : vector<16xf32>
        %convert_element_type3A_280 = arith.fptosi %mul3A_279 : vector<16xf32> to vector<16xi32>
        %mul3A_281 = arith.constant 5.000000e-01 : f32
        %mul3A_282 = vector.broadcast %mul3A_281 : f32 to vector<16xf32>
        %mul3A_283 = arith.mulf %get3A_141, %mul3A_282 : vector<16xf32>
        %convert_element_type3A_284 = arith.fptosi %mul3A_283 : vector<16xf32> to vector<16xi32>
        %mul3A_285 = arith.constant 256 : i32
        %mul3A_286 = vector.broadcast %mul3A_285 : i32 to vector<16xi32>
        %mul3A_287 = arith.muli %convert_element_type3A_280, %mul3A_286 : vector<16xi32>
        %add3A_288 = arith.addi %mul3A_287, %convert_element_type3A_284 : vector<16xi32>
        %add3A_289 = arith.constant 0 : i32
        %add3A_290 = vector.broadcast %add3A_289 : i32 to vector<16xi32>
        %add3A_291 = arith.addi %add3A_288, %add3A_290 : vector<16xi32>
        %add3A_292 = arith.constant 0 : i32
        %add3A_293 = arith.addi %add3A_292, %mul3A_138 : i32
        %swap3A_294 = arith.index_cast %add3A_293 : i32 to index
        %swap3A_295 = tpu.vector_load %arg18[%swap3A_294] {strides = array<i32>} : memref<2048xi32, #tpu.memory_space<vmem>>, vector<16xi32>,
        tpu.vector_store %arg18[%swap3A_294], %add3A_291 {strides = array<i32>} : memref<2048xi32, #tpu.memory_space<vmem>>, vector<16xi32>,
        %add3A_296 = arith.constant 66049 : i32
        %add3A_297 = vector.broadcast %add3A_296 : i32 to vector<16xi32>
        %add3A_298 = arith.addi %add3A_288, %add3A_297 : vector<16xi32>
        %add3A_299 = arith.constant 256 : i32
        %add3A_300 = arith.addi %add3A_299, %mul3A_138 : i32
        %swap3A_301 = arith.index_cast %add3A_300 : i32 to index
        %swap3A_302 = tpu.vector_load %arg18[%swap3A_301] {strides = array<i32>} : memref<2048xi32, #tpu.memory_space<vmem>>, vector<16xi32>,
        tpu.vector_store %arg18[%swap3A_301], %add3A_298 {strides = array<i32>} : memref<2048xi32, #tpu.memory_space<vmem>>, vector<16xi32>,
        %add3A_303 = arith.constant 1 : i32
        %add3A_304 = vector.broadcast %add3A_303 : i32 to vector<16xi32>
        %add3A_305 = arith.addi %add3A_288, %add3A_304 : vector<16xi32>
        %add3A_306 = arith.constant 512 : i32
        %add3A_307 = arith.addi %add3A_306, %mul3A_138 : i32
        %swap3A_308 = arith.index_cast %add3A_307 : i32 to index
        %swap3A_309 = tpu.vector_load %arg18[%swap3A_308] {strides = array<i32>} : memref<2048xi32, #tpu.memory_space<vmem>>, vector<16xi32>,
        tpu.vector_store %arg18[%swap3A_308], %add3A_305 {strides = array<i32>} : memref<2048xi32, #tpu.memory_space<vmem>>, vector<16xi32>,
        %add3A_310 = arith.constant 66050 : i32
        %add3A_311 = vector.broadcast %add3A_310 : i32 to vector<16xi32>
        %add3A_312 = arith.addi %add3A_288, %add3A_311 : vector<16xi32>
        %add3A_313 = arith.constant 768 : i32
        %add3A_314 = arith.addi %add3A_313, %mul3A_138 : i32
        %swap3A_315 = arith.index_cast %add3A_314 : i32 to index
        %swap3A_316 = tpu.vector_load %arg18[%swap3A_315] {strides = array<i32>} : memref<2048xi32, #tpu.memory_space<vmem>>, vector<16xi32>,
        tpu.vector_store %arg18[%swap3A_315], %add3A_312 {strides = array<i32>} : memref<2048xi32, #tpu.memory_space<vmem>>, vector<16xi32>,
        %add3A_317 = arith.constant 256 : i32
        %add3A_318 = vector.broadcast %add3A_317 : i32 to vector<16xi32>
        %add3A_319 = arith.addi %add3A_288, %add3A_318 : vector<16xi32>
        %add3A_320 = arith.constant 1024 : i32
        %add3A_321 = arith.addi %add3A_320, %mul3A_138 : i32
        %swap3A_322 = arith.index_cast %add3A_321 : i32 to index
        %swap3A_323 = tpu.vector_load %arg18[%swap3A_322] {strides = array<i32>} : memref<2048xi32, #tpu.memory_space<vmem>>, vector<16xi32>,
        tpu.vector_store %arg18[%swap3A_322], %add3A_319 {strides = array<i32>} : memref<2048xi32, #tpu.memory_space<vmem>>, vector<16xi32>,
        %add3A_324 = arith.constant 66305 : i32
        %add3A_325 = vector.broadcast %add3A_324 : i32 to vector<16xi32>
        %add3A_326 = arith.addi %add3A_288, %add3A_325 : vector<16xi32>
        %add3A_327 = arith.constant 1280 : i32
        %add3A_328 = arith.addi %add3A_327, %mul3A_138 : i32
        %swap3A_329 = arith.index_cast %add3A_328 : i32 to index
        %swap3A_330 = tpu.vector_load %arg18[%swap3A_329] {strides = array<i32>} : memref<2048xi32, #tpu.memory_space<vmem>>, vector<16xi32>,
        tpu.vector_store %arg18[%swap3A_329], %add3A_326 {strides = array<i32>} : memref<2048xi32, #tpu.memory_space<vmem>>, vector<16xi32>,
        %add3A_331 = arith.constant 257 : i32
        %add3A_332 = vector.broadcast %add3A_331 : i32 to vector<16xi32>
        %add3A_333 = arith.addi %add3A_288, %add3A_332 : vector<16xi32>
        %add3A_334 = arith.constant 1536 : i32
        %add3A_335 = arith.addi %add3A_334, %mul3A_138 : i32
        %swap3A_336 = arith.index_cast %add3A_335 : i32 to index
        %swap3A_337 = tpu.vector_load %arg18[%swap3A_336] {strides = array<i32>} : memref<2048xi32, #tpu.memory_space<vmem>>, vector<16xi32>,
        tpu.vector_store %arg18[%swap3A_336], %add3A_333 {strides = array<i32>} : memref<2048xi32, #tpu.memory_space<vmem>>, vector<16xi32>,
        %add3A_338 = arith.constant 66306 : i32
        %add3A_339 = vector.broadcast %add3A_338 : i32 to vector<16xi32>
        %add3A_340 = arith.addi %add3A_288, %add3A_339 : vector<16xi32>
        %add3A_341 = arith.constant 1792 : i32
        %add3A_342 = arith.addi %add3A_341, %mul3A_138 : i32
        %swap3A_343 = arith.index_cast %add3A_342 : i32 to index
        %swap3A_344 = tpu.vector_load %arg18[%swap3A_343] {strides = array<i32>} : memref<2048xi32, #tpu.memory_space<vmem>>, vector<16xi32>,
        tpu.vector_store %arg18[%swap3A_343], %add3A_340 {strides = array<i32>} : memref<2048xi32, #tpu.memory_space<vmem>>, vector<16xi32>,
        %mul3A_345 = arith.constant 0.62890625 : f32
        %mul3A_346 = vector.broadcast %mul3A_345 : f32 to vector<16xf32>
        %mul3A_347 = arith.mulf %get3A_139, %mul3A_346 : vector<16xf32>
        %convert_element_type3A_348 = arith.fptosi %mul3A_347 : vector<16xf32> to vector<16xi32>
        %mul3A_349 = arith.constant 0.62890625 : f32
        %mul3A_350 = vector.broadcast %mul3A_349 : f32 to vector<16xf32>
        %mul3A_351 = arith.mulf %get3A_141, %mul3A_350 : vector<16xf32>
        %convert_element_type3A_352 = arith.fptosi %mul3A_351 : vector<16xf32> to vector<16xi32>
        %mul3A_353 = arith.constant 322 : i32
        %mul3A_354 = vector.broadcast %mul3A_353 : i32 to vector<16xi32>
        %mul3A_355 = arith.muli %convert_element_type3A_348, %mul3A_354 : vector<16xi32>
        %add3A_356 = arith.addi %mul3A_355, %convert_element_type3A_352 : vector<16xi32>
        %add3A_357 = arith.constant 0 : i32
        %add3A_358 = vector.broadcast %add3A_357 : i32 to vector<16xi32>
        %add3A_359 = arith.addi %add3A_356, %add3A_358 : vector<16xi32>
        %add3A_360 = arith.constant 0 : i32
        %add3A_361 = arith.addi %add3A_360, %mul3A_138 : i32
        %swap3A_362 = arith.index_cast %add3A_361 : i32 to index
        %swap3A_363 = tpu.vector_load %arg19[%swap3A_362] {strides = array<i32>} : memref<2048xi32, #tpu.memory_space<vmem>>, vector<16xi32>,
        tpu.vector_store %arg19[%swap3A_362], %add3A_359 {strides = array<i32>} : memref<2048xi32, #tpu.memory_space<vmem>>, vector<16xi32>,
        %add3A_364 = arith.constant 104329 : i32
        %add3A_365 = vector.broadcast %add3A_364 : i32 to vector<16xi32>
        %add3A_366 = arith.addi %add3A_356, %add3A_365 : vector<16xi32>
        %add3A_367 = arith.constant 256 : i32
        %add3A_368 = arith.addi %add3A_367, %mul3A_138 : i32
        %swap3A_369 = arith.index_cast %add3A_368 : i32 to index
        %swap3A_370 = tpu.vector_load %arg19[%swap3A_369] {strides = array<i32>} : memref<2048xi32, #tpu.memory_space<vmem>>, vector<16xi32>,
        tpu.vector_store %arg19[%swap3A_369], %add3A_366 {strides = array<i32>} : memref<2048xi32, #tpu.memory_space<vmem>>, vector<16xi32>,
        %add3A_371 = arith.constant 1 : i32
        %add3A_372 = vector.broadcast %add3A_371 : i32 to vector<16xi32>
        %add3A_373 = arith.addi %add3A_356, %add3A_372 : vector<16xi32>
        %add3A_374 = arith.constant 512 : i32
        %add3A_375 = arith.addi %add3A_374, %mul3A_138 : i32
        %swap3A_376 = arith.index_cast %add3A_375 : i32 to index
        %swap3A_377 = tpu.vector_load %arg19[%swap3A_376] {strides = array<i32>} : memref<2048xi32, #tpu.memory_space<vmem>>, vector<16xi32>,
        tpu.vector_store %arg19[%swap3A_376], %add3A_373 {strides = array<i32>} : memref<2048xi32, #tpu.memory_space<vmem>>, vector<16xi32>,
        %add3A_378 = arith.constant 104330 : i32
        %add3A_379 = vector.broadcast %add3A_378 : i32 to vector<16xi32>
        %add3A_380 = arith.addi %add3A_356, %add3A_379 : vector<16xi32>
        %add3A_381 = arith.constant 768 : i32
        %add3A_382 = arith.addi %add3A_381, %mul3A_138 : i32
        %swap3A_383 = arith.index_cast %add3A_382 : i32 to index
        %swap3A_384 = tpu.vector_load %arg19[%swap3A_383] {strides = array<i32>} : memref<2048xi32, #tpu.memory_space<vmem>>, vector<16xi32>,
        tpu.vector_store %arg19[%swap3A_383], %add3A_380 {strides = array<i32>} : memref<2048xi32, #tpu.memory_space<vmem>>, vector<16xi32>,
        %add3A_385 = arith.constant 322 : i32
        %add3A_386 = vector.broadcast %add3A_385 : i32 to vector<16xi32>
        %add3A_387 = arith.addi %add3A_356, %add3A_386 : vector<16xi32>
        %add3A_388 = arith.constant 1024 : i32
        %add3A_389 = arith.addi %add3A_388, %mul3A_138 : i32
        %swap3A_390 = arith.index_cast %add3A_389 : i32 to index
        %swap3A_391 = tpu.vector_load %arg19[%swap3A_390] {strides = array<i32>} : memref<2048xi32, #tpu.memory_space<vmem>>, vector<16xi32>,
        tpu.vector_store %arg19[%swap3A_390], %add3A_387 {strides = array<i32>} : memref<2048xi32, #tpu.memory_space<vmem>>, vector<16xi32>,
        %add3A_392 = arith.constant 104651 : i32
        %add3A_393 = vector.broadcast %add3A_392 : i32 to vector<16xi32>
        %add3A_394 = arith.addi %add3A_356, %add3A_393 : vector<16xi32>
        %add3A_395 = arith.constant 1280 : i32
        %add3A_396 = arith.addi %add3A_395, %mul3A_138 : i32
        %swap3A_397 = arith.index_cast %add3A_396 : i32 to index
        %swap3A_398 = tpu.vector_load %arg19[%swap3A_397] {strides = array<i32>} : memref<2048xi32, #tpu.memory_space<vmem>>, vector<16xi32>,
        tpu.vector_store %arg19[%swap3A_397], %add3A_394 {strides = array<i32>} : memref<2048xi32, #tpu.memory_space<vmem>>, vector<16xi32>,
        %add3A_399 = arith.constant 323 : i32
        %add3A_400 = vector.broadcast %add3A_399 : i32 to vector<16xi32>
        %add3A_401 = arith.addi %add3A_356, %add3A_400 : vector<16xi32>
        %add3A_402 = arith.constant 1536 : i32
        %add3A_403 = arith.addi %add3A_402, %mul3A_138 : i32
        %swap3A_404 = arith.index_cast %add3A_403 : i32 to index
        %swap3A_405 = tpu.vector_load %arg19[%swap3A_404] {strides = array<i32>} : memref<2048xi32, #tpu.memory_space<vmem>>, vector<16xi32>,
        tpu.vector_store %arg19[%swap3A_404], %add3A_401 {strides = array<i32>} : memref<2048xi32, #tpu.memory_space<vmem>>, vector<16xi32>,
        %add3A_406 = arith.constant 104652 : i32
        %add3A_407 = vector.broadcast %add3A_406 : i32 to vector<16xi32>
        %add3A_408 = arith.addi %add3A_356, %add3A_407 : vector<16xi32>
        %add3A_409 = arith.constant 1792 : i32
        %add3A_410 = arith.addi %add3A_409, %mul3A_138 : i32
        %swap3A_411 = arith.index_cast %add3A_410 : i32 to index
        %swap3A_412 = tpu.vector_load %arg19[%swap3A_411] {strides = array<i32>} : memref<2048xi32, #tpu.memory_space<vmem>>, vector<16xi32>,
        tpu.vector_store %arg19[%swap3A_411], %add3A_408 {strides = array<i32>} : memref<2048xi32, #tpu.memory_space<vmem>>, vector<16xi32>,
        %mul3A_413 = arith.constant 0.79296875 : f32
        %mul3A_414 = vector.broadcast %mul3A_413 : f32 to vector<16xf32>
        %mul3A_415 = arith.mulf %get3A_139, %mul3A_414 : vector<16xf32>
        %convert_element_type3A_416 = arith.fptosi %mul3A_415 : vector<16xf32> to vector<16xi32>
        %mul3A_417 = arith.constant 0.79296875 : f32
        %mul3A_418 = vector.broadcast %mul3A_417 : f32 to vector<16xf32>
        %mul3A_419 = arith.mulf %get3A_141, %mul3A_418 : vector<16xf32>
        %convert_element_type3A_420 = arith.fptosi %mul3A_419 : vector<16xf32> to vector<16xi32>
        %mul3A_421 = arith.constant 406 : i32
        %mul3A_422 = vector.broadcast %mul3A_421 : i32 to vector<16xi32>
        %mul3A_423 = arith.muli %convert_element_type3A_416, %mul3A_422 : vector<16xi32>
        %add3A_424 = arith.addi %mul3A_423, %convert_element_type3A_420 : vector<16xi32>
        %add3A_425 = arith.constant 0 : i32
        %add3A_426 = vector.broadcast %add3A_425 : i32 to vector<16xi32>
        %add3A_427 = arith.addi %add3A_424, %add3A_426 : vector<16xi32>
        %add3A_428 = arith.constant 0 : i32
        %add3A_429 = arith.addi %add3A_428, %mul3A_138 : i32
        %swap3A_430 = arith.index_cast %add3A_429 : i32 to index
        %swap3A_431 = tpu.vector_load %arg20[%swap3A_430] {strides = array<i32>} : memref<2048xi32, #tpu.memory_space<vmem>>, vector<16xi32>,
        tpu.vector_store %arg20[%swap3A_430], %add3A_427 {strides = array<i32>} : memref<2048xi32, #tpu.memory_space<vmem>>, vector<16xi32>,
        %add3A_432 = arith.constant 165649 : i32
        %add3A_433 = vector.broadcast %add3A_432 : i32 to vector<16xi32>
        %add3A_434 = arith.addi %add3A_424, %add3A_433 : vector<16xi32>
        %add3A_435 = arith.constant 256 : i32
        %add3A_436 = arith.addi %add3A_435, %mul3A_138 : i32
        %swap3A_437 = arith.index_cast %add3A_436 : i32 to index
        %swap3A_438 = tpu.vector_load %arg20[%swap3A_437] {strides = array<i32>} : memref<2048xi32, #tpu.memory_space<vmem>>, vector<16xi32>,
        tpu.vector_store %arg20[%swap3A_437], %add3A_434 {strides = array<i32>} : memref<2048xi32, #tpu.memory_space<vmem>>, vector<16xi32>,
        %add3A_439 = arith.constant 1 : i32
        %add3A_440 = vector.broadcast %add3A_439 : i32 to vector<16xi32>
        %add3A_441 = arith.addi %add3A_424, %add3A_440 : vector<16xi32>
        %add3A_442 = arith.constant 512 : i32
        %add3A_443 = arith.addi %add3A_442, %mul3A_138 : i32
        %swap3A_444 = arith.index_cast %add3A_443 : i32 to index
        %swap3A_445 = tpu.vector_load %arg20[%swap3A_444] {strides = array<i32>} : memref<2048xi32, #tpu.memory_space<vmem>>, vector<16xi32>,
        tpu.vector_store %arg20[%swap3A_444], %add3A_441 {strides = array<i32>} : memref<2048xi32, #tpu.memory_space<vmem>>, vector<16xi32>,
        %add3A_446 = arith.constant 165650 : i32
        %add3A_447 = vector.broadcast %add3A_446 : i32 to vector<16xi32>
        %add3A_448 = arith.addi %add3A_424, %add3A_447 : vector<16xi32>
        %add3A_449 = arith.constant 768 : i32
        %add3A_450 = arith.addi %add3A_449, %mul3A_138 : i32
        %swap3A_451 = arith.index_cast %add3A_450 : i32 to index
        %swap3A_452 = tpu.vector_load %arg20[%swap3A_451] {strides = array<i32>} : memref<2048xi32, #tpu.memory_space<vmem>>, vector<16xi32>,
        tpu.vector_store %arg20[%swap3A_451], %add3A_448 {strides = array<i32>} : memref<2048xi32, #tpu.memory_space<vmem>>, vector<16xi32>,
        %add3A_453 = arith.constant 406 : i32
        %add3A_454 = vector.broadcast %add3A_453 : i32 to vector<16xi32>
        %add3A_455 = arith.addi %add3A_424, %add3A_454 : vector<16xi32>
        %add3A_456 = arith.constant 1024 : i32
        %add3A_457 = arith.addi %add3A_456, %mul3A_138 : i32
        %swap3A_458 = arith.index_cast %add3A_457 : i32 to index
        %swap3A_459 = tpu.vector_load %arg20[%swap3A_458] {strides = array<i32>} : memref<2048xi32, #tpu.memory_space<vmem>>, vector<16xi32>,
        tpu.vector_store %arg20[%swap3A_458], %add3A_455 {strides = array<i32>} : memref<2048xi32, #tpu.memory_space<vmem>>, vector<16xi32>,
        %add3A_460 = arith.constant 166055 : i32
        %add3A_461 = vector.broadcast %add3A_460 : i32 to vector<16xi32>
        %add3A_462 = arith.addi %add3A_424, %add3A_461 : vector<16xi32>
        %add3A_463 = arith.constant 1280 : i32
        %add3A_464 = arith.addi %add3A_463, %mul3A_138 : i32
        %swap3A_465 = arith.index_cast %add3A_464 : i32 to index
        %swap3A_466 = tpu.vector_load %arg20[%swap3A_465] {strides = array<i32>} : memref<2048xi32, #tpu.memory_space<vmem>>, vector<16xi32>,
        tpu.vector_store %arg20[%swap3A_465], %add3A_462 {strides = array<i32>} : memref<2048xi32, #tpu.memory_space<vmem>>, vector<16xi32>,
        %add3A_467 = arith.constant 407 : i32
        %add3A_468 = vector.broadcast %add3A_467 : i32 to vector<16xi32>
        %add3A_469 = arith.addi %add3A_424, %add3A_468 : vector<16xi32>
        %add3A_470 = arith.constant 1536 : i32
        %add3A_471 = arith.addi %add3A_470, %mul3A_138 : i32
        %swap3A_472 = arith.index_cast %add3A_471 : i32 to index
        %swap3A_473 = tpu.vector_load %arg20[%swap3A_472] {strides = array<i32>} : memref<2048xi32, #tpu.memory_space<vmem>>, vector<16xi32>,
        tpu.vector_store %arg20[%swap3A_472], %add3A_469 {strides = array<i32>} : memref<2048xi32, #tpu.memory_space<vmem>>, vector<16xi32>,
        %add3A_474 = arith.constant 166056 : i32
        %add3A_475 = vector.broadcast %add3A_474 : i32 to vector<16xi32>
        %add3A_476 = arith.addi %add3A_424, %add3A_475 : vector<16xi32>
        %add3A_477 = arith.constant 1792 : i32
        %add3A_478 = arith.addi %add3A_477, %mul3A_138 : i32
        %swap3A_479 = arith.index_cast %add3A_478 : i32 to index
        %swap3A_480 = tpu.vector_load %arg20[%swap3A_479] {strides = array<i32>} : memref<2048xi32, #tpu.memory_space<vmem>>, vector<16xi32>,
        tpu.vector_store %arg20[%swap3A_479], %add3A_476 {strides = array<i32>} : memref<2048xi32, #tpu.memory_space<vmem>>, vector<16xi32>,
        %mul3A_481 = arith.constant 1.000000e+00 : f32
        %mul3A_482 = vector.broadcast %mul3A_481 : f32 to vector<16xf32>
        %mul3A_483 = arith.mulf %get3A_139, %mul3A_482 : vector<16xf32>
        %convert_element_type3A_484 = arith.fptosi %mul3A_483 : vector<16xf32> to vector<16xi32>
        %mul3A_485 = arith.constant 1.000000e+00 : f32
        %mul3A_486 = vector.broadcast %mul3A_485 : f32 to vector<16xf32>
        %mul3A_487 = arith.mulf %get3A_141, %mul3A_486 : vector<16xf32>
        %convert_element_type3A_488 = arith.fptosi %mul3A_487 : vector<16xf32> to vector<16xi32>
        %mul3A_489 = arith.constant 512 : i32
        %mul3A_490 = vector.broadcast %mul3A_489 : i32 to vector<16xi32>
        %mul3A_491 = arith.muli %convert_element_type3A_484, %mul3A_490 : vector<16xi32>
        %add3A_492 = arith.addi %mul3A_491, %convert_element_type3A_488 : vector<16xi32>
        %add3A_493 = arith.constant 0 : i32
        %add3A_494 = vector.broadcast %add3A_493 : i32 to vector<16xi32>
        %add3A_495 = arith.addi %add3A_492, %add3A_494 : vector<16xi32>
        %add3A_496 = arith.constant 0 : i32
        %add3A_497 = arith.addi %add3A_496, %mul3A_138 : i32
        %swap3A_498 = arith.index_cast %add3A_497 : i32 to index
        %swap3A_499 = tpu.vector_load %arg21[%swap3A_498] {strides = array<i32>} : memref<2048xi32, #tpu.memory_space<vmem>>, vector<16xi32>,
        tpu.vector_store %arg21[%swap3A_498], %add3A_495 {strides = array<i32>} : memref<2048xi32, #tpu.memory_space<vmem>>, vector<16xi32>,
        %add3A_500 = arith.constant 263169 : i32
        %add3A_501 = vector.broadcast %add3A_500 : i32 to vector<16xi32>
        %add3A_502 = arith.addi %add3A_492, %add3A_501 : vector<16xi32>
        %add3A_503 = arith.constant 256 : i32
        %add3A_504 = arith.addi %add3A_503, %mul3A_138 : i32
        %swap3A_505 = arith.index_cast %add3A_504 : i32 to index
        %swap3A_506 = tpu.vector_load %arg21[%swap3A_505] {strides = array<i32>} : memref<2048xi32, #tpu.memory_space<vmem>>, vector<16xi32>,
        tpu.vector_store %arg21[%swap3A_505], %add3A_502 {strides = array<i32>} : memref<2048xi32, #tpu.memory_space<vmem>>, vector<16xi32>,
        %add3A_507 = arith.constant 1 : i32
        %add3A_508 = vector.broadcast %add3A_507 : i32 to vector<16xi32>
        %add3A_509 = arith.addi %add3A_492, %add3A_508 : vector<16xi32>
        %add3A_510 = arith.constant 512 : i32
        %add3A_511 = arith.addi %add3A_510, %mul3A_138 : i32
        %swap3A_512 = arith.index_cast %add3A_511 : i32 to index
        %swap3A_513 = tpu.vector_load %arg21[%swap3A_512] {strides = array<i32>} : memref<2048xi32, #tpu.memory_space<vmem>>, vector<16xi32>,
        tpu.vector_store %arg21[%swap3A_512], %add3A_509 {strides = array<i32>} : memref<2048xi32, #tpu.memory_space<vmem>>, vector<16xi32>,
        %add3A_514 = arith.constant 263170 : i32
        %add3A_515 = vector.broadcast %add3A_514 : i32 to vector<16xi32>
        %add3A_516 = arith.addi %add3A_492, %add3A_515 : vector<16xi32>
        %add3A_517 = arith.constant 768 : i32
        %add3A_518 = arith.addi %add3A_517, %mul3A_138 : i32
        %swap3A_519 = arith.index_cast %add3A_518 : i32 to index
        %swap3A_520 = tpu.vector_load %arg21[%swap3A_519] {strides = array<i32>} : memref<2048xi32, #tpu.memory_space<vmem>>, vector<16xi32>,
        tpu.vector_store %arg21[%swap3A_519], %add3A_516 {strides = array<i32>} : memref<2048xi32, #tpu.memory_space<vmem>>, vector<16xi32>,
        %add3A_521 = arith.constant 512 : i32
        %add3A_522 = vector.broadcast %add3A_521 : i32 to vector<16xi32>
        %add3A_523 = arith.addi %add3A_492, %add3A_522 : vector<16xi32>
        %add3A_524 = arith.constant 1024 : i32
        %add3A_525 = arith.addi %add3A_524, %mul3A_138 : i32
        %swap3A_526 = arith.index_cast %add3A_525 : i32 to index
        %swap3A_527 = tpu.vector_load %arg21[%swap3A_526] {strides = array<i32>} : memref<2048xi32, #tpu.memory_space<vmem>>, vector<16xi32>,
        tpu.vector_store %arg21[%swap3A_526], %add3A_523 {strides = array<i32>} : memref<2048xi32, #tpu.memory_space<vmem>>, vector<16xi32>,
        %add3A_528 = arith.constant 263681 : i32
        %add3A_529 = vector.broadcast %add3A_528 : i32 to vector<16xi32>
        %add3A_530 = arith.addi %add3A_492, %add3A_529 : vector<16xi32>
        %add3A_531 = arith.constant 1280 : i32
        %add3A_532 = arith.addi %add3A_531, %mul3A_138 : i32
        %swap3A_533 = arith.index_cast %add3A_532 : i32 to index
        %swap3A_534 = tpu.vector_load %arg21[%swap3A_533] {strides = array<i32>} : memref<2048xi32, #tpu.memory_space<vmem>>, vector<16xi32>,
        tpu.vector_store %arg21[%swap3A_533], %add3A_530 {strides = array<i32>} : memref<2048xi32, #tpu.memory_space<vmem>>, vector<16xi32>,
        %add3A_535 = arith.constant 513 : i32
        %add3A_536 = vector.broadcast %add3A_535 : i32 to vector<16xi32>
        %add3A_537 = arith.addi %add3A_492, %add3A_536 : vector<16xi32>
        %add3A_538 = arith.constant 1536 : i32
        %add3A_539 = arith.addi %add3A_538, %mul3A_138 : i32
        %swap3A_540 = arith.index_cast %add3A_539 : i32 to index
        %swap3A_541 = tpu.vector_load %arg21[%swap3A_540] {strides = array<i32>} : memref<2048xi32, #tpu.memory_space<vmem>>, vector<16xi32>,
        tpu.vector_store %arg21[%swap3A_540], %add3A_537 {strides = array<i32>} : memref<2048xi32, #tpu.memory_space<vmem>>, vector<16xi32>,
        %add3A_542 = arith.constant 263682 : i32
        %add3A_543 = vector.broadcast %add3A_542 : i32 to vector<16xi32>
        %add3A_544 = arith.addi %add3A_492, %add3A_543 : vector<16xi32>
        %add3A_545 = arith.constant 1792 : i32
        %add3A_546 = arith.addi %add3A_545, %mul3A_138 : i32
        %swap3A_547 = arith.index_cast %add3A_546 : i32 to index
        %swap3A_548 = tpu.vector_load %arg21[%swap3A_547] {strides = array<i32>} : memref<2048xi32, #tpu.memory_space<vmem>>, vector<16xi32>,
        tpu.vector_store %arg21[%swap3A_547], %add3A_544 {strides = array<i32>} : memref<2048xi32, #tpu.memory_space<vmem>>, vector<16xi32>,
      }
      %scan3A_19 = arith.constant 16 : i32
      %scan3A_20 = arith.constant 0 : i32
      %scan3A_21 = arith.constant 0 : i32
      %scan3A_22 = arith.constant 4 : i32
      %scan3A_23 = arith.addi %scan3A_21, %scan3A_22 : i32
      %scan3A_24 = arith.constant 1 : i32
      scf.for %scan3A_136 = %scan3A_21 to %scan3A_23 step %scan3A_24  : i32 {
        %mul3A_137 = arith.constant 512 : i32
        %mul3A_138 = arith.muli %scan3A_136, %mul3A_137 : i32
        %mul3A_139 = arith.constant 512 : i32
        %mul3A_140 = arith.muli %scan3A_136, %mul3A_139 : i32
        %dma_start3A = tpu.memref_slice %arg22[%mul3A_140] : memref<2048xf32, #tpu.memory_space<vmem>> -> memref<512xf32, #tpu.memory_space<vmem>>
        %dma_start3A_141 = tpu.memref_slice %arg16[%mul3A_138] : memref<2048xi32, #tpu.memory_space<vmem>> -> memref<512xi32, #tpu.memory_space<vmem>>
        %dma_start3A_142 = arith.constant 0 : i32
        %dma_start3A_143 = tpu.memref_slice %arg28[%dma_start3A_142] : memref<52488xf32, #tpu.memory_space<vmem_shared>> -> memref<52488xf32, #tpu.memory_space<vmem_shared>>
        tpu.enqueue_indirect_dma source(%dma_start3A_143 : memref<52488xf32, #tpu.memory_space<vmem_shared>>) target(%dma_start3A : memref<512xf32, #tpu.memory_space<vmem>>) offsets(%dma_start3A_141 : memref<512xi32, #tpu.memory_space<vmem>>) semaphore(%arg30 : memref<!tpu.dma_semaphore, #tpu.memory_space<semaphore_mem>>)
      }
      %scan3A_25 = arith.constant 4 : i32
      %scan3A_26 = arith.constant 0 : i32
      %scan3A_27 = arith.constant 0 : i32
      %scan3A_28 = arith.constant 4 : i32
      %scan3A_29 = arith.addi %scan3A_27, %scan3A_28 : i32
      %scan3A_30 = arith.constant 1 : i32
      scf.for %scan3A_136 = %scan3A_27 to %scan3A_29 step %scan3A_30  : i32 {
        %mul3A_137 = arith.constant 512 : i32
        %mul3A_138 = arith.muli %scan3A_136, %mul3A_137 : i32
        %mul3A_139 = arith.constant 512 : i32
        %mul3A_140 = arith.muli %scan3A_136, %mul3A_139 : i32
        %dma_start3A = tpu.memref_slice %arg23[%mul3A_140] : memref<2048xf32, #tpu.memory_space<vmem>> -> memref<512xf32, #tpu.memory_space<vmem>>
        %dma_start3A_141 = tpu.memref_slice %arg17[%mul3A_138] : memref<2048xi32, #tpu.memory_space<vmem>> -> memref<512xi32, #tpu.memory_space<vmem>>
        %dma_start3A_142 = arith.constant 0 : i32
        %dma_start3A_143 = tpu.memref_slice %arg29[%dma_start3A_142] : memref<83232xf32, #tpu.memory_space<vmem_shared>> -> memref<83232xf32, #tpu.memory_space<vmem_shared>>
        tpu.enqueue_indirect_dma source(%dma_start3A_143 : memref<83232xf32, #tpu.memory_space<vmem_shared>>) target(%dma_start3A : memref<512xf32, #tpu.memory_space<vmem>>) offsets(%dma_start3A_141 : memref<512xi32, #tpu.memory_space<vmem>>) semaphore(%arg30 : memref<!tpu.dma_semaphore, #tpu.memory_space<semaphore_mem>>)
      }
      %scan3A_31 = arith.constant 4 : i32
      %scan3A_32 = arith.constant 0 : i32
      %scan3A_33 = arith.constant 0 : i32
      %scan3A_34 = arith.constant 16 : i32
      %scan3A_35 = arith.addi %scan3A_33, %scan3A_34 : i32
      %scan3A_36 = arith.constant 1 : i32
      scf.for %scan3A_136 = %scan3A_33 to %scan3A_35 step %scan3A_36  : i32 {
        %mul3A_137 = arith.constant 16 : i32
        %mul3A_138 = arith.muli %scan3A_136, %mul3A_137 : i32
        %get3A = arith.index_cast %mul3A_138 : i32 to index
        %get3A_139 = tpu.vector_load %arg13[%get3A] {strides = array<i32>} : memref<256xf32, #tpu.memory_space<vmem>>, vector<16xf32>,
        %get3A_140 = arith.index_cast %mul3A_138 : i32 to index
        %get3A_141 = tpu.vector_load %arg14[%get3A_140] {strides = array<i32>} : memref<256xf32, #tpu.memory_space<vmem>>, vector<16xf32>,
        %add3A_142 = vector.broadcast %mul3A_138 : i32 to vector<16xi32>
        %add3A_143 = arith.addi %add3A_142, %iota3A : vector<16xi32>
        %mul3A_144 = arith.constant 32 : i32
        %mul3A_145 = vector.broadcast %mul3A_144 : i32 to vector<16xi32>
        %mul3A_146 = arith.muli %add3A_143, %mul3A_145 : vector<16xi32>
        %mul3A_147 = arith.constant 3.125000e-02 : f32
        %mul3A_148 = vector.broadcast %mul3A_147 : f32 to vector<16xf32>
        %mul3A_149 = arith.mulf %get3A_139, %mul3A_148 : vector<16xf32>
        %convert_element_type3A_150 = arith.fptosi %mul3A_149 : vector<16xf32> to vector<16xi32>
        %mul3A_151 = arith.constant 3.125000e-02 : f32
        %mul3A_152 = vector.broadcast %mul3A_151 : f32 to vector<16xf32>
        %mul3A_153 = arith.mulf %get3A_141, %mul3A_152 : vector<16xf32>
        %convert_element_type3A_154 = arith.fptosi %mul3A_153 : vector<16xf32> to vector<16xi32>
        %convert_element_type3A_155 = arith.sitofp %convert_element_type3A_150 : vector<16xi32> to vector<16xf32>
        %convert_element_type3A_156 = arith.sitofp %convert_element_type3A_154 : vector<16xi32> to vector<16xf32>
        %mul3A_157 = arith.constant 3.200000e+01 : f32
        %mul3A_158 = vector.broadcast %mul3A_157 : f32 to vector<16xf32>
        %mul3A_159 = arith.mulf %convert_element_type3A_155, %mul3A_158 : vector<16xf32>
        %sub3A = arith.subf %get3A_139, %mul3A_159 : vector<16xf32>
        %mul3A_160 = arith.constant 3.125000e-02 : f32
        %mul3A_161 = vector.broadcast %mul3A_160 : f32 to vector<16xf32>
        %mul3A_162 = arith.mulf %sub3A, %mul3A_161 : vector<16xf32>
        %mul3A_163 = arith.constant 3.200000e+01 : f32
        %mul3A_164 = vector.broadcast %mul3A_163 : f32 to vector<16xf32>
        %mul3A_165 = arith.mulf %convert_element_type3A_156, %mul3A_164 : vector<16xf32>
        %sub3A_166 = arith.subf %get3A_141, %mul3A_165 : vector<16xf32>
        %mul3A_167 = arith.constant 3.125000e-02 : f32
        %mul3A_168 = vector.broadcast %mul3A_167 : f32 to vector<16xf32>
        %mul3A_169 = arith.mulf %sub3A_166, %mul3A_168 : vector<16xf32>
        %mul3A_170 = arith.constant 16 : i32
        %mul3A_171 = vector.broadcast %mul3A_170 : i32 to vector<16xi32>
        %mul3A_172 = arith.muli %convert_element_type3A_150, %mul3A_171 : vector<16xi32>
        %add3A_173 = arith.addi %mul3A_172, %convert_element_type3A_154 : vector<16xi32>
        %mul3A_174 = arith.constant 2 : i32
        %mul3A_175 = vector.broadcast %mul3A_174 : i32 to vector<16xi32>
        %mul3A_176 = arith.muli %mul3A_175, %add3A_173 : vector<16xi32>
        %add3A_177 = arith.constant 0 : i32
        %add3A_178 = vector.broadcast %add3A_177 : i32 to vector<16xi32>
        %add3A_179 = arith.addi %add3A_178, %mul3A_176 : vector<16xi32>
        %add3A_180 = arith.constant 0 : i32
        %add3A_181 = vector.broadcast %add3A_180 : i32 to vector<16xi32>
        %add3A_182 = arith.addi %add3A_179, %add3A_181 : vector<16xi32>
        %gather3A = tpu.vector_load_idx %arg12[%add3A_182] : memref<89216xf32, #tpu.memory_space<vmem>>[vector<16xi32>], vector<16xf32>,
        %add3A_183 = arith.constant 1 : i32
        %add3A_184 = vector.broadcast %add3A_183 : i32 to vector<16xi32>
        %add3A_185 = arith.addi %add3A_179, %add3A_184 : vector<16xi32>
        %gather3A_186 = tpu.vector_load_idx %arg12[%add3A_185] : memref<89216xf32, #tpu.memory_space<vmem>>[vector<16xi32>], vector<16xf32>,
        %add3A_187 = arith.constant 2 : i32
        %add3A_188 = vector.broadcast %add3A_187 : i32 to vector<16xi32>
        %add3A_189 = arith.addi %add3A_179, %add3A_188 : vector<16xi32>
        %gather3A_190 = tpu.vector_load_idx %arg12[%add3A_189] : memref<89216xf32, #tpu.memory_space<vmem>>[vector<16xi32>], vector<16xf32>,
        %add3A_191 = arith.constant 3 : i32
        %add3A_192 = vector.broadcast %add3A_191 : i32 to vector<16xi32>
        %add3A_193 = arith.addi %add3A_179, %add3A_192 : vector<16xi32>
        %gather3A_194 = tpu.vector_load_idx %arg12[%add3A_193] : memref<89216xf32, #tpu.memory_space<vmem>>[vector<16xi32>], vector<16xf32>,
        %add3A_195 = arith.constant 32 : i32
        %add3A_196 = vector.broadcast %add3A_195 : i32 to vector<16xi32>
        %add3A_197 = arith.addi %add3A_179, %add3A_196 : vector<16xi32>
        %gather3A_198 = tpu.vector_load_idx %arg12[%add3A_197] : memref<89216xf32, #tpu.memory_space<vmem>>[vector<16xi32>], vector<16xf32>,
        %add3A_199 = arith.constant 33 : i32
        %add3A_200 = vector.broadcast %add3A_199 : i32 to vector<16xi32>
        %add3A_201 = arith.addi %add3A_179, %add3A_200 : vector<16xi32>
        %gather3A_202 = tpu.vector_load_idx %arg12[%add3A_201] : memref<89216xf32, #tpu.memory_space<vmem>>[vector<16xi32>], vector<16xf32>,
        %add3A_203 = arith.constant 34 : i32
        %add3A_204 = vector.broadcast %add3A_203 : i32 to vector<16xi32>
        %add3A_205 = arith.addi %add3A_179, %add3A_204 : vector<16xi32>
        %gather3A_206 = tpu.vector_load_idx %arg12[%add3A_205] : memref<89216xf32, #tpu.memory_space<vmem>>[vector<16xi32>], vector<16xf32>,
        %add3A_207 = arith.constant 35 : i32
        %add3A_208 = vector.broadcast %add3A_207 : i32 to vector<16xi32>
        %add3A_209 = arith.addi %add3A_179, %add3A_208 : vector<16xi32>
        %gather3A_210 = tpu.vector_load_idx %arg12[%add3A_209] : memref<89216xf32, #tpu.memory_space<vmem>>[vector<16xi32>], vector<16xf32>,
        %sub3A_211 = arith.constant 1.000000e+00 : f32
        %sub3A_212 = vector.broadcast %sub3A_211 : f32 to vector<16xf32>
        %sub3A_213 = arith.subf %sub3A_212, %mul3A_169 : vector<16xf32>
        %sub3A_214 = arith.constant 1.000000e+00 : f32
        %sub3A_215 = vector.broadcast %sub3A_214 : f32 to vector<16xf32>
        %sub3A_216 = arith.subf %sub3A_215, %mul3A_162 : vector<16xf32>
        %mul3A_217 = arith.mulf %gather3A, %sub3A_213 : vector<16xf32>
        %mul3A_218 = arith.mulf %gather3A_190, %mul3A_169 : vector<16xf32>
        %add3A_219 = arith.addf %mul3A_217, %mul3A_218 : vector<16xf32>
        %mul3A_220 = arith.mulf %gather3A_186, %sub3A_213 : vector<16xf32>
        %mul3A_221 = arith.mulf %gather3A_194, %mul3A_169 : vector<16xf32>
        %add3A_222 = arith.addf %mul3A_220, %mul3A_221 : vector<16xf32>
        %mul3A_223 = arith.mulf %gather3A_198, %sub3A_213 : vector<16xf32>
        %mul3A_224 = arith.mulf %gather3A_206, %mul3A_169 : vector<16xf32>
        %add3A_225 = arith.addf %mul3A_223, %mul3A_224 : vector<16xf32>
        %mul3A_226 = arith.mulf %gather3A_202, %sub3A_213 : vector<16xf32>
        %mul3A_227 = arith.mulf %gather3A_210, %mul3A_169 : vector<16xf32>
        %add3A_228 = arith.addf %mul3A_226, %mul3A_227 : vector<16xf32>
        %mul3A_229 = arith.mulf %add3A_219, %sub3A_216 : vector<16xf32>
        %mul3A_230 = arith.mulf %add3A_225, %mul3A_162 : vector<16xf32>
        %add3A_231 = arith.addf %mul3A_229, %mul3A_230 : vector<16xf32>
        %mul3A_232 = arith.mulf %add3A_222, %sub3A_216 : vector<16xf32>
        %mul3A_233 = arith.mulf %add3A_228, %mul3A_162 : vector<16xf32>
        %add3A_234 = arith.addf %mul3A_232, %mul3A_233 : vector<16xf32>
        %add3A_235 = arith.constant 0 : i32
        %add3A_236 = vector.broadcast %add3A_235 : i32 to vector<16xi32>
        %add3A_237 = arith.addi %mul3A_146, %add3A_236 : vector<16xi32>
        tpu.vector_store_idx %arg15[%add3A_237], %add3A_231 : memref<8192xf32, #tpu.memory_space<vmem>>[vector<16xi32>], vector<16xf32>,
        %add3A_238 = arith.constant 1 : i32
        %add3A_239 = vector.broadcast %add3A_238 : i32 to vector<16xi32>
        %add3A_240 = arith.addi %mul3A_146, %add3A_239 : vector<16xi32>
        tpu.vector_store_idx %arg15[%add3A_240], %add3A_234 : memref<8192xf32, #tpu.memory_space<vmem>>[vector<16xi32>], vector<16xf32>,
        %mul3A_241 = arith.constant 3.906250e-02 : f32
        %mul3A_242 = vector.broadcast %mul3A_241 : f32 to vector<16xf32>
        %mul3A_243 = arith.mulf %get3A_139, %mul3A_242 : vector<16xf32>
        %convert_element_type3A_244 = arith.fptosi %mul3A_243 : vector<16xf32> to vector<16xi32>
        %mul3A_245 = arith.constant 3.906250e-02 : f32
        %mul3A_246 = vector.broadcast %mul3A_245 : f32 to vector<16xf32>
        %mul3A_247 = arith.mulf %get3A_141, %mul3A_246 : vector<16xf32>
        %convert_element_type3A_248 = arith.fptosi %mul3A_247 : vector<16xf32> to vector<16xi32>
        %convert_element_type3A_249 = arith.sitofp %convert_element_type3A_244 : vector<16xi32> to vector<16xf32>
        %convert_element_type3A_250 = arith.sitofp %convert_element_type3A_248 : vector<16xi32> to vector<16xf32>
        %mul3A_251 = arith.constant 2.560000e+01 : f32
        %mul3A_252 = vector.broadcast %mul3A_251 : f32 to vector<16xf32>
        %mul3A_253 = arith.mulf %convert_element_type3A_249, %mul3A_252 : vector<16xf32>
        %sub3A_254 = arith.subf %get3A_139, %mul3A_253 : vector<16xf32>
        %mul3A_255 = arith.constant 3.906250e-02 : f32
        %mul3A_256 = vector.broadcast %mul3A_255 : f32 to vector<16xf32>
        %mul3A_257 = arith.mulf %sub3A_254, %mul3A_256 : vector<16xf32>
        %mul3A_258 = arith.constant 2.560000e+01 : f32
        %mul3A_259 = vector.broadcast %mul3A_258 : f32 to vector<16xf32>
        %mul3A_260 = arith.mulf %convert_element_type3A_250, %mul3A_259 : vector<16xf32>
        %sub3A_261 = arith.subf %get3A_141, %mul3A_260 : vector<16xf32>
        %mul3A_262 = arith.constant 3.906250e-02 : f32
        %mul3A_263 = vector.broadcast %mul3A_262 : f32 to vector<16xf32>
        %mul3A_264 = arith.mulf %sub3A_261, %mul3A_263 : vector<16xf32>
        %mul3A_265 = arith.constant 20 : i32
        %mul3A_266 = vector.broadcast %mul3A_265 : i32 to vector<16xi32>
        %mul3A_267 = arith.muli %convert_element_type3A_244, %mul3A_266 : vector<16xi32>
        %add3A_268 = arith.addi %mul3A_267, %convert_element_type3A_248 : vector<16xi32>
        %mul3A_269 = arith.constant 2 : i32
        %mul3A_270 = vector.broadcast %mul3A_269 : i32 to vector<16xi32>
        %mul3A_271 = arith.muli %mul3A_270, %add3A_268 : vector<16xi32>
        %add3A_272 = arith.constant 578 : i32
        %add3A_273 = vector.broadcast %add3A_272 : i32 to vector<16xi32>
        %add3A_274 = arith.addi %add3A_273, %mul3A_271 : vector<16xi32>
        %add3A_275 = arith.constant 0 : i32
        %add3A_276 = vector.broadcast %add3A_275 : i32 to vector<16xi32>
        %add3A_277 = arith.addi %add3A_274, %add3A_276 : vector<16xi32>
        %gather3A_278 = tpu.vector_load_idx %arg12[%add3A_277] : memref<89216xf32, #tpu.memory_space<vmem>>[vector<16xi32>], vector<16xf32>,
        %add3A_279 = arith.constant 1 : i32
        %add3A_280 = vector.broadcast %add3A_279 : i32 to vector<16xi32>
        %add3A_281 = arith.addi %add3A_274, %add3A_280 : vector<16xi32>
        %gather3A_282 = tpu.vector_load_idx %arg12[%add3A_281] : memref<89216xf32, #tpu.memory_space<vmem>>[vector<16xi32>], vector<16xf32>,
        %add3A_283 = arith.constant 2 : i32
        %add3A_284 = vector.broadcast %add3A_283 : i32 to vector<16xi32>
        %add3A_285 = arith.addi %add3A_274, %add3A_284 : vector<16xi32>
        %gather3A_286 = tpu.vector_load_idx %arg12[%add3A_285] : memref<89216xf32, #tpu.memory_space<vmem>>[vector<16xi32>], vector<16xf32>,
        %add3A_287 = arith.constant 3 : i32
        %add3A_288 = vector.broadcast %add3A_287 : i32 to vector<16xi32>
        %add3A_289 = arith.addi %add3A_274, %add3A_288 : vector<16xi32>
        %gather3A_290 = tpu.vector_load_idx %arg12[%add3A_289] : memref<89216xf32, #tpu.memory_space<vmem>>[vector<16xi32>], vector<16xf32>,
        %add3A_291 = arith.constant 40 : i32
        %add3A_292 = vector.broadcast %add3A_291 : i32 to vector<16xi32>
        %add3A_293 = arith.addi %add3A_274, %add3A_292 : vector<16xi32>
        %gather3A_294 = tpu.vector_load_idx %arg12[%add3A_293] : memref<89216xf32, #tpu.memory_space<vmem>>[vector<16xi32>], vector<16xf32>,
        %add3A_295 = arith.constant 41 : i32
        %add3A_296 = vector.broadcast %add3A_295 : i32 to vector<16xi32>
        %add3A_297 = arith.addi %add3A_274, %add3A_296 : vector<16xi32>
        %gather3A_298 = tpu.vector_load_idx %arg12[%add3A_297] : memref<89216xf32, #tpu.memory_space<vmem>>[vector<16xi32>], vector<16xf32>,
        %add3A_299 = arith.constant 42 : i32
        %add3A_300 = vector.broadcast %add3A_299 : i32 to vector<16xi32>
        %add3A_301 = arith.addi %add3A_274, %add3A_300 : vector<16xi32>
        %gather3A_302 = tpu.vector_load_idx %arg12[%add3A_301] : memref<89216xf32, #tpu.memory_space<vmem>>[vector<16xi32>], vector<16xf32>,
        %add3A_303 = arith.constant 43 : i32
        %add3A_304 = vector.broadcast %add3A_303 : i32 to vector<16xi32>
        %add3A_305 = arith.addi %add3A_274, %add3A_304 : vector<16xi32>
        %gather3A_306 = tpu.vector_load_idx %arg12[%add3A_305] : memref<89216xf32, #tpu.memory_space<vmem>>[vector<16xi32>], vector<16xf32>,
        %sub3A_307 = arith.constant 1.000000e+00 : f32
        %sub3A_308 = vector.broadcast %sub3A_307 : f32 to vector<16xf32>
        %sub3A_309 = arith.subf %sub3A_308, %mul3A_264 : vector<16xf32>
        %sub3A_310 = arith.constant 1.000000e+00 : f32
        %sub3A_311 = vector.broadcast %sub3A_310 : f32 to vector<16xf32>
        %sub3A_312 = arith.subf %sub3A_311, %mul3A_257 : vector<16xf32>
        %mul3A_313 = arith.mulf %gather3A_278, %sub3A_309 : vector<16xf32>
        %mul3A_314 = arith.mulf %gather3A_286, %mul3A_264 : vector<16xf32>
        %add3A_315 = arith.addf %mul3A_313, %mul3A_314 : vector<16xf32>
        %mul3A_316 = arith.mulf %gather3A_282, %sub3A_309 : vector<16xf32>
        %mul3A_317 = arith.mulf %gather3A_290, %mul3A_264 : vector<16xf32>
        %add3A_318 = arith.addf %mul3A_316, %mul3A_317 : vector<16xf32>
        %mul3A_319 = arith.mulf %gather3A_294, %sub3A_309 : vector<16xf32>
        %mul3A_320 = arith.mulf %gather3A_302, %mul3A_264 : vector<16xf32>
        %add3A_321 = arith.addf %mul3A_319, %mul3A_320 : vector<16xf32>
        %mul3A_322 = arith.mulf %gather3A_298, %sub3A_309 : vector<16xf32>
        %mul3A_323 = arith.mulf %gather3A_306, %mul3A_264 : vector<16xf32>
        %add3A_324 = arith.addf %mul3A_322, %mul3A_323 : vector<16xf32>
        %mul3A_325 = arith.mulf %add3A_315, %sub3A_312 : vector<16xf32>
        %mul3A_326 = arith.mulf %add3A_321, %mul3A_257 : vector<16xf32>
        %add3A_327 = arith.addf %mul3A_325, %mul3A_326 : vector<16xf32>
        %mul3A_328 = arith.mulf %add3A_318, %sub3A_312 : vector<16xf32>
        %mul3A_329 = arith.mulf %add3A_324, %mul3A_257 : vector<16xf32>
        %add3A_330 = arith.addf %mul3A_328, %mul3A_329 : vector<16xf32>
        %add3A_331 = arith.constant 2 : i32
        %add3A_332 = vector.broadcast %add3A_331 : i32 to vector<16xi32>
        %add3A_333 = arith.addi %mul3A_146, %add3A_332 : vector<16xi32>
        tpu.vector_store_idx %arg15[%add3A_333], %add3A_327 : memref<8192xf32, #tpu.memory_space<vmem>>[vector<16xi32>], vector<16xf32>,
        %add3A_334 = arith.constant 3 : i32
        %add3A_335 = vector.broadcast %add3A_334 : i32 to vector<16xi32>
        %add3A_336 = arith.addi %mul3A_146, %add3A_335 : vector<16xi32>
        tpu.vector_store_idx %arg15[%add3A_336], %add3A_330 : memref<8192xf32, #tpu.memory_space<vmem>>[vector<16xi32>], vector<16xf32>,
        %mul3A_337 = arith.constant 0.048828125 : f32
        %mul3A_338 = vector.broadcast %mul3A_337 : f32 to vector<16xf32>
        %mul3A_339 = arith.mulf %get3A_139, %mul3A_338 : vector<16xf32>
        %convert_element_type3A_340 = arith.fptosi %mul3A_339 : vector<16xf32> to vector<16xi32>
        %mul3A_341 = arith.constant 0.048828125 : f32
        %mul3A_342 = vector.broadcast %mul3A_341 : f32 to vector<16xf32>
        %mul3A_343 = arith.mulf %get3A_141, %mul3A_342 : vector<16xf32>
        %convert_element_type3A_344 = arith.fptosi %mul3A_343 : vector<16xf32> to vector<16xi32>
        %convert_element_type3A_345 = arith.sitofp %convert_element_type3A_340 : vector<16xi32> to vector<16xf32>
        %convert_element_type3A_346 = arith.sitofp %convert_element_type3A_344 : vector<16xi32> to vector<16xf32>
        %mul3A_347 = arith.constant 2.048000e+01 : f32
        %mul3A_348 = vector.broadcast %mul3A_347 : f32 to vector<16xf32>
        %mul3A_349 = arith.mulf %convert_element_type3A_345, %mul3A_348 : vector<16xf32>
        %sub3A_350 = arith.subf %get3A_139, %mul3A_349 : vector<16xf32>
        %mul3A_351 = arith.constant 0.048828125 : f32
        %mul3A_352 = vector.broadcast %mul3A_351 : f32 to vector<16xf32>
        %mul3A_353 = arith.mulf %sub3A_350, %mul3A_352 : vector<16xf32>
        %mul3A_354 = arith.constant 2.048000e+01 : f32
        %mul3A_355 = vector.broadcast %mul3A_354 : f32 to vector<16xf32>
        %mul3A_356 = arith.mulf %convert_element_type3A_346, %mul3A_355 : vector<16xf32>
        %sub3A_357 = arith.subf %get3A_141, %mul3A_356 : vector<16xf32>
        %mul3A_358 = arith.constant 0.048828125 : f32
        %mul3A_359 = vector.broadcast %mul3A_358 : f32 to vector<16xf32>
        %mul3A_360 = arith.mulf %sub3A_357, %mul3A_359 : vector<16xf32>
        %mul3A_361 = arith.constant 25 : i32
        %mul3A_362 = vector.broadcast %mul3A_361 : i32 to vector<16xi32>
        %mul3A_363 = arith.muli %convert_element_type3A_340, %mul3A_362 : vector<16xi32>
        %add3A_364 = arith.addi %mul3A_363, %convert_element_type3A_344 : vector<16xi32>
        %mul3A_365 = arith.constant 2 : i32
        %mul3A_366 = vector.broadcast %mul3A_365 : i32 to vector<16xi32>
        %mul3A_367 = arith.muli %mul3A_366, %add3A_364 : vector<16xi32>
        %add3A_368 = arith.constant 1460 : i32
        %add3A_369 = vector.broadcast %add3A_368 : i32 to vector<16xi32>
        %add3A_370 = arith.addi %add3A_369, %mul3A_367 : vector<16xi32>
        %add3A_371 = arith.constant 0 : i32
        %add3A_372 = vector.broadcast %add3A_371 : i32 to vector<16xi32>
        %add3A_373 = arith.addi %add3A_370, %add3A_372 : vector<16xi32>
        %gather3A_374 = tpu.vector_load_idx %arg12[%add3A_373] : memref<89216xf32, #tpu.memory_space<vmem>>[vector<16xi32>], vector<16xf32>,
        %add3A_375 = arith.constant 1 : i32
        %add3A_376 = vector.broadcast %add3A_375 : i32 to vector<16xi32>
        %add3A_377 = arith.addi %add3A_370, %add3A_376 : vector<16xi32>
        %gather3A_378 = tpu.vector_load_idx %arg12[%add3A_377] : memref<89216xf32, #tpu.memory_space<vmem>>[vector<16xi32>], vector<16xf32>,
        %add3A_379 = arith.constant 2 : i32
        %add3A_380 = vector.broadcast %add3A_379 : i32 to vector<16xi32>
        %add3A_381 = arith.addi %add3A_370, %add3A_380 : vector<16xi32>
        %gather3A_382 = tpu.vector_load_idx %arg12[%add3A_381] : memref<89216xf32, #tpu.memory_space<vmem>>[vector<16xi32>], vector<16xf32>,
        %add3A_383 = arith.constant 3 : i32
        %add3A_384 = vector.broadcast %add3A_383 : i32 to vector<16xi32>
        %add3A_385 = arith.addi %add3A_370, %add3A_384 : vector<16xi32>
        %gather3A_386 = tpu.vector_load_idx %arg12[%add3A_385] : memref<89216xf32, #tpu.memory_space<vmem>>[vector<16xi32>], vector<16xf32>,
        %add3A_387 = arith.constant 50 : i32
        %add3A_388 = vector.broadcast %add3A_387 : i32 to vector<16xi32>
        %add3A_389 = arith.addi %add3A_370, %add3A_388 : vector<16xi32>
        %gather3A_390 = tpu.vector_load_idx %arg12[%add3A_389] : memref<89216xf32, #tpu.memory_space<vmem>>[vector<16xi32>], vector<16xf32>,
        %add3A_391 = arith.constant 51 : i32
        %add3A_392 = vector.broadcast %add3A_391 : i32 to vector<16xi32>
        %add3A_393 = arith.addi %add3A_370, %add3A_392 : vector<16xi32>
        %gather3A_394 = tpu.vector_load_idx %arg12[%add3A_393] : memref<89216xf32, #tpu.memory_space<vmem>>[vector<16xi32>], vector<16xf32>,
        %add3A_395 = arith.constant 52 : i32
        %add3A_396 = vector.broadcast %add3A_395 : i32 to vector<16xi32>
        %add3A_397 = arith.addi %add3A_370, %add3A_396 : vector<16xi32>
        %gather3A_398 = tpu.vector_load_idx %arg12[%add3A_397] : memref<89216xf32, #tpu.memory_space<vmem>>[vector<16xi32>], vector<16xf32>,
        %add3A_399 = arith.constant 53 : i32
        %add3A_400 = vector.broadcast %add3A_399 : i32 to vector<16xi32>
        %add3A_401 = arith.addi %add3A_370, %add3A_400 : vector<16xi32>
        %gather3A_402 = tpu.vector_load_idx %arg12[%add3A_401] : memref<89216xf32, #tpu.memory_space<vmem>>[vector<16xi32>], vector<16xf32>,
        %sub3A_403 = arith.constant 1.000000e+00 : f32
        %sub3A_404 = vector.broadcast %sub3A_403 : f32 to vector<16xf32>
        %sub3A_405 = arith.subf %sub3A_404, %mul3A_360 : vector<16xf32>
        %sub3A_406 = arith.constant 1.000000e+00 : f32
        %sub3A_407 = vector.broadcast %sub3A_406 : f32 to vector<16xf32>
        %sub3A_408 = arith.subf %sub3A_407, %mul3A_353 : vector<16xf32>
        %mul3A_409 = arith.mulf %gather3A_374, %sub3A_405 : vector<16xf32>
        %mul3A_410 = arith.mulf %gather3A_382, %mul3A_360 : vector<16xf32>
        %add3A_411 = arith.addf %mul3A_409, %mul3A_410 : vector<16xf32>
        %mul3A_412 = arith.mulf %gather3A_378, %sub3A_405 : vector<16xf32>
        %mul3A_413 = arith.mulf %gather3A_386, %mul3A_360 : vector<16xf32>
        %add3A_414 = arith.addf %mul3A_412, %mul3A_413 : vector<16xf32>
        %mul3A_415 = arith.mulf %gather3A_390, %sub3A_405 : vector<16xf32>
        %mul3A_416 = arith.mulf %gather3A_398, %mul3A_360 : vector<16xf32>
        %add3A_417 = arith.addf %mul3A_415, %mul3A_416 : vector<16xf32>
        %mul3A_418 = arith.mulf %gather3A_394, %sub3A_405 : vector<16xf32>
        %mul3A_419 = arith.mulf %gather3A_402, %mul3A_360 : vector<16xf32>
        %add3A_420 = arith.addf %mul3A_418, %mul3A_419 : vector<16xf32>
        %mul3A_421 = arith.mulf %add3A_411, %sub3A_408 : vector<16xf32>
        %mul3A_422 = arith.mulf %add3A_417, %mul3A_353 : vector<16xf32>
        %add3A_423 = arith.addf %mul3A_421, %mul3A_422 : vector<16xf32>
        %mul3A_424 = arith.mulf %add3A_414, %sub3A_408 : vector<16xf32>
        %mul3A_425 = arith.mulf %add3A_420, %mul3A_353 : vector<16xf32>
        %add3A_426 = arith.addf %mul3A_424, %mul3A_425 : vector<16xf32>
        %add3A_427 = arith.constant 4 : i32
        %add3A_428 = vector.broadcast %add3A_427 : i32 to vector<16xi32>
        %add3A_429 = arith.addi %mul3A_146, %add3A_428 : vector<16xi32>
        tpu.vector_store_idx %arg15[%add3A_429], %add3A_423 : memref<8192xf32, #tpu.memory_space<vmem>>[vector<16xi32>], vector<16xf32>,
        %add3A_430 = arith.constant 5 : i32
        %add3A_431 = vector.broadcast %add3A_430 : i32 to vector<16xi32>
        %add3A_432 = arith.addi %mul3A_146, %add3A_431 : vector<16xi32>
        tpu.vector_store_idx %arg15[%add3A_432], %add3A_426 : memref<8192xf32, #tpu.memory_space<vmem>>[vector<16xi32>], vector<16xf32>,
        %mul3A_433 = arith.constant 6.250000e-02 : f32
        %mul3A_434 = vector.broadcast %mul3A_433 : f32 to vector<16xf32>
        %mul3A_435 = arith.mulf %get3A_139, %mul3A_434 : vector<16xf32>
        %convert_element_type3A_436 = arith.fptosi %mul3A_435 : vector<16xf32> to vector<16xi32>
        %mul3A_437 = arith.constant 6.250000e-02 : f32
        %mul3A_438 = vector.broadcast %mul3A_437 : f32 to vector<16xf32>
        %mul3A_439 = arith.mulf %get3A_141, %mul3A_438 : vector<16xf32>
        %convert_element_type3A_440 = arith.fptosi %mul3A_439 : vector<16xf32> to vector<16xi32>
        %convert_element_type3A_441 = arith.sitofp %convert_element_type3A_436 : vector<16xi32> to vector<16xf32>
        %convert_element_type3A_442 = arith.sitofp %convert_element_type3A_440 : vector<16xi32> to vector<16xf32>
        %mul3A_443 = arith.constant 1.600000e+01 : f32
        %mul3A_444 = vector.broadcast %mul3A_443 : f32 to vector<16xf32>
        %mul3A_445 = arith.mulf %convert_element_type3A_441, %mul3A_444 : vector<16xf32>
        %sub3A_446 = arith.subf %get3A_139, %mul3A_445 : vector<16xf32>
        %mul3A_447 = arith.constant 6.250000e-02 : f32
        %mul3A_448 = vector.broadcast %mul3A_447 : f32 to vector<16xf32>
        %mul3A_449 = arith.mulf %sub3A_446, %mul3A_448 : vector<16xf32>
        %mul3A_450 = arith.constant 1.600000e+01 : f32
        %mul3A_451 = vector.broadcast %mul3A_450 : f32 to vector<16xf32>
        %mul3A_452 = arith.mulf %convert_element_type3A_442, %mul3A_451 : vector<16xf32>
        %sub3A_453 = arith.subf %get3A_141, %mul3A_452 : vector<16xf32>
        %mul3A_454 = arith.constant 6.250000e-02 : f32
        %mul3A_455 = vector.broadcast %mul3A_454 : f32 to vector<16xf32>
        %mul3A_456 = arith.mulf %sub3A_453, %mul3A_455 : vector<16xf32>
        %mul3A_457 = arith.constant 32 : i32
        %mul3A_458 = vector.broadcast %mul3A_457 : i32 to vector<16xi32>
        %mul3A_459 = arith.muli %convert_element_type3A_436, %mul3A_458 : vector<16xi32>
        %add3A_460 = arith.addi %mul3A_459, %convert_element_type3A_440 : vector<16xi32>
        %mul3A_461 = arith.constant 2 : i32
        %mul3A_462 = vector.broadcast %mul3A_461 : i32 to vector<16xi32>
        %mul3A_463 = arith.muli %mul3A_462, %add3A_460 : vector<16xi32>
        %add3A_464 = arith.constant 2812 : i32
        %add3A_465 = vector.broadcast %add3A_464 : i32 to vector<16xi32>
        %add3A_466 = arith.addi %add3A_465, %mul3A_463 : vector<16xi32>
        %add3A_467 = arith.constant 0 : i32
        %add3A_468 = vector.broadcast %add3A_467 : i32 to vector<16xi32>
        %add3A_469 = arith.addi %add3A_466, %add3A_468 : vector<16xi32>
        %gather3A_470 = tpu.vector_load_idx %arg12[%add3A_469] : memref<89216xf32, #tpu.memory_space<vmem>>[vector<16xi32>], vector<16xf32>,
        %add3A_471 = arith.constant 1 : i32
        %add3A_472 = vector.broadcast %add3A_471 : i32 to vector<16xi32>
        %add3A_473 = arith.addi %add3A_466, %add3A_472 : vector<16xi32>
        %gather3A_474 = tpu.vector_load_idx %arg12[%add3A_473] : memref<89216xf32, #tpu.memory_space<vmem>>[vector<16xi32>], vector<16xf32>,
        %add3A_475 = arith.constant 2 : i32
        %add3A_476 = vector.broadcast %add3A_475 : i32 to vector<16xi32>
        %add3A_477 = arith.addi %add3A_466, %add3A_476 : vector<16xi32>
        %gather3A_478 = tpu.vector_load_idx %arg12[%add3A_477] : memref<89216xf32, #tpu.memory_space<vmem>>[vector<16xi32>], vector<16xf32>,
        %add3A_479 = arith.constant 3 : i32
        %add3A_480 = vector.broadcast %add3A_479 : i32 to vector<16xi32>
        %add3A_481 = arith.addi %add3A_466, %add3A_480 : vector<16xi32>
        %gather3A_482 = tpu.vector_load_idx %arg12[%add3A_481] : memref<89216xf32, #tpu.memory_space<vmem>>[vector<16xi32>], vector<16xf32>,
        %add3A_483 = arith.constant 64 : i32
        %add3A_484 = vector.broadcast %add3A_483 : i32 to vector<16xi32>
        %add3A_485 = arith.addi %add3A_466, %add3A_484 : vector<16xi32>
        %gather3A_486 = tpu.vector_load_idx %arg12[%add3A_485] : memref<89216xf32, #tpu.memory_space<vmem>>[vector<16xi32>], vector<16xf32>,
        %add3A_487 = arith.constant 65 : i32
        %add3A_488 = vector.broadcast %add3A_487 : i32 to vector<16xi32>
        %add3A_489 = arith.addi %add3A_466, %add3A_488 : vector<16xi32>
        %gather3A_490 = tpu.vector_load_idx %arg12[%add3A_489] : memref<89216xf32, #tpu.memory_space<vmem>>[vector<16xi32>], vector<16xf32>,
        %add3A_491 = arith.constant 66 : i32
        %add3A_492 = vector.broadcast %add3A_491 : i32 to vector<16xi32>
        %add3A_493 = arith.addi %add3A_466, %add3A_492 : vector<16xi32>
        %gather3A_494 = tpu.vector_load_idx %arg12[%add3A_493] : memref<89216xf32, #tpu.memory_space<vmem>>[vector<16xi32>], vector<16xf32>,
        %add3A_495 = arith.constant 67 : i32
        %add3A_496 = vector.broadcast %add3A_495 : i32 to vector<16xi32>
        %add3A_497 = arith.addi %add3A_466, %add3A_496 : vector<16xi32>
        %gather3A_498 = tpu.vector_load_idx %arg12[%add3A_497] : memref<89216xf32, #tpu.memory_space<vmem>>[vector<16xi32>], vector<16xf32>,
        %sub3A_499 = arith.constant 1.000000e+00 : f32
        %sub3A_500 = vector.broadcast %sub3A_499 : f32 to vector<16xf32>
        %sub3A_501 = arith.subf %sub3A_500, %mul3A_456 : vector<16xf32>
        %sub3A_502 = arith.constant 1.000000e+00 : f32
        %sub3A_503 = vector.broadcast %sub3A_502 : f32 to vector<16xf32>
        %sub3A_504 = arith.subf %sub3A_503, %mul3A_449 : vector<16xf32>
        %mul3A_505 = arith.mulf %gather3A_470, %sub3A_501 : vector<16xf32>
        %mul3A_506 = arith.mulf %gather3A_478, %mul3A_456 : vector<16xf32>
        %add3A_507 = arith.addf %mul3A_505, %mul3A_506 : vector<16xf32>
        %mul3A_508 = arith.mulf %gather3A_474, %sub3A_501 : vector<16xf32>
        %mul3A_509 = arith.mulf %gather3A_482, %mul3A_456 : vector<16xf32>
        %add3A_510 = arith.addf %mul3A_508, %mul3A_509 : vector<16xf32>
        %mul3A_511 = arith.mulf %gather3A_486, %sub3A_501 : vector<16xf32>
        %mul3A_512 = arith.mulf %gather3A_494, %mul3A_456 : vector<16xf32>
        %add3A_513 = arith.addf %mul3A_511, %mul3A_512 : vector<16xf32>
        %mul3A_514 = arith.mulf %gather3A_490, %sub3A_501 : vector<16xf32>
        %mul3A_515 = arith.mulf %gather3A_498, %mul3A_456 : vector<16xf32>
        %add3A_516 = arith.addf %mul3A_514, %mul3A_515 : vector<16xf32>
        %mul3A_517 = arith.mulf %add3A_507, %sub3A_504 : vector<16xf32>
        %mul3A_518 = arith.mulf %add3A_513, %mul3A_449 : vector<16xf32>
        %add3A_519 = arith.addf %mul3A_517, %mul3A_518 : vector<16xf32>
        %mul3A_520 = arith.mulf %add3A_510, %sub3A_504 : vector<16xf32>
        %mul3A_521 = arith.mulf %add3A_516, %mul3A_449 : vector<16xf32>
        %add3A_522 = arith.addf %mul3A_520, %mul3A_521 : vector<16xf32>
        %add3A_523 = arith.constant 6 : i32
        %add3A_524 = vector.broadcast %add3A_523 : i32 to vector<16xi32>
        %add3A_525 = arith.addi %mul3A_146, %add3A_524 : vector<16xi32>
        tpu.vector_store_idx %arg15[%add3A_525], %add3A_519 : memref<8192xf32, #tpu.memory_space<vmem>>[vector<16xi32>], vector<16xf32>,
        %add3A_526 = arith.constant 7 : i32
        %add3A_527 = vector.broadcast %add3A_526 : i32 to vector<16xi32>
        %add3A_528 = arith.addi %mul3A_146, %add3A_527 : vector<16xi32>
        tpu.vector_store_idx %arg15[%add3A_528], %add3A_522 : memref<8192xf32, #tpu.memory_space<vmem>>[vector<16xi32>], vector<16xf32>,
        %mul3A_529 = arith.constant 7.812500e-02 : f32
        %mul3A_530 = vector.broadcast %mul3A_529 : f32 to vector<16xf32>
        %mul3A_531 = arith.mulf %get3A_139, %mul3A_530 : vector<16xf32>
        %convert_element_type3A_532 = arith.fptosi %mul3A_531 : vector<16xf32> to vector<16xi32>
        %mul3A_533 = arith.constant 7.812500e-02 : f32
        %mul3A_534 = vector.broadcast %mul3A_533 : f32 to vector<16xf32>
        %mul3A_535 = arith.mulf %get3A_141, %mul3A_534 : vector<16xf32>
        %convert_element_type3A_536 = arith.fptosi %mul3A_535 : vector<16xf32> to vector<16xi32>
        %convert_element_type3A_537 = arith.sitofp %convert_element_type3A_532 : vector<16xi32> to vector<16xf32>
        %convert_element_type3A_538 = arith.sitofp %convert_element_type3A_536 : vector<16xi32> to vector<16xf32>
        %mul3A_539 = arith.constant 1.280000e+01 : f32
        %mul3A_540 = vector.broadcast %mul3A_539 : f32 to vector<16xf32>
        %mul3A_541 = arith.mulf %convert_element_type3A_537, %mul3A_540 : vector<16xf32>
        %sub3A_542 = arith.subf %get3A_139, %mul3A_541 : vector<16xf32>
        %mul3A_543 = arith.constant 7.812500e-02 : f32
        %mul3A_544 = vector.broadcast %mul3A_543 : f32 to vector<16xf32>
        %mul3A_545 = arith.mulf %sub3A_542, %mul3A_544 : vector<16xf32>
        %mul3A_546 = arith.constant 1.280000e+01 : f32
        %mul3A_547 = vector.broadcast %mul3A_546 : f32 to vector<16xf32>
        %mul3A_548 = arith.mulf %convert_element_type3A_538, %mul3A_547 : vector<16xf32>
        %sub3A_549 = arith.subf %get3A_141, %mul3A_548 : vector<16xf32>
        %mul3A_550 = arith.constant 7.812500e-02 : f32
        %mul3A_551 = vector.broadcast %mul3A_550 : f32 to vector<16xf32>
        %mul3A_552 = arith.mulf %sub3A_549, %mul3A_551 : vector<16xf32>
        %mul3A_553 = arith.constant 40 : i32
        %mul3A_554 = vector.broadcast %mul3A_553 : i32 to vector<16xi32>
        %mul3A_555 = arith.muli %convert_element_type3A_532, %mul3A_554 : vector<16xi32>
        %add3A_556 = arith.addi %mul3A_555, %convert_element_type3A_536 : vector<16xi32>
        %mul3A_557 = arith.constant 2 : i32
        %mul3A_558 = vector.broadcast %mul3A_557 : i32 to vector<16xi32>
        %mul3A_559 = arith.muli %mul3A_558, %add3A_556 : vector<16xi32>
        %add3A_560 = arith.constant 4990 : i32
        %add3A_561 = vector.broadcast %add3A_560 : i32 to vector<16xi32>
        %add3A_562 = arith.addi %add3A_561, %mul3A_559 : vector<16xi32>
        %add3A_563 = arith.constant 0 : i32
        %add3A_564 = vector.broadcast %add3A_563 : i32 to vector<16xi32>
        %add3A_565 = arith.addi %add3A_562, %add3A_564 : vector<16xi32>
        %gather3A_566 = tpu.vector_load_idx %arg12[%add3A_565] : memref<89216xf32, #tpu.memory_space<vmem>>[vector<16xi32>], vector<16xf32>,
        %add3A_567 = arith.constant 1 : i32
        %add3A_568 = vector.broadcast %add3A_567 : i32 to vector<16xi32>
        %add3A_569 = arith.addi %add3A_562, %add3A_568 : vector<16xi32>
        %gather3A_570 = tpu.vector_load_idx %arg12[%add3A_569] : memref<89216xf32, #tpu.memory_space<vmem>>[vector<16xi32>], vector<16xf32>,
        %add3A_571 = arith.constant 2 : i32
        %add3A_572 = vector.broadcast %add3A_571 : i32 to vector<16xi32>
        %add3A_573 = arith.addi %add3A_562, %add3A_572 : vector<16xi32>
        %gather3A_574 = tpu.vector_load_idx %arg12[%add3A_573] : memref<89216xf32, #tpu.memory_space<vmem>>[vector<16xi32>], vector<16xf32>,
        %add3A_575 = arith.constant 3 : i32
        %add3A_576 = vector.broadcast %add3A_575 : i32 to vector<16xi32>
        %add3A_577 = arith.addi %add3A_562, %add3A_576 : vector<16xi32>
        %gather3A_578 = tpu.vector_load_idx %arg12[%add3A_577] : memref<89216xf32, #tpu.memory_space<vmem>>[vector<16xi32>], vector<16xf32>,
        %add3A_579 = arith.constant 80 : i32
        %add3A_580 = vector.broadcast %add3A_579 : i32 to vector<16xi32>
        %add3A_581 = arith.addi %add3A_562, %add3A_580 : vector<16xi32>
        %gather3A_582 = tpu.vector_load_idx %arg12[%add3A_581] : memref<89216xf32, #tpu.memory_space<vmem>>[vector<16xi32>], vector<16xf32>,
        %add3A_583 = arith.constant 81 : i32
        %add3A_584 = vector.broadcast %add3A_583 : i32 to vector<16xi32>
        %add3A_585 = arith.addi %add3A_562, %add3A_584 : vector<16xi32>
        %gather3A_586 = tpu.vector_load_idx %arg12[%add3A_585] : memref<89216xf32, #tpu.memory_space<vmem>>[vector<16xi32>], vector<16xf32>,
        %add3A_587 = arith.constant 82 : i32
        %add3A_588 = vector.broadcast %add3A_587 : i32 to vector<16xi32>
        %add3A_589 = arith.addi %add3A_562, %add3A_588 : vector<16xi32>
        %gather3A_590 = tpu.vector_load_idx %arg12[%add3A_589] : memref<89216xf32, #tpu.memory_space<vmem>>[vector<16xi32>], vector<16xf32>,
        %add3A_591 = arith.constant 83 : i32
        %add3A_592 = vector.broadcast %add3A_591 : i32 to vector<16xi32>
        %add3A_593 = arith.addi %add3A_562, %add3A_592 : vector<16xi32>
        %gather3A_594 = tpu.vector_load_idx %arg12[%add3A_593] : memref<89216xf32, #tpu.memory_space<vmem>>[vector<16xi32>], vector<16xf32>,
        %sub3A_595 = arith.constant 1.000000e+00 : f32
        %sub3A_596 = vector.broadcast %sub3A_595 : f32 to vector<16xf32>
        %sub3A_597 = arith.subf %sub3A_596, %mul3A_552 : vector<16xf32>
        %sub3A_598 = arith.constant 1.000000e+00 : f32
        %sub3A_599 = vector.broadcast %sub3A_598 : f32 to vector<16xf32>
        %sub3A_600 = arith.subf %sub3A_599, %mul3A_545 : vector<16xf32>
        %mul3A_601 = arith.mulf %gather3A_566, %sub3A_597 : vector<16xf32>
        %mul3A_602 = arith.mulf %gather3A_574, %mul3A_552 : vector<16xf32>
        %add3A_603 = arith.addf %mul3A_601, %mul3A_602 : vector<16xf32>
        %mul3A_604 = arith.mulf %gather3A_570, %sub3A_597 : vector<16xf32>
        %mul3A_605 = arith.mulf %gather3A_578, %mul3A_552 : vector<16xf32>
        %add3A_606 = arith.addf %mul3A_604, %mul3A_605 : vector<16xf32>
        %mul3A_607 = arith.mulf %gather3A_582, %sub3A_597 : vector<16xf32>
        %mul3A_608 = arith.mulf %gather3A_590, %mul3A_552 : vector<16xf32>
        %add3A_609 = arith.addf %mul3A_607, %mul3A_608 : vector<16xf32>
        %mul3A_610 = arith.mulf %gather3A_586, %sub3A_597 : vector<16xf32>
        %mul3A_611 = arith.mulf %gather3A_594, %mul3A_552 : vector<16xf32>
        %add3A_612 = arith.addf %mul3A_610, %mul3A_611 : vector<16xf32>
        %mul3A_613 = arith.mulf %add3A_603, %sub3A_600 : vector<16xf32>
        %mul3A_614 = arith.mulf %add3A_609, %mul3A_545 : vector<16xf32>
        %add3A_615 = arith.addf %mul3A_613, %mul3A_614 : vector<16xf32>
        %mul3A_616 = arith.mulf %add3A_606, %sub3A_600 : vector<16xf32>
        %mul3A_617 = arith.mulf %add3A_612, %mul3A_545 : vector<16xf32>
        %add3A_618 = arith.addf %mul3A_616, %mul3A_617 : vector<16xf32>
        %add3A_619 = arith.constant 8 : i32
        %add3A_620 = vector.broadcast %add3A_619 : i32 to vector<16xi32>
        %add3A_621 = arith.addi %mul3A_146, %add3A_620 : vector<16xi32>
        tpu.vector_store_idx %arg15[%add3A_621], %add3A_615 : memref<8192xf32, #tpu.memory_space<vmem>>[vector<16xi32>], vector<16xf32>,
        %add3A_622 = arith.constant 9 : i32
        %add3A_623 = vector.broadcast %add3A_622 : i32 to vector<16xi32>
        %add3A_624 = arith.addi %mul3A_146, %add3A_623 : vector<16xi32>
        tpu.vector_store_idx %arg15[%add3A_624], %add3A_618 : memref<8192xf32, #tpu.memory_space<vmem>>[vector<16xi32>], vector<16xf32>,
        %mul3A_625 = arith.constant 0.09765625 : f32
        %mul3A_626 = vector.broadcast %mul3A_625 : f32 to vector<16xf32>
        %mul3A_627 = arith.mulf %get3A_139, %mul3A_626 : vector<16xf32>
        %convert_element_type3A_628 = arith.fptosi %mul3A_627 : vector<16xf32> to vector<16xi32>
        %mul3A_629 = arith.constant 0.09765625 : f32
        %mul3A_630 = vector.broadcast %mul3A_629 : f32 to vector<16xf32>
        %mul3A_631 = arith.mulf %get3A_141, %mul3A_630 : vector<16xf32>
        %convert_element_type3A_632 = arith.fptosi %mul3A_631 : vector<16xf32> to vector<16xi32>
        %convert_element_type3A_633 = arith.sitofp %convert_element_type3A_628 : vector<16xi32> to vector<16xf32>
        %convert_element_type3A_634 = arith.sitofp %convert_element_type3A_632 : vector<16xi32> to vector<16xf32>
        %mul3A_635 = arith.constant 1.024000e+01 : f32
        %mul3A_636 = vector.broadcast %mul3A_635 : f32 to vector<16xf32>
        %mul3A_637 = arith.mulf %convert_element_type3A_633, %mul3A_636 : vector<16xf32>
        %sub3A_638 = arith.subf %get3A_139, %mul3A_637 : vector<16xf32>
        %mul3A_639 = arith.constant 0.09765625 : f32
        %mul3A_640 = vector.broadcast %mul3A_639 : f32 to vector<16xf32>
        %mul3A_641 = arith.mulf %sub3A_638, %mul3A_640 : vector<16xf32>
        %mul3A_642 = arith.constant 1.024000e+01 : f32
        %mul3A_643 = vector.broadcast %mul3A_642 : f32 to vector<16xf32>
        %mul3A_644 = arith.mulf %convert_element_type3A_634, %mul3A_643 : vector<16xf32>
        %sub3A_645 = arith.subf %get3A_141, %mul3A_644 : vector<16xf32>
        %mul3A_646 = arith.constant 0.09765625 : f32
        %mul3A_647 = vector.broadcast %mul3A_646 : f32 to vector<16xf32>
        %mul3A_648 = arith.mulf %sub3A_645, %mul3A_647 : vector<16xf32>
        %mul3A_649 = arith.constant 50 : i32
        %mul3A_650 = vector.broadcast %mul3A_649 : i32 to vector<16xi32>
        %mul3A_651 = arith.muli %convert_element_type3A_628, %mul3A_650 : vector<16xi32>
        %add3A_652 = arith.addi %mul3A_651, %convert_element_type3A_632 : vector<16xi32>
        %mul3A_653 = arith.constant 2 : i32
        %mul3A_654 = vector.broadcast %mul3A_653 : i32 to vector<16xi32>
        %mul3A_655 = arith.muli %mul3A_654, %add3A_652 : vector<16xi32>
        %add3A_656 = arith.constant 8352 : i32
        %add3A_657 = vector.broadcast %add3A_656 : i32 to vector<16xi32>
        %add3A_658 = arith.addi %add3A_657, %mul3A_655 : vector<16xi32>
        %add3A_659 = arith.constant 0 : i32
        %add3A_660 = vector.broadcast %add3A_659 : i32 to vector<16xi32>
        %add3A_661 = arith.addi %add3A_658, %add3A_660 : vector<16xi32>
        %gather3A_662 = tpu.vector_load_idx %arg12[%add3A_661] : memref<89216xf32, #tpu.memory_space<vmem>>[vector<16xi32>], vector<16xf32>,
        %add3A_663 = arith.constant 1 : i32
        %add3A_664 = vector.broadcast %add3A_663 : i32 to vector<16xi32>
        %add3A_665 = arith.addi %add3A_658, %add3A_664 : vector<16xi32>
        %gather3A_666 = tpu.vector_load_idx %arg12[%add3A_665] : memref<89216xf32, #tpu.memory_space<vmem>>[vector<16xi32>], vector<16xf32>,
        %add3A_667 = arith.constant 2 : i32
        %add3A_668 = vector.broadcast %add3A_667 : i32 to vector<16xi32>
        %add3A_669 = arith.addi %add3A_658, %add3A_668 : vector<16xi32>
        %gather3A_670 = tpu.vector_load_idx %arg12[%add3A_669] : memref<89216xf32, #tpu.memory_space<vmem>>[vector<16xi32>], vector<16xf32>,
        %add3A_671 = arith.constant 3 : i32
        %add3A_672 = vector.broadcast %add3A_671 : i32 to vector<16xi32>
        %add3A_673 = arith.addi %add3A_658, %add3A_672 : vector<16xi32>
        %gather3A_674 = tpu.vector_load_idx %arg12[%add3A_673] : memref<89216xf32, #tpu.memory_space<vmem>>[vector<16xi32>], vector<16xf32>,
        %add3A_675 = arith.constant 100 : i32
        %add3A_676 = vector.broadcast %add3A_675 : i32 to vector<16xi32>
        %add3A_677 = arith.addi %add3A_658, %add3A_676 : vector<16xi32>
        %gather3A_678 = tpu.vector_load_idx %arg12[%add3A_677] : memref<89216xf32, #tpu.memory_space<vmem>>[vector<16xi32>], vector<16xf32>,
        %add3A_679 = arith.constant 101 : i32
        %add3A_680 = vector.broadcast %add3A_679 : i32 to vector<16xi32>
        %add3A_681 = arith.addi %add3A_658, %add3A_680 : vector<16xi32>
        %gather3A_682 = tpu.vector_load_idx %arg12[%add3A_681] : memref<89216xf32, #tpu.memory_space<vmem>>[vector<16xi32>], vector<16xf32>,
        %add3A_683 = arith.constant 102 : i32
        %add3A_684 = vector.broadcast %add3A_683 : i32 to vector<16xi32>
        %add3A_685 = arith.addi %add3A_658, %add3A_684 : vector<16xi32>
        %gather3A_686 = tpu.vector_load_idx %arg12[%add3A_685] : memref<89216xf32, #tpu.memory_space<vmem>>[vector<16xi32>], vector<16xf32>,
        %add3A_687 = arith.constant 103 : i32
        %add3A_688 = vector.broadcast %add3A_687 : i32 to vector<16xi32>
        %add3A_689 = arith.addi %add3A_658, %add3A_688 : vector<16xi32>
        %gather3A_690 = tpu.vector_load_idx %arg12[%add3A_689] : memref<89216xf32, #tpu.memory_space<vmem>>[vector<16xi32>], vector<16xf32>,
        %sub3A_691 = arith.constant 1.000000e+00 : f32
        %sub3A_692 = vector.broadcast %sub3A_691 : f32 to vector<16xf32>
        %sub3A_693 = arith.subf %sub3A_692, %mul3A_648 : vector<16xf32>
        %sub3A_694 = arith.constant 1.000000e+00 : f32
        %sub3A_695 = vector.broadcast %sub3A_694 : f32 to vector<16xf32>
        %sub3A_696 = arith.subf %sub3A_695, %mul3A_641 : vector<16xf32>
        %mul3A_697 = arith.mulf %gather3A_662, %sub3A_693 : vector<16xf32>
        %mul3A_698 = arith.mulf %gather3A_670, %mul3A_648 : vector<16xf32>
        %add3A_699 = arith.addf %mul3A_697, %mul3A_698 : vector<16xf32>
        %mul3A_700 = arith.mulf %gather3A_666, %sub3A_693 : vector<16xf32>
        %mul3A_701 = arith.mulf %gather3A_674, %mul3A_648 : vector<16xf32>
        %add3A_702 = arith.addf %mul3A_700, %mul3A_701 : vector<16xf32>
        %mul3A_703 = arith.mulf %gather3A_678, %sub3A_693 : vector<16xf32>
        %mul3A_704 = arith.mulf %gather3A_686, %mul3A_648 : vector<16xf32>
        %add3A_705 = arith.addf %mul3A_703, %mul3A_704 : vector<16xf32>
        %mul3A_706 = arith.mulf %gather3A_682, %sub3A_693 : vector<16xf32>
        %mul3A_707 = arith.mulf %gather3A_690, %mul3A_648 : vector<16xf32>
        %add3A_708 = arith.addf %mul3A_706, %mul3A_707 : vector<16xf32>
        %mul3A_709 = arith.mulf %add3A_699, %sub3A_696 : vector<16xf32>
        %mul3A_710 = arith.mulf %add3A_705, %mul3A_641 : vector<16xf32>
        %add3A_711 = arith.addf %mul3A_709, %mul3A_710 : vector<16xf32>
        %mul3A_712 = arith.mulf %add3A_702, %sub3A_696 : vector<16xf32>
        %mul3A_713 = arith.mulf %add3A_708, %mul3A_641 : vector<16xf32>
        %add3A_714 = arith.addf %mul3A_712, %mul3A_713 : vector<16xf32>
        %add3A_715 = arith.constant 10 : i32
        %add3A_716 = vector.broadcast %add3A_715 : i32 to vector<16xi32>
        %add3A_717 = arith.addi %mul3A_146, %add3A_716 : vector<16xi32>
        tpu.vector_store_idx %arg15[%add3A_717], %add3A_711 : memref<8192xf32, #tpu.memory_space<vmem>>[vector<16xi32>], vector<16xf32>,
        %add3A_718 = arith.constant 11 : i32
        %add3A_719 = vector.broadcast %add3A_718 : i32 to vector<16xi32>
        %add3A_720 = arith.addi %mul3A_146, %add3A_719 : vector<16xi32>
        tpu.vector_store_idx %arg15[%add3A_720], %add3A_714 : memref<8192xf32, #tpu.memory_space<vmem>>[vector<16xi32>], vector<16xf32>,
        %mul3A_721 = arith.constant 1.250000e-01 : f32
        %mul3A_722 = vector.broadcast %mul3A_721 : f32 to vector<16xf32>
        %mul3A_723 = arith.mulf %get3A_139, %mul3A_722 : vector<16xf32>
        %convert_element_type3A_724 = arith.fptosi %mul3A_723 : vector<16xf32> to vector<16xi32>
        %mul3A_725 = arith.constant 1.250000e-01 : f32
        %mul3A_726 = vector.broadcast %mul3A_725 : f32 to vector<16xf32>
        %mul3A_727 = arith.mulf %get3A_141, %mul3A_726 : vector<16xf32>
        %convert_element_type3A_728 = arith.fptosi %mul3A_727 : vector<16xf32> to vector<16xi32>
        %convert_element_type3A_729 = arith.sitofp %convert_element_type3A_724 : vector<16xi32> to vector<16xf32>
        %convert_element_type3A_730 = arith.sitofp %convert_element_type3A_728 : vector<16xi32> to vector<16xf32>
        %mul3A_731 = arith.constant 8.000000e+00 : f32
        %mul3A_732 = vector.broadcast %mul3A_731 : f32 to vector<16xf32>
        %mul3A_733 = arith.mulf %convert_element_type3A_729, %mul3A_732 : vector<16xf32>
        %sub3A_734 = arith.subf %get3A_139, %mul3A_733 : vector<16xf32>
        %mul3A_735 = arith.constant 1.250000e-01 : f32
        %mul3A_736 = vector.broadcast %mul3A_735 : f32 to vector<16xf32>
        %mul3A_737 = arith.mulf %sub3A_734, %mul3A_736 : vector<16xf32>
        %mul3A_738 = arith.constant 8.000000e+00 : f32
        %mul3A_739 = vector.broadcast %mul3A_738 : f32 to vector<16xf32>
        %mul3A_740 = arith.mulf %convert_element_type3A_730, %mul3A_739 : vector<16xf32>
        %sub3A_741 = arith.subf %get3A_141, %mul3A_740 : vector<16xf32>
        %mul3A_742 = arith.constant 1.250000e-01 : f32
        %mul3A_743 = vector.broadcast %mul3A_742 : f32 to vector<16xf32>
        %mul3A_744 = arith.mulf %sub3A_741, %mul3A_743 : vector<16xf32>
        %mul3A_745 = arith.constant 64 : i32
        %mul3A_746 = vector.broadcast %mul3A_745 : i32 to vector<16xi32>
        %mul3A_747 = arith.muli %convert_element_type3A_724, %mul3A_746 : vector<16xi32>
        %add3A_748 = arith.addi %mul3A_747, %convert_element_type3A_728 : vector<16xi32>
        %mul3A_749 = arith.constant 2 : i32
        %mul3A_750 = vector.broadcast %mul3A_749 : i32 to vector<16xi32>
        %mul3A_751 = arith.muli %mul3A_750, %add3A_748 : vector<16xi32>
        %add3A_752 = arith.constant 13554 : i32
        %add3A_753 = vector.broadcast %add3A_752 : i32 to vector<16xi32>
        %add3A_754 = arith.addi %add3A_753, %mul3A_751 : vector<16xi32>
        %add3A_755 = arith.constant 0 : i32
        %add3A_756 = vector.broadcast %add3A_755 : i32 to vector<16xi32>
        %add3A_757 = arith.addi %add3A_754, %add3A_756 : vector<16xi32>
        %gather3A_758 = tpu.vector_load_idx %arg12[%add3A_757] : memref<89216xf32, #tpu.memory_space<vmem>>[vector<16xi32>], vector<16xf32>,
        %add3A_759 = arith.constant 1 : i32
        %add3A_760 = vector.broadcast %add3A_759 : i32 to vector<16xi32>
        %add3A_761 = arith.addi %add3A_754, %add3A_760 : vector<16xi32>
        %gather3A_762 = tpu.vector_load_idx %arg12[%add3A_761] : memref<89216xf32, #tpu.memory_space<vmem>>[vector<16xi32>], vector<16xf32>,
        %add3A_763 = arith.constant 2 : i32
        %add3A_764 = vector.broadcast %add3A_763 : i32 to vector<16xi32>
        %add3A_765 = arith.addi %add3A_754, %add3A_764 : vector<16xi32>
        %gather3A_766 = tpu.vector_load_idx %arg12[%add3A_765] : memref<89216xf32, #tpu.memory_space<vmem>>[vector<16xi32>], vector<16xf32>,
        %add3A_767 = arith.constant 3 : i32
        %add3A_768 = vector.broadcast %add3A_767 : i32 to vector<16xi32>
        %add3A_769 = arith.addi %add3A_754, %add3A_768 : vector<16xi32>
        %gather3A_770 = tpu.vector_load_idx %arg12[%add3A_769] : memref<89216xf32, #tpu.memory_space<vmem>>[vector<16xi32>], vector<16xf32>,
        %add3A_771 = arith.constant 128 : i32
        %add3A_772 = vector.broadcast %add3A_771 : i32 to vector<16xi32>
        %add3A_773 = arith.addi %add3A_754, %add3A_772 : vector<16xi32>
        %gather3A_774 = tpu.vector_load_idx %arg12[%add3A_773] : memref<89216xf32, #tpu.memory_space<vmem>>[vector<16xi32>], vector<16xf32>,
        %add3A_775 = arith.constant 129 : i32
        %add3A_776 = vector.broadcast %add3A_775 : i32 to vector<16xi32>
        %add3A_777 = arith.addi %add3A_754, %add3A_776 : vector<16xi32>
        %gather3A_778 = tpu.vector_load_idx %arg12[%add3A_777] : memref<89216xf32, #tpu.memory_space<vmem>>[vector<16xi32>], vector<16xf32>,
        %add3A_779 = arith.constant 130 : i32
        %add3A_780 = vector.broadcast %add3A_779 : i32 to vector<16xi32>
        %add3A_781 = arith.addi %add3A_754, %add3A_780 : vector<16xi32>
        %gather3A_782 = tpu.vector_load_idx %arg12[%add3A_781] : memref<89216xf32, #tpu.memory_space<vmem>>[vector<16xi32>], vector<16xf32>,
        %add3A_783 = arith.constant 131 : i32
        %add3A_784 = vector.broadcast %add3A_783 : i32 to vector<16xi32>
        %add3A_785 = arith.addi %add3A_754, %add3A_784 : vector<16xi32>
        %gather3A_786 = tpu.vector_load_idx %arg12[%add3A_785] : memref<89216xf32, #tpu.memory_space<vmem>>[vector<16xi32>], vector<16xf32>,
        %sub3A_787 = arith.constant 1.000000e+00 : f32
        %sub3A_788 = vector.broadcast %sub3A_787 : f32 to vector<16xf32>
        %sub3A_789 = arith.subf %sub3A_788, %mul3A_744 : vector<16xf32>
        %sub3A_790 = arith.constant 1.000000e+00 : f32
        %sub3A_791 = vector.broadcast %sub3A_790 : f32 to vector<16xf32>
        %sub3A_792 = arith.subf %sub3A_791, %mul3A_737 : vector<16xf32>
        %mul3A_793 = arith.mulf %gather3A_758, %sub3A_789 : vector<16xf32>
        %mul3A_794 = arith.mulf %gather3A_766, %mul3A_744 : vector<16xf32>
        %add3A_795 = arith.addf %mul3A_793, %mul3A_794 : vector<16xf32>
        %mul3A_796 = arith.mulf %gather3A_762, %sub3A_789 : vector<16xf32>
        %mul3A_797 = arith.mulf %gather3A_770, %mul3A_744 : vector<16xf32>
        %add3A_798 = arith.addf %mul3A_796, %mul3A_797 : vector<16xf32>
        %mul3A_799 = arith.mulf %gather3A_774, %sub3A_789 : vector<16xf32>
        %mul3A_800 = arith.mulf %gather3A_782, %mul3A_744 : vector<16xf32>
        %add3A_801 = arith.addf %mul3A_799, %mul3A_800 : vector<16xf32>
        %mul3A_802 = arith.mulf %gather3A_778, %sub3A_789 : vector<16xf32>
        %mul3A_803 = arith.mulf %gather3A_786, %mul3A_744 : vector<16xf32>
        %add3A_804 = arith.addf %mul3A_802, %mul3A_803 : vector<16xf32>
        %mul3A_805 = arith.mulf %add3A_795, %sub3A_792 : vector<16xf32>
        %mul3A_806 = arith.mulf %add3A_801, %mul3A_737 : vector<16xf32>
        %add3A_807 = arith.addf %mul3A_805, %mul3A_806 : vector<16xf32>
        %mul3A_808 = arith.mulf %add3A_798, %sub3A_792 : vector<16xf32>
        %mul3A_809 = arith.mulf %add3A_804, %mul3A_737 : vector<16xf32>
        %add3A_810 = arith.addf %mul3A_808, %mul3A_809 : vector<16xf32>
        %add3A_811 = arith.constant 12 : i32
        %add3A_812 = vector.broadcast %add3A_811 : i32 to vector<16xi32>
        %add3A_813 = arith.addi %mul3A_146, %add3A_812 : vector<16xi32>
        tpu.vector_store_idx %arg15[%add3A_813], %add3A_807 : memref<8192xf32, #tpu.memory_space<vmem>>[vector<16xi32>], vector<16xf32>,
        %add3A_814 = arith.constant 13 : i32
        %add3A_815 = vector.broadcast %add3A_814 : i32 to vector<16xi32>
        %add3A_816 = arith.addi %mul3A_146, %add3A_815 : vector<16xi32>
        tpu.vector_store_idx %arg15[%add3A_816], %add3A_810 : memref<8192xf32, #tpu.memory_space<vmem>>[vector<16xi32>], vector<16xf32>,
        %mul3A_817 = arith.constant 1.562500e-01 : f32
        %mul3A_818 = vector.broadcast %mul3A_817 : f32 to vector<16xf32>
        %mul3A_819 = arith.mulf %get3A_139, %mul3A_818 : vector<16xf32>
        %convert_element_type3A_820 = arith.fptosi %mul3A_819 : vector<16xf32> to vector<16xi32>
        %mul3A_821 = arith.constant 1.562500e-01 : f32
        %mul3A_822 = vector.broadcast %mul3A_821 : f32 to vector<16xf32>
        %mul3A_823 = arith.mulf %get3A_141, %mul3A_822 : vector<16xf32>
        %convert_element_type3A_824 = arith.fptosi %mul3A_823 : vector<16xf32> to vector<16xi32>
        %convert_element_type3A_825 = arith.sitofp %convert_element_type3A_820 : vector<16xi32> to vector<16xf32>
        %convert_element_type3A_826 = arith.sitofp %convert_element_type3A_824 : vector<16xi32> to vector<16xf32>
        %mul3A_827 = arith.constant 6.400000e+00 : f32
        %mul3A_828 = vector.broadcast %mul3A_827 : f32 to vector<16xf32>
        %mul3A_829 = arith.mulf %convert_element_type3A_825, %mul3A_828 : vector<16xf32>
        %sub3A_830 = arith.subf %get3A_139, %mul3A_829 : vector<16xf32>
        %mul3A_831 = arith.constant 1.562500e-01 : f32
        %mul3A_832 = vector.broadcast %mul3A_831 : f32 to vector<16xf32>
        %mul3A_833 = arith.mulf %sub3A_830, %mul3A_832 : vector<16xf32>
        %mul3A_834 = arith.constant 6.400000e+00 : f32
        %mul3A_835 = vector.broadcast %mul3A_834 : f32 to vector<16xf32>
        %mul3A_836 = arith.mulf %convert_element_type3A_826, %mul3A_835 : vector<16xf32>
        %sub3A_837 = arith.subf %get3A_141, %mul3A_836 : vector<16xf32>
        %mul3A_838 = arith.constant 1.562500e-01 : f32
        %mul3A_839 = vector.broadcast %mul3A_838 : f32 to vector<16xf32>
        %mul3A_840 = arith.mulf %sub3A_837, %mul3A_839 : vector<16xf32>
        %mul3A_841 = arith.constant 80 : i32
        %mul3A_842 = vector.broadcast %mul3A_841 : i32 to vector<16xi32>
        %mul3A_843 = arith.muli %convert_element_type3A_820, %mul3A_842 : vector<16xi32>
        %add3A_844 = arith.addi %mul3A_843, %convert_element_type3A_824 : vector<16xi32>
        %mul3A_845 = arith.constant 2 : i32
        %mul3A_846 = vector.broadcast %mul3A_845 : i32 to vector<16xi32>
        %mul3A_847 = arith.muli %mul3A_846, %add3A_844 : vector<16xi32>
        %add3A_848 = arith.constant 22004 : i32
        %add3A_849 = vector.broadcast %add3A_848 : i32 to vector<16xi32>
        %add3A_850 = arith.addi %add3A_849, %mul3A_847 : vector<16xi32>
        %add3A_851 = arith.constant 0 : i32
        %add3A_852 = vector.broadcast %add3A_851 : i32 to vector<16xi32>
        %add3A_853 = arith.addi %add3A_850, %add3A_852 : vector<16xi32>
        %gather3A_854 = tpu.vector_load_idx %arg12[%add3A_853] : memref<89216xf32, #tpu.memory_space<vmem>>[vector<16xi32>], vector<16xf32>,
        %add3A_855 = arith.constant 1 : i32
        %add3A_856 = vector.broadcast %add3A_855 : i32 to vector<16xi32>
        %add3A_857 = arith.addi %add3A_850, %add3A_856 : vector<16xi32>
        %gather3A_858 = tpu.vector_load_idx %arg12[%add3A_857] : memref<89216xf32, #tpu.memory_space<vmem>>[vector<16xi32>], vector<16xf32>,
        %add3A_859 = arith.constant 2 : i32
        %add3A_860 = vector.broadcast %add3A_859 : i32 to vector<16xi32>
        %add3A_861 = arith.addi %add3A_850, %add3A_860 : vector<16xi32>
        %gather3A_862 = tpu.vector_load_idx %arg12[%add3A_861] : memref<89216xf32, #tpu.memory_space<vmem>>[vector<16xi32>], vector<16xf32>,
        %add3A_863 = arith.constant 3 : i32
        %add3A_864 = vector.broadcast %add3A_863 : i32 to vector<16xi32>
        %add3A_865 = arith.addi %add3A_850, %add3A_864 : vector<16xi32>
        %gather3A_866 = tpu.vector_load_idx %arg12[%add3A_865] : memref<89216xf32, #tpu.memory_space<vmem>>[vector<16xi32>], vector<16xf32>,
        %add3A_867 = arith.constant 160 : i32
        %add3A_868 = vector.broadcast %add3A_867 : i32 to vector<16xi32>
        %add3A_869 = arith.addi %add3A_850, %add3A_868 : vector<16xi32>
        %gather3A_870 = tpu.vector_load_idx %arg12[%add3A_869] : memref<89216xf32, #tpu.memory_space<vmem>>[vector<16xi32>], vector<16xf32>,
        %add3A_871 = arith.constant 161 : i32
        %add3A_872 = vector.broadcast %add3A_871 : i32 to vector<16xi32>
        %add3A_873 = arith.addi %add3A_850, %add3A_872 : vector<16xi32>
        %gather3A_874 = tpu.vector_load_idx %arg12[%add3A_873] : memref<89216xf32, #tpu.memory_space<vmem>>[vector<16xi32>], vector<16xf32>,
        %add3A_875 = arith.constant 162 : i32
        %add3A_876 = vector.broadcast %add3A_875 : i32 to vector<16xi32>
        %add3A_877 = arith.addi %add3A_850, %add3A_876 : vector<16xi32>
        %gather3A_878 = tpu.vector_load_idx %arg12[%add3A_877] : memref<89216xf32, #tpu.memory_space<vmem>>[vector<16xi32>], vector<16xf32>,
        %add3A_879 = arith.constant 163 : i32
        %add3A_880 = vector.broadcast %add3A_879 : i32 to vector<16xi32>
        %add3A_881 = arith.addi %add3A_850, %add3A_880 : vector<16xi32>
        %gather3A_882 = tpu.vector_load_idx %arg12[%add3A_881] : memref<89216xf32, #tpu.memory_space<vmem>>[vector<16xi32>], vector<16xf32>,
        %sub3A_883 = arith.constant 1.000000e+00 : f32
        %sub3A_884 = vector.broadcast %sub3A_883 : f32 to vector<16xf32>
        %sub3A_885 = arith.subf %sub3A_884, %mul3A_840 : vector<16xf32>
        %sub3A_886 = arith.constant 1.000000e+00 : f32
        %sub3A_887 = vector.broadcast %sub3A_886 : f32 to vector<16xf32>
        %sub3A_888 = arith.subf %sub3A_887, %mul3A_833 : vector<16xf32>
        %mul3A_889 = arith.mulf %gather3A_854, %sub3A_885 : vector<16xf32>
        %mul3A_890 = arith.mulf %gather3A_862, %mul3A_840 : vector<16xf32>
        %add3A_891 = arith.addf %mul3A_889, %mul3A_890 : vector<16xf32>
        %mul3A_892 = arith.mulf %gather3A_858, %sub3A_885 : vector<16xf32>
        %mul3A_893 = arith.mulf %gather3A_866, %mul3A_840 : vector<16xf32>
        %add3A_894 = arith.addf %mul3A_892, %mul3A_893 : vector<16xf32>
        %mul3A_895 = arith.mulf %gather3A_870, %sub3A_885 : vector<16xf32>
        %mul3A_896 = arith.mulf %gather3A_878, %mul3A_840 : vector<16xf32>
        %add3A_897 = arith.addf %mul3A_895, %mul3A_896 : vector<16xf32>
        %mul3A_898 = arith.mulf %gather3A_874, %sub3A_885 : vector<16xf32>
        %mul3A_899 = arith.mulf %gather3A_882, %mul3A_840 : vector<16xf32>
        %add3A_900 = arith.addf %mul3A_898, %mul3A_899 : vector<16xf32>
        %mul3A_901 = arith.mulf %add3A_891, %sub3A_888 : vector<16xf32>
        %mul3A_902 = arith.mulf %add3A_897, %mul3A_833 : vector<16xf32>
        %add3A_903 = arith.addf %mul3A_901, %mul3A_902 : vector<16xf32>
        %mul3A_904 = arith.mulf %add3A_894, %sub3A_888 : vector<16xf32>
        %mul3A_905 = arith.mulf %add3A_900, %mul3A_833 : vector<16xf32>
        %add3A_906 = arith.addf %mul3A_904, %mul3A_905 : vector<16xf32>
        %add3A_907 = arith.constant 14 : i32
        %add3A_908 = vector.broadcast %add3A_907 : i32 to vector<16xi32>
        %add3A_909 = arith.addi %mul3A_146, %add3A_908 : vector<16xi32>
        tpu.vector_store_idx %arg15[%add3A_909], %add3A_903 : memref<8192xf32, #tpu.memory_space<vmem>>[vector<16xi32>], vector<16xf32>,
        %add3A_910 = arith.constant 15 : i32
        %add3A_911 = vector.broadcast %add3A_910 : i32 to vector<16xi32>
        %add3A_912 = arith.addi %mul3A_146, %add3A_911 : vector<16xi32>
        tpu.vector_store_idx %arg15[%add3A_912], %add3A_906 : memref<8192xf32, #tpu.memory_space<vmem>>[vector<16xi32>], vector<16xf32>,
        %mul3A_913 = arith.constant 0.197265625 : f32
        %mul3A_914 = vector.broadcast %mul3A_913 : f32 to vector<16xf32>
        %mul3A_915 = arith.mulf %get3A_139, %mul3A_914 : vector<16xf32>
        %convert_element_type3A_916 = arith.fptosi %mul3A_915 : vector<16xf32> to vector<16xi32>
        %mul3A_917 = arith.constant 0.197265625 : f32
        %mul3A_918 = vector.broadcast %mul3A_917 : f32 to vector<16xf32>
        %mul3A_919 = arith.mulf %get3A_141, %mul3A_918 : vector<16xf32>
        %convert_element_type3A_920 = arith.fptosi %mul3A_919 : vector<16xf32> to vector<16xi32>
        %convert_element_type3A_921 = arith.sitofp %convert_element_type3A_916 : vector<16xi32> to vector<16xf32>
        %convert_element_type3A_922 = arith.sitofp %convert_element_type3A_920 : vector<16xi32> to vector<16xf32>
        %mul3A_923 = arith.constant 5.06930685 : f32
        %mul3A_924 = vector.broadcast %mul3A_923 : f32 to vector<16xf32>
        %mul3A_925 = arith.mulf %convert_element_type3A_921, %mul3A_924 : vector<16xf32>
        %sub3A_926 = arith.subf %get3A_139, %mul3A_925 : vector<16xf32>
        %mul3A_927 = arith.constant 0.197265625 : f32
        %mul3A_928 = vector.broadcast %mul3A_927 : f32 to vector<16xf32>
        %mul3A_929 = arith.mulf %sub3A_926, %mul3A_928 : vector<16xf32>
        %mul3A_930 = arith.constant 5.06930685 : f32
        %mul3A_931 = vector.broadcast %mul3A_930 : f32 to vector<16xf32>
        %mul3A_932 = arith.mulf %convert_element_type3A_922, %mul3A_931 : vector<16xf32>
        %sub3A_933 = arith.subf %get3A_141, %mul3A_932 : vector<16xf32>
        %mul3A_934 = arith.constant 0.197265625 : f32
        %mul3A_935 = vector.broadcast %mul3A_934 : f32 to vector<16xf32>
        %mul3A_936 = arith.mulf %sub3A_933, %mul3A_935 : vector<16xf32>
        %mul3A_937 = arith.constant 101 : i32
        %mul3A_938 = vector.broadcast %mul3A_937 : i32 to vector<16xi32>
        %mul3A_939 = arith.muli %convert_element_type3A_916, %mul3A_938 : vector<16xi32>
        %add3A_940 = arith.addi %mul3A_939, %convert_element_type3A_920 : vector<16xi32>
        %mul3A_941 = arith.constant 2 : i32
        %mul3A_942 = vector.broadcast %mul3A_941 : i32 to vector<16xi32>
        %mul3A_943 = arith.muli %mul3A_942, %add3A_940 : vector<16xi32>
        %add3A_944 = arith.constant 35126 : i32
        %add3A_945 = vector.broadcast %add3A_944 : i32 to vector<16xi32>
        %add3A_946 = arith.addi %add3A_945, %mul3A_943 : vector<16xi32>
        %add3A_947 = arith.constant 0 : i32
        %add3A_948 = vector.broadcast %add3A_947 : i32 to vector<16xi32>
        %add3A_949 = arith.addi %add3A_946, %add3A_948 : vector<16xi32>
        %gather3A_950 = tpu.vector_load_idx %arg12[%add3A_949] : memref<89216xf32, #tpu.memory_space<vmem>>[vector<16xi32>], vector<16xf32>,
        %add3A_951 = arith.constant 1 : i32
        %add3A_952 = vector.broadcast %add3A_951 : i32 to vector<16xi32>
        %add3A_953 = arith.addi %add3A_946, %add3A_952 : vector<16xi32>
        %gather3A_954 = tpu.vector_load_idx %arg12[%add3A_953] : memref<89216xf32, #tpu.memory_space<vmem>>[vector<16xi32>], vector<16xf32>,
        %add3A_955 = arith.constant 2 : i32
        %add3A_956 = vector.broadcast %add3A_955 : i32 to vector<16xi32>
        %add3A_957 = arith.addi %add3A_946, %add3A_956 : vector<16xi32>
        %gather3A_958 = tpu.vector_load_idx %arg12[%add3A_957] : memref<89216xf32, #tpu.memory_space<vmem>>[vector<16xi32>], vector<16xf32>,
        %add3A_959 = arith.constant 3 : i32
        %add3A_960 = vector.broadcast %add3A_959 : i32 to vector<16xi32>
        %add3A_961 = arith.addi %add3A_946, %add3A_960 : vector<16xi32>
        %gather3A_962 = tpu.vector_load_idx %arg12[%add3A_961] : memref<89216xf32, #tpu.memory_space<vmem>>[vector<16xi32>], vector<16xf32>,
        %add3A_963 = arith.constant 202 : i32
        %add3A_964 = vector.broadcast %add3A_963 : i32 to vector<16xi32>
        %add3A_965 = arith.addi %add3A_946, %add3A_964 : vector<16xi32>
        %gather3A_966 = tpu.vector_load_idx %arg12[%add3A_965] : memref<89216xf32, #tpu.memory_space<vmem>>[vector<16xi32>], vector<16xf32>,
        %add3A_967 = arith.constant 203 : i32
        %add3A_968 = vector.broadcast %add3A_967 : i32 to vector<16xi32>
        %add3A_969 = arith.addi %add3A_946, %add3A_968 : vector<16xi32>
        %gather3A_970 = tpu.vector_load_idx %arg12[%add3A_969] : memref<89216xf32, #tpu.memory_space<vmem>>[vector<16xi32>], vector<16xf32>,
        %add3A_971 = arith.constant 204 : i32
        %add3A_972 = vector.broadcast %add3A_971 : i32 to vector<16xi32>
        %add3A_973 = arith.addi %add3A_946, %add3A_972 : vector<16xi32>
        %gather3A_974 = tpu.vector_load_idx %arg12[%add3A_973] : memref<89216xf32, #tpu.memory_space<vmem>>[vector<16xi32>], vector<16xf32>,
        %add3A_975 = arith.constant 205 : i32
        %add3A_976 = vector.broadcast %add3A_975 : i32 to vector<16xi32>
        %add3A_977 = arith.addi %add3A_946, %add3A_976 : vector<16xi32>
        %gather3A_978 = tpu.vector_load_idx %arg12[%add3A_977] : memref<89216xf32, #tpu.memory_space<vmem>>[vector<16xi32>], vector<16xf32>,
        %sub3A_979 = arith.constant 1.000000e+00 : f32
        %sub3A_980 = vector.broadcast %sub3A_979 : f32 to vector<16xf32>
        %sub3A_981 = arith.subf %sub3A_980, %mul3A_936 : vector<16xf32>
        %sub3A_982 = arith.constant 1.000000e+00 : f32
        %sub3A_983 = vector.broadcast %sub3A_982 : f32 to vector<16xf32>
        %sub3A_984 = arith.subf %sub3A_983, %mul3A_929 : vector<16xf32>
        %mul3A_985 = arith.mulf %gather3A_950, %sub3A_981 : vector<16xf32>
        %mul3A_986 = arith.mulf %gather3A_958, %mul3A_936 : vector<16xf32>
        %add3A_987 = arith.addf %mul3A_985, %mul3A_986 : vector<16xf32>
        %mul3A_988 = arith.mulf %gather3A_954, %sub3A_981 : vector<16xf32>
        %mul3A_989 = arith.mulf %gather3A_962, %mul3A_936 : vector<16xf32>
        %add3A_990 = arith.addf %mul3A_988, %mul3A_989 : vector<16xf32>
        %mul3A_991 = arith.mulf %gather3A_966, %sub3A_981 : vector<16xf32>
        %mul3A_992 = arith.mulf %gather3A_974, %mul3A_936 : vector<16xf32>
        %add3A_993 = arith.addf %mul3A_991, %mul3A_992 : vector<16xf32>
        %mul3A_994 = arith.mulf %gather3A_970, %sub3A_981 : vector<16xf32>
        %mul3A_995 = arith.mulf %gather3A_978, %mul3A_936 : vector<16xf32>
        %add3A_996 = arith.addf %mul3A_994, %mul3A_995 : vector<16xf32>
        %mul3A_997 = arith.mulf %add3A_987, %sub3A_984 : vector<16xf32>
        %mul3A_998 = arith.mulf %add3A_993, %mul3A_929 : vector<16xf32>
        %add3A_999 = arith.addf %mul3A_997, %mul3A_998 : vector<16xf32>
        %mul3A_1000 = arith.mulf %add3A_990, %sub3A_984 : vector<16xf32>
        %mul3A_1001 = arith.mulf %add3A_996, %mul3A_929 : vector<16xf32>
        %add3A_1002 = arith.addf %mul3A_1000, %mul3A_1001 : vector<16xf32>
        %add3A_1003 = arith.constant 16 : i32
        %add3A_1004 = vector.broadcast %add3A_1003 : i32 to vector<16xi32>
        %add3A_1005 = arith.addi %mul3A_146, %add3A_1004 : vector<16xi32>
        tpu.vector_store_idx %arg15[%add3A_1005], %add3A_999 : memref<8192xf32, #tpu.memory_space<vmem>>[vector<16xi32>], vector<16xf32>,
        %add3A_1006 = arith.constant 17 : i32
        %add3A_1007 = vector.broadcast %add3A_1006 : i32 to vector<16xi32>
        %add3A_1008 = arith.addi %mul3A_146, %add3A_1007 : vector<16xi32>
        tpu.vector_store_idx %arg15[%add3A_1008], %add3A_1002 : memref<8192xf32, #tpu.memory_space<vmem>>[vector<16xi32>], vector<16xf32>,
        %mul3A_1009 = arith.constant 2.500000e-01 : f32
        %mul3A_1010 = vector.broadcast %mul3A_1009 : f32 to vector<16xf32>
        %mul3A_1011 = arith.mulf %get3A_139, %mul3A_1010 : vector<16xf32>
        %convert_element_type3A_1012 = arith.fptosi %mul3A_1011 : vector<16xf32> to vector<16xi32>
        %mul3A_1013 = arith.constant 2.500000e-01 : f32
        %mul3A_1014 = vector.broadcast %mul3A_1013 : f32 to vector<16xf32>
        %mul3A_1015 = arith.mulf %get3A_141, %mul3A_1014 : vector<16xf32>
        %convert_element_type3A_1016 = arith.fptosi %mul3A_1015 : vector<16xf32> to vector<16xi32>
        %convert_element_type3A_1017 = arith.sitofp %convert_element_type3A_1012 : vector<16xi32> to vector<16xf32>
        %convert_element_type3A_1018 = arith.sitofp %convert_element_type3A_1016 : vector<16xi32> to vector<16xf32>
        %mul3A_1019 = arith.constant 4.000000e+00 : f32
        %mul3A_1020 = vector.broadcast %mul3A_1019 : f32 to vector<16xf32>
        %mul3A_1021 = arith.mulf %convert_element_type3A_1017, %mul3A_1020 : vector<16xf32>
        %sub3A_1022 = arith.subf %get3A_139, %mul3A_1021 : vector<16xf32>
        %mul3A_1023 = arith.constant 2.500000e-01 : f32
        %mul3A_1024 = vector.broadcast %mul3A_1023 : f32 to vector<16xf32>
        %mul3A_1025 = arith.mulf %sub3A_1022, %mul3A_1024 : vector<16xf32>
        %mul3A_1026 = arith.constant 4.000000e+00 : f32
        %mul3A_1027 = vector.broadcast %mul3A_1026 : f32 to vector<16xf32>
        %mul3A_1028 = arith.mulf %convert_element_type3A_1018, %mul3A_1027 : vector<16xf32>
        %sub3A_1029 = arith.subf %get3A_141, %mul3A_1028 : vector<16xf32>
        %mul3A_1030 = arith.constant 2.500000e-01 : f32
        %mul3A_1031 = vector.broadcast %mul3A_1030 : f32 to vector<16xf32>
        %mul3A_1032 = arith.mulf %sub3A_1029, %mul3A_1031 : vector<16xf32>
        %mul3A_1033 = arith.constant 128 : i32
        %mul3A_1034 = vector.broadcast %mul3A_1033 : i32 to vector<16xi32>
        %mul3A_1035 = arith.muli %convert_element_type3A_1012, %mul3A_1034 : vector<16xi32>
        %add3A_1036 = arith.addi %mul3A_1035, %convert_element_type3A_1016 : vector<16xi32>
        %mul3A_1037 = arith.constant 2 : i32
        %mul3A_1038 = vector.broadcast %mul3A_1037 : i32 to vector<16xi32>
        %mul3A_1039 = arith.muli %mul3A_1038, %add3A_1036 : vector<16xi32>
        %add3A_1040 = arith.constant 55934 : i32
        %add3A_1041 = vector.broadcast %add3A_1040 : i32 to vector<16xi32>
        %add3A_1042 = arith.addi %add3A_1041, %mul3A_1039 : vector<16xi32>
        %add3A_1043 = arith.constant 0 : i32
        %add3A_1044 = vector.broadcast %add3A_1043 : i32 to vector<16xi32>
        %add3A_1045 = arith.addi %add3A_1042, %add3A_1044 : vector<16xi32>
        %gather3A_1046 = tpu.vector_load_idx %arg12[%add3A_1045] : memref<89216xf32, #tpu.memory_space<vmem>>[vector<16xi32>], vector<16xf32>,
        %add3A_1047 = arith.constant 1 : i32
        %add3A_1048 = vector.broadcast %add3A_1047 : i32 to vector<16xi32>
        %add3A_1049 = arith.addi %add3A_1042, %add3A_1048 : vector<16xi32>
        %gather3A_1050 = tpu.vector_load_idx %arg12[%add3A_1049] : memref<89216xf32, #tpu.memory_space<vmem>>[vector<16xi32>], vector<16xf32>,
        %add3A_1051 = arith.constant 2 : i32
        %add3A_1052 = vector.broadcast %add3A_1051 : i32 to vector<16xi32>
        %add3A_1053 = arith.addi %add3A_1042, %add3A_1052 : vector<16xi32>
        %gather3A_1054 = tpu.vector_load_idx %arg12[%add3A_1053] : memref<89216xf32, #tpu.memory_space<vmem>>[vector<16xi32>], vector<16xf32>,
        %add3A_1055 = arith.constant 3 : i32
        %add3A_1056 = vector.broadcast %add3A_1055 : i32 to vector<16xi32>
        %add3A_1057 = arith.addi %add3A_1042, %add3A_1056 : vector<16xi32>
        %gather3A_1058 = tpu.vector_load_idx %arg12[%add3A_1057] : memref<89216xf32, #tpu.memory_space<vmem>>[vector<16xi32>], vector<16xf32>,
        %add3A_1059 = arith.constant 256 : i32
        %add3A_1060 = vector.broadcast %add3A_1059 : i32 to vector<16xi32>
        %add3A_1061 = arith.addi %add3A_1042, %add3A_1060 : vector<16xi32>
        %gather3A_1062 = tpu.vector_load_idx %arg12[%add3A_1061] : memref<89216xf32, #tpu.memory_space<vmem>>[vector<16xi32>], vector<16xf32>,
        %add3A_1063 = arith.constant 257 : i32
        %add3A_1064 = vector.broadcast %add3A_1063 : i32 to vector<16xi32>
        %add3A_1065 = arith.addi %add3A_1042, %add3A_1064 : vector<16xi32>
        %gather3A_1066 = tpu.vector_load_idx %arg12[%add3A_1065] : memref<89216xf32, #tpu.memory_space<vmem>>[vector<16xi32>], vector<16xf32>,
        %add3A_1067 = arith.constant 258 : i32
        %add3A_1068 = vector.broadcast %add3A_1067 : i32 to vector<16xi32>
        %add3A_1069 = arith.addi %add3A_1042, %add3A_1068 : vector<16xi32>
        %gather3A_1070 = tpu.vector_load_idx %arg12[%add3A_1069] : memref<89216xf32, #tpu.memory_space<vmem>>[vector<16xi32>], vector<16xf32>,
        %add3A_1071 = arith.constant 259 : i32
        %add3A_1072 = vector.broadcast %add3A_1071 : i32 to vector<16xi32>
        %add3A_1073 = arith.addi %add3A_1042, %add3A_1072 : vector<16xi32>
        %gather3A_1074 = tpu.vector_load_idx %arg12[%add3A_1073] : memref<89216xf32, #tpu.memory_space<vmem>>[vector<16xi32>], vector<16xf32>,
        %sub3A_1075 = arith.constant 1.000000e+00 : f32
        %sub3A_1076 = vector.broadcast %sub3A_1075 : f32 to vector<16xf32>
        %sub3A_1077 = arith.subf %sub3A_1076, %mul3A_1032 : vector<16xf32>
        %sub3A_1078 = arith.constant 1.000000e+00 : f32
        %sub3A_1079 = vector.broadcast %sub3A_1078 : f32 to vector<16xf32>
        %sub3A_1080 = arith.subf %sub3A_1079, %mul3A_1025 : vector<16xf32>
        %mul3A_1081 = arith.mulf %gather3A_1046, %sub3A_1077 : vector<16xf32>
        %mul3A_1082 = arith.mulf %gather3A_1054, %mul3A_1032 : vector<16xf32>
        %add3A_1083 = arith.addf %mul3A_1081, %mul3A_1082 : vector<16xf32>
        %mul3A_1084 = arith.mulf %gather3A_1050, %sub3A_1077 : vector<16xf32>
        %mul3A_1085 = arith.mulf %gather3A_1058, %mul3A_1032 : vector<16xf32>
        %add3A_1086 = arith.addf %mul3A_1084, %mul3A_1085 : vector<16xf32>
        %mul3A_1087 = arith.mulf %gather3A_1062, %sub3A_1077 : vector<16xf32>
        %mul3A_1088 = arith.mulf %gather3A_1070, %mul3A_1032 : vector<16xf32>
        %add3A_1089 = arith.addf %mul3A_1087, %mul3A_1088 : vector<16xf32>
        %mul3A_1090 = arith.mulf %gather3A_1066, %sub3A_1077 : vector<16xf32>
        %mul3A_1091 = arith.mulf %gather3A_1074, %mul3A_1032 : vector<16xf32>
        %add3A_1092 = arith.addf %mul3A_1090, %mul3A_1091 : vector<16xf32>
        %mul3A_1093 = arith.mulf %add3A_1083, %sub3A_1080 : vector<16xf32>
        %mul3A_1094 = arith.mulf %add3A_1089, %mul3A_1025 : vector<16xf32>
        %add3A_1095 = arith.addf %mul3A_1093, %mul3A_1094 : vector<16xf32>
        %mul3A_1096 = arith.mulf %add3A_1086, %sub3A_1080 : vector<16xf32>
        %mul3A_1097 = arith.mulf %add3A_1092, %mul3A_1025 : vector<16xf32>
        %add3A_1098 = arith.addf %mul3A_1096, %mul3A_1097 : vector<16xf32>
        %add3A_1099 = arith.constant 18 : i32
        %add3A_1100 = vector.broadcast %add3A_1099 : i32 to vector<16xi32>
        %add3A_1101 = arith.addi %mul3A_146, %add3A_1100 : vector<16xi32>
        tpu.vector_store_idx %arg15[%add3A_1101], %add3A_1095 : memref<8192xf32, #tpu.memory_space<vmem>>[vector<16xi32>], vector<16xf32>,
        %add3A_1102 = arith.constant 19 : i32
        %add3A_1103 = vector.broadcast %add3A_1102 : i32 to vector<16xi32>
        %add3A_1104 = arith.addi %mul3A_146, %add3A_1103 : vector<16xi32>
        tpu.vector_store_idx %arg15[%add3A_1104], %add3A_1098 : memref<8192xf32, #tpu.memory_space<vmem>>[vector<16xi32>], vector<16xf32>,
      }
      %scan3A_37 = arith.constant 16 : i32
      %scan3A_38 = arith.constant 0 : i32
      %scan3A_39 = arith.constant 0 : i32
      %scan3A_40 = arith.constant 4 : i32
      %scan3A_41 = arith.addi %scan3A_39, %scan3A_40 : i32
      %scan3A_42 = arith.constant 1 : i32
      scf.for %scan3A_136 = %scan3A_39 to %scan3A_41 step %scan3A_42  : i32 {
        %mul3A_137 = arith.constant 512 : i32
        %mul3A_138 = arith.muli %scan3A_136, %mul3A_137 : i32
        %mul3A_139 = arith.constant 512 : i32
        %mul3A_140 = arith.muli %scan3A_136, %mul3A_139 : i32
        %dma_wait3A = tpu.memref_slice %arg22[%mul3A_140] : memref<2048xf32, #tpu.memory_space<vmem>> -> memref<512xf32, #tpu.memory_space<vmem>>
        %dma_wait3A_141 = tpu.memref_slice %arg16[%mul3A_138] : memref<2048xi32, #tpu.memory_space<vmem>> -> memref<512xi32, #tpu.memory_space<vmem>>
        %dma_wait3A_142 = arith.constant 0 : i32
        %dma_wait3A_143 = tpu.memref_slice %arg28[%dma_wait3A_142] : memref<52488xf32, #tpu.memory_space<vmem_shared>> -> memref<52488xf32, #tpu.memory_space<vmem_shared>>
        tpu.wait_indirect_dma semaphore(%arg30 : memref<!tpu.dma_semaphore, #tpu.memory_space<semaphore_mem>>) src(%dma_wait3A_143 : memref<52488xf32, #tpu.memory_space<vmem_shared>>) dst(%dma_wait3A : memref<512xf32, #tpu.memory_space<vmem>>)
      }
      %scan3A_43 = arith.constant 4 : i32
      %scan3A_44 = arith.constant 0 : i32
      %scan3A_45 = arith.constant 0 : i32
      %scan3A_46 = arith.constant 4 : i32
      %scan3A_47 = arith.addi %scan3A_45, %scan3A_46 : i32
      %scan3A_48 = arith.constant 1 : i32
      scf.for %scan3A_136 = %scan3A_45 to %scan3A_47 step %scan3A_48  : i32 {
        %mul3A_137 = arith.constant 512 : i32
        %mul3A_138 = arith.muli %scan3A_136, %mul3A_137 : i32
        %mul3A_139 = arith.constant 512 : i32
        %mul3A_140 = arith.muli %scan3A_136, %mul3A_139 : i32
        %dma_start3A = tpu.memref_slice %arg24[%mul3A_140] : memref<2048xf32, #tpu.memory_space<vmem>> -> memref<512xf32, #tpu.memory_space<vmem>>
        %dma_start3A_141 = tpu.memref_slice %arg18[%mul3A_138] : memref<2048xi32, #tpu.memory_space<vmem>> -> memref<512xi32, #tpu.memory_space<vmem>>
        %dma_start3A_142 = arith.constant 0 : i32
        %dma_start3A_143 = tpu.memref_slice %arg7[%dma_start3A_142] : memref<132098xf32, #tpu.memory_space<hbm>> -> memref<132098xf32, #tpu.memory_space<hbm>>
        tpu.enqueue_indirect_dma source(%dma_start3A_143 : memref<132098xf32, #tpu.memory_space<hbm>>) target(%dma_start3A : memref<512xf32, #tpu.memory_space<vmem>>) offsets(%dma_start3A_141 : memref<512xi32, #tpu.memory_space<vmem>>) semaphore(%arg30 : memref<!tpu.dma_semaphore, #tpu.memory_space<semaphore_mem>>)
      }
      %scan3A_49 = arith.constant 4 : i32
      %scan3A_50 = arith.constant 0 : i32
      %scan3A_51 = arith.constant 0 : i32
      %scan3A_52 = arith.constant 16 : i32
      %scan3A_53 = arith.addi %scan3A_51, %scan3A_52 : i32
      %scan3A_54 = arith.constant 1 : i32
      scf.for %scan3A_136 = %scan3A_51 to %scan3A_53 step %scan3A_54  : i32 {
        %mul3A_137 = arith.constant 16 : i32
        %mul3A_138 = arith.muli %scan3A_136, %mul3A_137 : i32
        %get3A = arith.index_cast %mul3A_138 : i32 to index
        %get3A_139 = tpu.vector_load %arg13[%get3A] {strides = array<i32>} : memref<256xf32, #tpu.memory_space<vmem>>, vector<16xf32>,
        %get3A_140 = arith.index_cast %mul3A_138 : i32 to index
        %get3A_141 = tpu.vector_load %arg14[%get3A_140] {strides = array<i32>} : memref<256xf32, #tpu.memory_space<vmem>>, vector<16xf32>,
        %add3A_142 = vector.broadcast %mul3A_138 : i32 to vector<16xi32>
        %add3A_143 = arith.addi %add3A_142, %iota3A : vector<16xi32>
        %mul3A_144 = arith.constant 32 : i32
        %mul3A_145 = vector.broadcast %mul3A_144 : i32 to vector<16xi32>
        %mul3A_146 = arith.muli %add3A_143, %mul3A_145 : vector<16xi32>
        %mul3A_147 = arith.constant 0.314453125 : f32
        %mul3A_148 = vector.broadcast %mul3A_147 : f32 to vector<16xf32>
        %mul3A_149 = arith.mulf %get3A_139, %mul3A_148 : vector<16xf32>
        %convert_element_type3A_150 = arith.fptosi %mul3A_149 : vector<16xf32> to vector<16xi32>
        %mul3A_151 = arith.constant 0.314453125 : f32
        %mul3A_152 = vector.broadcast %mul3A_151 : f32 to vector<16xf32>
        %mul3A_153 = arith.mulf %get3A_141, %mul3A_152 : vector<16xf32>
        %convert_element_type3A_154 = arith.fptosi %mul3A_153 : vector<16xf32> to vector<16xi32>
        %convert_element_type3A_155 = arith.sitofp %convert_element_type3A_150 : vector<16xi32> to vector<16xf32>
        %convert_element_type3A_156 = arith.sitofp %convert_element_type3A_154 : vector<16xi32> to vector<16xf32>
        %mul3A_157 = arith.constant 3.18012428 : f32
        %mul3A_158 = vector.broadcast %mul3A_157 : f32 to vector<16xf32>
        %mul3A_159 = arith.mulf %convert_element_type3A_155, %mul3A_158 : vector<16xf32>
        %sub3A = arith.subf %get3A_139, %mul3A_159 : vector<16xf32>
        %mul3A_160 = arith.constant 0.314453125 : f32
        %mul3A_161 = vector.broadcast %mul3A_160 : f32 to vector<16xf32>
        %mul3A_162 = arith.mulf %sub3A, %mul3A_161 : vector<16xf32>
        %mul3A_163 = arith.constant 3.18012428 : f32
        %mul3A_164 = vector.broadcast %mul3A_163 : f32 to vector<16xf32>
        %mul3A_165 = arith.mulf %convert_element_type3A_156, %mul3A_164 : vector<16xf32>
        %sub3A_166 = arith.subf %get3A_141, %mul3A_165 : vector<16xf32>
        %mul3A_167 = arith.constant 0.314453125 : f32
        %mul3A_168 = vector.broadcast %mul3A_167 : f32 to vector<16xf32>
        %mul3A_169 = arith.mulf %sub3A_166, %mul3A_168 : vector<16xf32>
        %mul3A_170 = arith.constant 161 : i32
        %mul3A_171 = vector.broadcast %mul3A_170 : i32 to vector<16xi32>
        %mul3A_172 = arith.muli %convert_element_type3A_150, %mul3A_171 : vector<16xi32>
        %add3A_173 = arith.addi %mul3A_172, %convert_element_type3A_154 : vector<16xi32>
        %add3A_174 = arith.constant 0 : i32
        %add3A_175 = arith.addi %add3A_174, %mul3A_138 : i32
        %get3A_176 = arith.index_cast %add3A_175 : i32 to index
        %get3A_177 = tpu.vector_load %arg22[%get3A_176] {strides = array<i32>} : memref<2048xf32, #tpu.memory_space<vmem>>, vector<16xf32>,
        %add3A_178 = arith.constant 256 : i32
        %add3A_179 = arith.addi %add3A_178, %mul3A_138 : i32
        %get3A_180 = arith.index_cast %add3A_179 : i32 to index
        %get3A_181 = tpu.vector_load %arg22[%get3A_180] {strides = array<i32>} : memref<2048xf32, #tpu.memory_space<vmem>>, vector<16xf32>,
        %add3A_182 = arith.constant 512 : i32
        %add3A_183 = arith.addi %add3A_182, %mul3A_138 : i32
        %get3A_184 = arith.index_cast %add3A_183 : i32 to index
        %get3A_185 = tpu.vector_load %arg22[%get3A_184] {strides = array<i32>} : memref<2048xf32, #tpu.memory_space<vmem>>, vector<16xf32>,
        %add3A_186 = arith.constant 768 : i32
        %add3A_187 = arith.addi %add3A_186, %mul3A_138 : i32
        %get3A_188 = arith.index_cast %add3A_187 : i32 to index
        %get3A_189 = tpu.vector_load %arg22[%get3A_188] {strides = array<i32>} : memref<2048xf32, #tpu.memory_space<vmem>>, vector<16xf32>,
        %add3A_190 = arith.constant 1024 : i32
        %add3A_191 = arith.addi %add3A_190, %mul3A_138 : i32
        %get3A_192 = arith.index_cast %add3A_191 : i32 to index
        %get3A_193 = tpu.vector_load %arg22[%get3A_192] {strides = array<i32>} : memref<2048xf32, #tpu.memory_space<vmem>>, vector<16xf32>,
        %add3A_194 = arith.constant 1280 : i32
        %add3A_195 = arith.addi %add3A_194, %mul3A_138 : i32
        %get3A_196 = arith.index_cast %add3A_195 : i32 to index
        %get3A_197 = tpu.vector_load %arg22[%get3A_196] {strides = array<i32>} : memref<2048xf32, #tpu.memory_space<vmem>>, vector<16xf32>,
        %add3A_198 = arith.constant 1536 : i32
        %add3A_199 = arith.addi %add3A_198, %mul3A_138 : i32
        %get3A_200 = arith.index_cast %add3A_199 : i32 to index
        %get3A_201 = tpu.vector_load %arg22[%get3A_200] {strides = array<i32>} : memref<2048xf32, #tpu.memory_space<vmem>>, vector<16xf32>,
        %add3A_202 = arith.constant 1792 : i32
        %add3A_203 = arith.addi %add3A_202, %mul3A_138 : i32
        %get3A_204 = arith.index_cast %add3A_203 : i32 to index
        %get3A_205 = tpu.vector_load %arg22[%get3A_204] {strides = array<i32>} : memref<2048xf32, #tpu.memory_space<vmem>>, vector<16xf32>,
        %sub3A_206 = arith.constant 1.000000e+00 : f32
        %sub3A_207 = vector.broadcast %sub3A_206 : f32 to vector<16xf32>
        %sub3A_208 = arith.subf %sub3A_207, %mul3A_169 : vector<16xf32>
        %sub3A_209 = arith.constant 1.000000e+00 : f32
        %sub3A_210 = vector.broadcast %sub3A_209 : f32 to vector<16xf32>
        %sub3A_211 = arith.subf %sub3A_210, %mul3A_162 : vector<16xf32>
        %mul3A_212 = arith.mulf %get3A_177, %sub3A_208 : vector<16xf32>
        %mul3A_213 = arith.mulf %get3A_185, %mul3A_169 : vector<16xf32>
        %add3A_214 = arith.addf %mul3A_212, %mul3A_213 : vector<16xf32>
        %mul3A_215 = arith.mulf %get3A_181, %sub3A_208 : vector<16xf32>
        %mul3A_216 = arith.mulf %get3A_189, %mul3A_169 : vector<16xf32>
        %add3A_217 = arith.addf %mul3A_215, %mul3A_216 : vector<16xf32>
        %mul3A_218 = arith.mulf %get3A_193, %sub3A_208 : vector<16xf32>
        %mul3A_219 = arith.mulf %get3A_201, %mul3A_169 : vector<16xf32>
        %add3A_220 = arith.addf %mul3A_218, %mul3A_219 : vector<16xf32>
        %mul3A_221 = arith.mulf %get3A_197, %sub3A_208 : vector<16xf32>
        %mul3A_222 = arith.mulf %get3A_205, %mul3A_169 : vector<16xf32>
        %add3A_223 = arith.addf %mul3A_221, %mul3A_222 : vector<16xf32>
        %mul3A_224 = arith.mulf %add3A_214, %sub3A_211 : vector<16xf32>
        %mul3A_225 = arith.mulf %add3A_220, %mul3A_162 : vector<16xf32>
        %add3A_226 = arith.addf %mul3A_224, %mul3A_225 : vector<16xf32>
        %mul3A_227 = arith.mulf %add3A_217, %sub3A_211 : vector<16xf32>
        %mul3A_228 = arith.mulf %add3A_223, %mul3A_162 : vector<16xf32>
        %add3A_229 = arith.addf %mul3A_227, %mul3A_228 : vector<16xf32>
        %add3A_230 = arith.constant 20 : i32
        %add3A_231 = vector.broadcast %add3A_230 : i32 to vector<16xi32>
        %add3A_232 = arith.addi %mul3A_146, %add3A_231 : vector<16xi32>
        tpu.vector_store_idx %arg15[%add3A_232], %add3A_226 : memref<8192xf32, #tpu.memory_space<vmem>>[vector<16xi32>], vector<16xf32>,
        %add3A_233 = arith.constant 21 : i32
        %add3A_234 = vector.broadcast %add3A_233 : i32 to vector<16xi32>
        %add3A_235 = arith.addi %mul3A_146, %add3A_234 : vector<16xi32>
        tpu.vector_store_idx %arg15[%add3A_235], %add3A_229 : memref<8192xf32, #tpu.memory_space<vmem>>[vector<16xi32>], vector<16xf32>,
      }
      %scan3A_55 = arith.constant 16 : i32
      %scan3A_56 = arith.constant 0 : i32
      %scan3A_57 = arith.constant 0 : i32
      %scan3A_58 = arith.constant 4 : i32
      %scan3A_59 = arith.addi %scan3A_57, %scan3A_58 : i32
      %scan3A_60 = arith.constant 1 : i32
      scf.for %scan3A_136 = %scan3A_57 to %scan3A_59 step %scan3A_60  : i32 {
        %mul3A_137 = arith.constant 512 : i32
        %mul3A_138 = arith.muli %scan3A_136, %mul3A_137 : i32
        %mul3A_139 = arith.constant 512 : i32
        %mul3A_140 = arith.muli %scan3A_136, %mul3A_139 : i32
        %dma_wait3A = tpu.memref_slice %arg23[%mul3A_140] : memref<2048xf32, #tpu.memory_space<vmem>> -> memref<512xf32, #tpu.memory_space<vmem>>
        %dma_wait3A_141 = tpu.memref_slice %arg17[%mul3A_138] : memref<2048xi32, #tpu.memory_space<vmem>> -> memref<512xi32, #tpu.memory_space<vmem>>
        %dma_wait3A_142 = arith.constant 0 : i32
        %dma_wait3A_143 = tpu.memref_slice %arg29[%dma_wait3A_142] : memref<83232xf32, #tpu.memory_space<vmem_shared>> -> memref<83232xf32, #tpu.memory_space<vmem_shared>>
        tpu.wait_indirect_dma semaphore(%arg30 : memref<!tpu.dma_semaphore, #tpu.memory_space<semaphore_mem>>) src(%dma_wait3A_143 : memref<83232xf32, #tpu.memory_space<vmem_shared>>) dst(%dma_wait3A : memref<512xf32, #tpu.memory_space<vmem>>)
      }
      %scan3A_61 = arith.constant 4 : i32
      %scan3A_62 = arith.constant 0 : i32
      %scan3A_63 = arith.constant 0 : i32
      %scan3A_64 = arith.constant 4 : i32
      %scan3A_65 = arith.addi %scan3A_63, %scan3A_64 : i32
      %scan3A_66 = arith.constant 1 : i32
      scf.for %scan3A_136 = %scan3A_63 to %scan3A_65 step %scan3A_66  : i32 {
        %mul3A_137 = arith.constant 512 : i32
        %mul3A_138 = arith.muli %scan3A_136, %mul3A_137 : i32
        %mul3A_139 = arith.constant 512 : i32
        %mul3A_140 = arith.muli %scan3A_136, %mul3A_139 : i32
        %dma_start3A = tpu.memref_slice %arg25[%mul3A_140] : memref<2048xf32, #tpu.memory_space<vmem>> -> memref<512xf32, #tpu.memory_space<vmem>>
        %dma_start3A_141 = tpu.memref_slice %arg19[%mul3A_138] : memref<2048xi32, #tpu.memory_space<vmem>> -> memref<512xi32, #tpu.memory_space<vmem>>
        %dma_start3A_142 = arith.constant 0 : i32
        %dma_start3A_143 = tpu.memref_slice %arg8[%dma_start3A_142] : memref<208658xf32, #tpu.memory_space<hbm>> -> memref<208658xf32, #tpu.memory_space<hbm>>
        tpu.enqueue_indirect_dma source(%dma_start3A_143 : memref<208658xf32, #tpu.memory_space<hbm>>) target(%dma_start3A : memref<512xf32, #tpu.memory_space<vmem>>) offsets(%dma_start3A_141 : memref<512xi32, #tpu.memory_space<vmem>>) semaphore(%arg30 : memref<!tpu.dma_semaphore, #tpu.memory_space<semaphore_mem>>)
      }
      %scan3A_67 = arith.constant 4 : i32
      %scan3A_68 = arith.constant 0 : i32
      %scan3A_69 = arith.constant 0 : i32
      %scan3A_70 = arith.constant 16 : i32
      %scan3A_71 = arith.addi %scan3A_69, %scan3A_70 : i32
      %scan3A_72 = arith.constant 1 : i32
      scf.for %scan3A_136 = %scan3A_69 to %scan3A_71 step %scan3A_72  : i32 {
        %mul3A_137 = arith.constant 16 : i32
        %mul3A_138 = arith.muli %scan3A_136, %mul3A_137 : i32
        %get3A = arith.index_cast %mul3A_138 : i32 to index
        %get3A_139 = tpu.vector_load %arg13[%get3A] {strides = array<i32>} : memref<256xf32, #tpu.memory_space<vmem>>, vector<16xf32>,
        %get3A_140 = arith.index_cast %mul3A_138 : i32 to index
        %get3A_141 = tpu.vector_load %arg14[%get3A_140] {strides = array<i32>} : memref<256xf32, #tpu.memory_space<vmem>>, vector<16xf32>,
        %add3A_142 = vector.broadcast %mul3A_138 : i32 to vector<16xi32>
        %add3A_143 = arith.addi %add3A_142, %iota3A : vector<16xi32>
        %mul3A_144 = arith.constant 32 : i32
        %mul3A_145 = vector.broadcast %mul3A_144 : i32 to vector<16xi32>
        %mul3A_146 = arith.muli %add3A_143, %mul3A_145 : vector<16xi32>
        %mul3A_147 = arith.constant 0.396484375 : f32
        %mul3A_148 = vector.broadcast %mul3A_147 : f32 to vector<16xf32>
        %mul3A_149 = arith.mulf %get3A_139, %mul3A_148 : vector<16xf32>
        %convert_element_type3A_150 = arith.fptosi %mul3A_149 : vector<16xf32> to vector<16xi32>
        %mul3A_151 = arith.constant 0.396484375 : f32
        %mul3A_152 = vector.broadcast %mul3A_151 : f32 to vector<16xf32>
        %mul3A_153 = arith.mulf %get3A_141, %mul3A_152 : vector<16xf32>
        %convert_element_type3A_154 = arith.fptosi %mul3A_153 : vector<16xf32> to vector<16xi32>
        %convert_element_type3A_155 = arith.sitofp %convert_element_type3A_150 : vector<16xi32> to vector<16xf32>
        %convert_element_type3A_156 = arith.sitofp %convert_element_type3A_154 : vector<16xi32> to vector<16xf32>
        %mul3A_157 = arith.constant 2.52216744 : f32
        %mul3A_158 = vector.broadcast %mul3A_157 : f32 to vector<16xf32>
        %mul3A_159 = arith.mulf %convert_element_type3A_155, %mul3A_158 : vector<16xf32>
        %sub3A = arith.subf %get3A_139, %mul3A_159 : vector<16xf32>
        %mul3A_160 = arith.constant 0.396484375 : f32
        %mul3A_161 = vector.broadcast %mul3A_160 : f32 to vector<16xf32>
        %mul3A_162 = arith.mulf %sub3A, %mul3A_161 : vector<16xf32>
        %mul3A_163 = arith.constant 2.52216744 : f32
        %mul3A_164 = vector.broadcast %mul3A_163 : f32 to vector<16xf32>
        %mul3A_165 = arith.mulf %convert_element_type3A_156, %mul3A_164 : vector<16xf32>
        %sub3A_166 = arith.subf %get3A_141, %mul3A_165 : vector<16xf32>
        %mul3A_167 = arith.constant 0.396484375 : f32
        %mul3A_168 = vector.broadcast %mul3A_167 : f32 to vector<16xf32>
        %mul3A_169 = arith.mulf %sub3A_166, %mul3A_168 : vector<16xf32>
        %mul3A_170 = arith.constant 203 : i32
        %mul3A_171 = vector.broadcast %mul3A_170 : i32 to vector<16xi32>
        %mul3A_172 = arith.muli %convert_element_type3A_150, %mul3A_171 : vector<16xi32>
        %add3A_173 = arith.addi %mul3A_172, %convert_element_type3A_154 : vector<16xi32>
        %add3A_174 = arith.constant 0 : i32
        %add3A_175 = arith.addi %add3A_174, %mul3A_138 : i32
        %get3A_176 = arith.index_cast %add3A_175 : i32 to index
        %get3A_177 = tpu.vector_load %arg23[%get3A_176] {strides = array<i32>} : memref<2048xf32, #tpu.memory_space<vmem>>, vector<16xf32>,
        %add3A_178 = arith.constant 256 : i32
        %add3A_179 = arith.addi %add3A_178, %mul3A_138 : i32
        %get3A_180 = arith.index_cast %add3A_179 : i32 to index
        %get3A_181 = tpu.vector_load %arg23[%get3A_180] {strides = array<i32>} : memref<2048xf32, #tpu.memory_space<vmem>>, vector<16xf32>,
        %add3A_182 = arith.constant 512 : i32
        %add3A_183 = arith.addi %add3A_182, %mul3A_138 : i32
        %get3A_184 = arith.index_cast %add3A_183 : i32 to index
        %get3A_185 = tpu.vector_load %arg23[%get3A_184] {strides = array<i32>} : memref<2048xf32, #tpu.memory_space<vmem>>, vector<16xf32>,
        %add3A_186 = arith.constant 768 : i32
        %add3A_187 = arith.addi %add3A_186, %mul3A_138 : i32
        %get3A_188 = arith.index_cast %add3A_187 : i32 to index
        %get3A_189 = tpu.vector_load %arg23[%get3A_188] {strides = array<i32>} : memref<2048xf32, #tpu.memory_space<vmem>>, vector<16xf32>,
        %add3A_190 = arith.constant 1024 : i32
        %add3A_191 = arith.addi %add3A_190, %mul3A_138 : i32
        %get3A_192 = arith.index_cast %add3A_191 : i32 to index
        %get3A_193 = tpu.vector_load %arg23[%get3A_192] {strides = array<i32>} : memref<2048xf32, #tpu.memory_space<vmem>>, vector<16xf32>,
        %add3A_194 = arith.constant 1280 : i32
        %add3A_195 = arith.addi %add3A_194, %mul3A_138 : i32
        %get3A_196 = arith.index_cast %add3A_195 : i32 to index
        %get3A_197 = tpu.vector_load %arg23[%get3A_196] {strides = array<i32>} : memref<2048xf32, #tpu.memory_space<vmem>>, vector<16xf32>,
        %add3A_198 = arith.constant 1536 : i32
        %add3A_199 = arith.addi %add3A_198, %mul3A_138 : i32
        %get3A_200 = arith.index_cast %add3A_199 : i32 to index
        %get3A_201 = tpu.vector_load %arg23[%get3A_200] {strides = array<i32>} : memref<2048xf32, #tpu.memory_space<vmem>>, vector<16xf32>,
        %add3A_202 = arith.constant 1792 : i32
        %add3A_203 = arith.addi %add3A_202, %mul3A_138 : i32
        %get3A_204 = arith.index_cast %add3A_203 : i32 to index
        %get3A_205 = tpu.vector_load %arg23[%get3A_204] {strides = array<i32>} : memref<2048xf32, #tpu.memory_space<vmem>>, vector<16xf32>,
        %sub3A_206 = arith.constant 1.000000e+00 : f32
        %sub3A_207 = vector.broadcast %sub3A_206 : f32 to vector<16xf32>
        %sub3A_208 = arith.subf %sub3A_207, %mul3A_169 : vector<16xf32>
        %sub3A_209 = arith.constant 1.000000e+00 : f32
        %sub3A_210 = vector.broadcast %sub3A_209 : f32 to vector<16xf32>
        %sub3A_211 = arith.subf %sub3A_210, %mul3A_162 : vector<16xf32>
        %mul3A_212 = arith.mulf %get3A_177, %sub3A_208 : vector<16xf32>
        %mul3A_213 = arith.mulf %get3A_185, %mul3A_169 : vector<16xf32>
        %add3A_214 = arith.addf %mul3A_212, %mul3A_213 : vector<16xf32>
        %mul3A_215 = arith.mulf %get3A_181, %sub3A_208 : vector<16xf32>
        %mul3A_216 = arith.mulf %get3A_189, %mul3A_169 : vector<16xf32>
        %add3A_217 = arith.addf %mul3A_215, %mul3A_216 : vector<16xf32>
        %mul3A_218 = arith.mulf %get3A_193, %sub3A_208 : vector<16xf32>
        %mul3A_219 = arith.mulf %get3A_201, %mul3A_169 : vector<16xf32>
        %add3A_220 = arith.addf %mul3A_218, %mul3A_219 : vector<16xf32>
        %mul3A_221 = arith.mulf %get3A_197, %sub3A_208 : vector<16xf32>
        %mul3A_222 = arith.mulf %get3A_205, %mul3A_169 : vector<16xf32>
        %add3A_223 = arith.addf %mul3A_221, %mul3A_222 : vector<16xf32>
        %mul3A_224 = arith.mulf %add3A_214, %sub3A_211 : vector<16xf32>
        %mul3A_225 = arith.mulf %add3A_220, %mul3A_162 : vector<16xf32>
        %add3A_226 = arith.addf %mul3A_224, %mul3A_225 : vector<16xf32>
        %mul3A_227 = arith.mulf %add3A_217, %sub3A_211 : vector<16xf32>
        %mul3A_228 = arith.mulf %add3A_223, %mul3A_162 : vector<16xf32>
        %add3A_229 = arith.addf %mul3A_227, %mul3A_228 : vector<16xf32>
        %add3A_230 = arith.constant 22 : i32
        %add3A_231 = vector.broadcast %add3A_230 : i32 to vector<16xi32>
        %add3A_232 = arith.addi %mul3A_146, %add3A_231 : vector<16xi32>
        tpu.vector_store_idx %arg15[%add3A_232], %add3A_226 : memref<8192xf32, #tpu.memory_space<vmem>>[vector<16xi32>], vector<16xf32>,
        %add3A_233 = arith.constant 23 : i32
        %add3A_234 = vector.broadcast %add3A_233 : i32 to vector<16xi32>
        %add3A_235 = arith.addi %mul3A_146, %add3A_234 : vector<16xi32>
        tpu.vector_store_idx %arg15[%add3A_235], %add3A_229 : memref<8192xf32, #tpu.memory_space<vmem>>[vector<16xi32>], vector<16xf32>,
      }
      %scan3A_73 = arith.constant 16 : i32
      %scan3A_74 = arith.constant 0 : i32
      %scan3A_75 = arith.constant 0 : i32
      %scan3A_76 = arith.constant 4 : i32
      %scan3A_77 = arith.addi %scan3A_75, %scan3A_76 : i32
      %scan3A_78 = arith.constant 1 : i32
      scf.for %scan3A_136 = %scan3A_75 to %scan3A_77 step %scan3A_78  : i32 {
        %mul3A_137 = arith.constant 512 : i32
        %mul3A_138 = arith.muli %scan3A_136, %mul3A_137 : i32
        %mul3A_139 = arith.constant 512 : i32
        %mul3A_140 = arith.muli %scan3A_136, %mul3A_139 : i32
        %dma_wait3A = tpu.memref_slice %arg24[%mul3A_140] : memref<2048xf32, #tpu.memory_space<vmem>> -> memref<512xf32, #tpu.memory_space<vmem>>
        %dma_wait3A_141 = tpu.memref_slice %arg18[%mul3A_138] : memref<2048xi32, #tpu.memory_space<vmem>> -> memref<512xi32, #tpu.memory_space<vmem>>
        %dma_wait3A_142 = arith.constant 0 : i32
        %dma_wait3A_143 = tpu.memref_slice %arg7[%dma_wait3A_142] : memref<132098xf32, #tpu.memory_space<hbm>> -> memref<132098xf32, #tpu.memory_space<hbm>>
        tpu.wait_indirect_dma semaphore(%arg30 : memref<!tpu.dma_semaphore, #tpu.memory_space<semaphore_mem>>) src(%dma_wait3A_143 : memref<132098xf32, #tpu.memory_space<hbm>>) dst(%dma_wait3A : memref<512xf32, #tpu.memory_space<vmem>>)
      }
      %scan3A_79 = arith.constant 4 : i32
      %scan3A_80 = arith.constant 0 : i32
      %scan3A_81 = arith.constant 0 : i32
      %scan3A_82 = arith.constant 4 : i32
      %scan3A_83 = arith.addi %scan3A_81, %scan3A_82 : i32
      %scan3A_84 = arith.constant 1 : i32
      scf.for %scan3A_136 = %scan3A_81 to %scan3A_83 step %scan3A_84  : i32 {
        %mul3A_137 = arith.constant 512 : i32
        %mul3A_138 = arith.muli %scan3A_136, %mul3A_137 : i32
        %mul3A_139 = arith.constant 512 : i32
        %mul3A_140 = arith.muli %scan3A_136, %mul3A_139 : i32
        %dma_start3A = tpu.memref_slice %arg26[%mul3A_140] : memref<2048xf32, #tpu.memory_space<vmem>> -> memref<512xf32, #tpu.memory_space<vmem>>
        %dma_start3A_141 = tpu.memref_slice %arg20[%mul3A_138] : memref<2048xi32, #tpu.memory_space<vmem>> -> memref<512xi32, #tpu.memory_space<vmem>>
        %dma_start3A_142 = arith.constant 0 : i32
        %dma_start3A_143 = tpu.memref_slice %arg9[%dma_start3A_142] : memref<331298xf32, #tpu.memory_space<hbm>> -> memref<331298xf32, #tpu.memory_space<hbm>>
        tpu.enqueue_indirect_dma source(%dma_start3A_143 : memref<331298xf32, #tpu.memory_space<hbm>>) target(%dma_start3A : memref<512xf32, #tpu.memory_space<vmem>>) offsets(%dma_start3A_141 : memref<512xi32, #tpu.memory_space<vmem>>) semaphore(%arg30 : memref<!tpu.dma_semaphore, #tpu.memory_space<semaphore_mem>>)
      }
      %scan3A_85 = arith.constant 4 : i32
      %scan3A_86 = arith.constant 0 : i32
      %scan3A_87 = arith.constant 0 : i32
      %scan3A_88 = arith.constant 16 : i32
      %scan3A_89 = arith.addi %scan3A_87, %scan3A_88 : i32
      %scan3A_90 = arith.constant 1 : i32
      scf.for %scan3A_136 = %scan3A_87 to %scan3A_89 step %scan3A_90  : i32 {
        %mul3A_137 = arith.constant 16 : i32
        %mul3A_138 = arith.muli %scan3A_136, %mul3A_137 : i32
        %get3A = arith.index_cast %mul3A_138 : i32 to index
        %get3A_139 = tpu.vector_load %arg13[%get3A] {strides = array<i32>} : memref<256xf32, #tpu.memory_space<vmem>>, vector<16xf32>,
        %get3A_140 = arith.index_cast %mul3A_138 : i32 to index
        %get3A_141 = tpu.vector_load %arg14[%get3A_140] {strides = array<i32>} : memref<256xf32, #tpu.memory_space<vmem>>, vector<16xf32>,
        %add3A_142 = vector.broadcast %mul3A_138 : i32 to vector<16xi32>
        %add3A_143 = arith.addi %add3A_142, %iota3A : vector<16xi32>
        %mul3A_144 = arith.constant 32 : i32
        %mul3A_145 = vector.broadcast %mul3A_144 : i32 to vector<16xi32>
        %mul3A_146 = arith.muli %add3A_143, %mul3A_145 : vector<16xi32>
        %mul3A_147 = arith.constant 5.000000e-01 : f32
        %mul3A_148 = vector.broadcast %mul3A_147 : f32 to vector<16xf32>
        %mul3A_149 = arith.mulf %get3A_139, %mul3A_148 : vector<16xf32>
        %convert_element_type3A_150 = arith.fptosi %mul3A_149 : vector<16xf32> to vector<16xi32>
        %mul3A_151 = arith.constant 5.000000e-01 : f32
        %mul3A_152 = vector.broadcast %mul3A_151 : f32 to vector<16xf32>
        %mul3A_153 = arith.mulf %get3A_141, %mul3A_152 : vector<16xf32>
        %convert_element_type3A_154 = arith.fptosi %mul3A_153 : vector<16xf32> to vector<16xi32>
        %convert_element_type3A_155 = arith.sitofp %convert_element_type3A_150 : vector<16xi32> to vector<16xf32>
        %convert_element_type3A_156 = arith.sitofp %convert_element_type3A_154 : vector<16xi32> to vector<16xf32>
        %mul3A_157 = arith.constant 2.000000e+00 : f32
        %mul3A_158 = vector.broadcast %mul3A_157 : f32 to vector<16xf32>
        %mul3A_159 = arith.mulf %convert_element_type3A_155, %mul3A_158 : vector<16xf32>
        %sub3A = arith.subf %get3A_139, %mul3A_159 : vector<16xf32>
        %mul3A_160 = arith.constant 5.000000e-01 : f32
        %mul3A_161 = vector.broadcast %mul3A_160 : f32 to vector<16xf32>
        %mul3A_162 = arith.mulf %sub3A, %mul3A_161 : vector<16xf32>
        %mul3A_163 = arith.constant 2.000000e+00 : f32
        %mul3A_164 = vector.broadcast %mul3A_163 : f32 to vector<16xf32>
        %mul3A_165 = arith.mulf %convert_element_type3A_156, %mul3A_164 : vector<16xf32>
        %sub3A_166 = arith.subf %get3A_141, %mul3A_165 : vector<16xf32>
        %mul3A_167 = arith.constant 5.000000e-01 : f32
        %mul3A_168 = vector.broadcast %mul3A_167 : f32 to vector<16xf32>
        %mul3A_169 = arith.mulf %sub3A_166, %mul3A_168 : vector<16xf32>
        %mul3A_170 = arith.constant 256 : i32
        %mul3A_171 = vector.broadcast %mul3A_170 : i32 to vector<16xi32>
        %mul3A_172 = arith.muli %convert_element_type3A_150, %mul3A_171 : vector<16xi32>
        %add3A_173 = arith.addi %mul3A_172, %convert_element_type3A_154 : vector<16xi32>
        %add3A_174 = arith.constant 0 : i32
        %add3A_175 = arith.addi %add3A_174, %mul3A_138 : i32
        %get3A_176 = arith.index_cast %add3A_175 : i32 to index
        %get3A_177 = tpu.vector_load %arg24[%get3A_176] {strides = array<i32>} : memref<2048xf32, #tpu.memory_space<vmem>>, vector<16xf32>,
        %add3A_178 = arith.constant 256 : i32
        %add3A_179 = arith.addi %add3A_178, %mul3A_138 : i32
        %get3A_180 = arith.index_cast %add3A_179 : i32 to index
        %get3A_181 = tpu.vector_load %arg24[%get3A_180] {strides = array<i32>} : memref<2048xf32, #tpu.memory_space<vmem>>, vector<16xf32>,
        %add3A_182 = arith.constant 512 : i32
        %add3A_183 = arith.addi %add3A_182, %mul3A_138 : i32
        %get3A_184 = arith.index_cast %add3A_183 : i32 to index
        %get3A_185 = tpu.vector_load %arg24[%get3A_184] {strides = array<i32>} : memref<2048xf32, #tpu.memory_space<vmem>>, vector<16xf32>,
        %add3A_186 = arith.constant 768 : i32
        %add3A_187 = arith.addi %add3A_186, %mul3A_138 : i32
        %get3A_188 = arith.index_cast %add3A_187 : i32 to index
        %get3A_189 = tpu.vector_load %arg24[%get3A_188] {strides = array<i32>} : memref<2048xf32, #tpu.memory_space<vmem>>, vector<16xf32>,
        %add3A_190 = arith.constant 1024 : i32
        %add3A_191 = arith.addi %add3A_190, %mul3A_138 : i32
        %get3A_192 = arith.index_cast %add3A_191 : i32 to index
        %get3A_193 = tpu.vector_load %arg24[%get3A_192] {strides = array<i32>} : memref<2048xf32, #tpu.memory_space<vmem>>, vector<16xf32>,
        %add3A_194 = arith.constant 1280 : i32
        %add3A_195 = arith.addi %add3A_194, %mul3A_138 : i32
        %get3A_196 = arith.index_cast %add3A_195 : i32 to index
        %get3A_197 = tpu.vector_load %arg24[%get3A_196] {strides = array<i32>} : memref<2048xf32, #tpu.memory_space<vmem>>, vector<16xf32>,
        %add3A_198 = arith.constant 1536 : i32
        %add3A_199 = arith.addi %add3A_198, %mul3A_138 : i32
        %get3A_200 = arith.index_cast %add3A_199 : i32 to index
        %get3A_201 = tpu.vector_load %arg24[%get3A_200] {strides = array<i32>} : memref<2048xf32, #tpu.memory_space<vmem>>, vector<16xf32>,
        %add3A_202 = arith.constant 1792 : i32
        %add3A_203 = arith.addi %add3A_202, %mul3A_138 : i32
        %get3A_204 = arith.index_cast %add3A_203 : i32 to index
        %get3A_205 = tpu.vector_load %arg24[%get3A_204] {strides = array<i32>} : memref<2048xf32, #tpu.memory_space<vmem>>, vector<16xf32>,
        %sub3A_206 = arith.constant 1.000000e+00 : f32
        %sub3A_207 = vector.broadcast %sub3A_206 : f32 to vector<16xf32>
        %sub3A_208 = arith.subf %sub3A_207, %mul3A_169 : vector<16xf32>
        %sub3A_209 = arith.constant 1.000000e+00 : f32
        %sub3A_210 = vector.broadcast %sub3A_209 : f32 to vector<16xf32>
        %sub3A_211 = arith.subf %sub3A_210, %mul3A_162 : vector<16xf32>
        %mul3A_212 = arith.mulf %get3A_177, %sub3A_208 : vector<16xf32>
        %mul3A_213 = arith.mulf %get3A_185, %mul3A_169 : vector<16xf32>
        %add3A_214 = arith.addf %mul3A_212, %mul3A_213 : vector<16xf32>
        %mul3A_215 = arith.mulf %get3A_181, %sub3A_208 : vector<16xf32>
        %mul3A_216 = arith.mulf %get3A_189, %mul3A_169 : vector<16xf32>
        %add3A_217 = arith.addf %mul3A_215, %mul3A_216 : vector<16xf32>
        %mul3A_218 = arith.mulf %get3A_193, %sub3A_208 : vector<16xf32>
        %mul3A_219 = arith.mulf %get3A_201, %mul3A_169 : vector<16xf32>
        %add3A_220 = arith.addf %mul3A_218, %mul3A_219 : vector<16xf32>
        %mul3A_221 = arith.mulf %get3A_197, %sub3A_208 : vector<16xf32>
        %mul3A_222 = arith.mulf %get3A_205, %mul3A_169 : vector<16xf32>
        %add3A_223 = arith.addf %mul3A_221, %mul3A_222 : vector<16xf32>
        %mul3A_224 = arith.mulf %add3A_214, %sub3A_211 : vector<16xf32>
        %mul3A_225 = arith.mulf %add3A_220, %mul3A_162 : vector<16xf32>
        %add3A_226 = arith.addf %mul3A_224, %mul3A_225 : vector<16xf32>
        %mul3A_227 = arith.mulf %add3A_217, %sub3A_211 : vector<16xf32>
        %mul3A_228 = arith.mulf %add3A_223, %mul3A_162 : vector<16xf32>
        %add3A_229 = arith.addf %mul3A_227, %mul3A_228 : vector<16xf32>
        %add3A_230 = arith.constant 24 : i32
        %add3A_231 = vector.broadcast %add3A_230 : i32 to vector<16xi32>
        %add3A_232 = arith.addi %mul3A_146, %add3A_231 : vector<16xi32>
        tpu.vector_store_idx %arg15[%add3A_232], %add3A_226 : memref<8192xf32, #tpu.memory_space<vmem>>[vector<16xi32>], vector<16xf32>,
        %add3A_233 = arith.constant 25 : i32
        %add3A_234 = vector.broadcast %add3A_233 : i32 to vector<16xi32>
        %add3A_235 = arith.addi %mul3A_146, %add3A_234 : vector<16xi32>
        tpu.vector_store_idx %arg15[%add3A_235], %add3A_229 : memref<8192xf32, #tpu.memory_space<vmem>>[vector<16xi32>], vector<16xf32>,
      }
      %scan3A_91 = arith.constant 16 : i32
      %scan3A_92 = arith.constant 0 : i32
      %scan3A_93 = arith.constant 0 : i32
      %scan3A_94 = arith.constant 4 : i32
      %scan3A_95 = arith.addi %scan3A_93, %scan3A_94 : i32
      %scan3A_96 = arith.constant 1 : i32
      scf.for %scan3A_136 = %scan3A_93 to %scan3A_95 step %scan3A_96  : i32 {
        %mul3A_137 = arith.constant 512 : i32
        %mul3A_138 = arith.muli %scan3A_136, %mul3A_137 : i32
        %mul3A_139 = arith.constant 512 : i32
        %mul3A_140 = arith.muli %scan3A_136, %mul3A_139 : i32
        %dma_wait3A = tpu.memref_slice %arg25[%mul3A_140] : memref<2048xf32, #tpu.memory_space<vmem>> -> memref<512xf32, #tpu.memory_space<vmem>>
        %dma_wait3A_141 = tpu.memref_slice %arg19[%mul3A_138] : memref<2048xi32, #tpu.memory_space<vmem>> -> memref<512xi32, #tpu.memory_space<vmem>>
        %dma_wait3A_142 = arith.constant 0 : i32
        %dma_wait3A_143 = tpu.memref_slice %arg8[%dma_wait3A_142] : memref<208658xf32, #tpu.memory_space<hbm>> -> memref<208658xf32, #tpu.memory_space<hbm>>
        tpu.wait_indirect_dma semaphore(%arg30 : memref<!tpu.dma_semaphore, #tpu.memory_space<semaphore_mem>>) src(%dma_wait3A_143 : memref<208658xf32, #tpu.memory_space<hbm>>) dst(%dma_wait3A : memref<512xf32, #tpu.memory_space<vmem>>)
      }
      %scan3A_97 = arith.constant 4 : i32
      %scan3A_98 = arith.constant 0 : i32
      %scan3A_99 = arith.constant 0 : i32
      %scan3A_100 = arith.constant 4 : i32
      %scan3A_101 = arith.addi %scan3A_99, %scan3A_100 : i32
      %scan3A_102 = arith.constant 1 : i32
      scf.for %scan3A_136 = %scan3A_99 to %scan3A_101 step %scan3A_102  : i32 {
        %mul3A_137 = arith.constant 512 : i32
        %mul3A_138 = arith.muli %scan3A_136, %mul3A_137 : i32
        %mul3A_139 = arith.constant 512 : i32
        %mul3A_140 = arith.muli %scan3A_136, %mul3A_139 : i32
        %dma_start3A = tpu.memref_slice %arg27[%mul3A_140] : memref<2048xf32, #tpu.memory_space<vmem>> -> memref<512xf32, #tpu.memory_space<vmem>>
        %dma_start3A_141 = tpu.memref_slice %arg21[%mul3A_138] : memref<2048xi32, #tpu.memory_space<vmem>> -> memref<512xi32, #tpu.memory_space<vmem>>
        %dma_start3A_142 = arith.constant 0 : i32
        %dma_start3A_143 = tpu.memref_slice %arg10[%dma_start3A_142] : memref<526338xf32, #tpu.memory_space<hbm>> -> memref<526338xf32, #tpu.memory_space<hbm>>
        tpu.enqueue_indirect_dma source(%dma_start3A_143 : memref<526338xf32, #tpu.memory_space<hbm>>) target(%dma_start3A : memref<512xf32, #tpu.memory_space<vmem>>) offsets(%dma_start3A_141 : memref<512xi32, #tpu.memory_space<vmem>>) semaphore(%arg30 : memref<!tpu.dma_semaphore, #tpu.memory_space<semaphore_mem>>)
      }
      %scan3A_103 = arith.constant 4 : i32
      %scan3A_104 = arith.constant 0 : i32
      %scan3A_105 = arith.constant 0 : i32
      %scan3A_106 = arith.constant 16 : i32
      %scan3A_107 = arith.addi %scan3A_105, %scan3A_106 : i32
      %scan3A_108 = arith.constant 1 : i32
      scf.for %scan3A_136 = %scan3A_105 to %scan3A_107 step %scan3A_108  : i32 {
        %mul3A_137 = arith.constant 16 : i32
        %mul3A_138 = arith.muli %scan3A_136, %mul3A_137 : i32
        %get3A = arith.index_cast %mul3A_138 : i32 to index
        %get3A_139 = tpu.vector_load %arg13[%get3A] {strides = array<i32>} : memref<256xf32, #tpu.memory_space<vmem>>, vector<16xf32>,
        %get3A_140 = arith.index_cast %mul3A_138 : i32 to index
        %get3A_141 = tpu.vector_load %arg14[%get3A_140] {strides = array<i32>} : memref<256xf32, #tpu.memory_space<vmem>>, vector<16xf32>,
        %add3A_142 = vector.broadcast %mul3A_138 : i32 to vector<16xi32>
        %add3A_143 = arith.addi %add3A_142, %iota3A : vector<16xi32>
        %mul3A_144 = arith.constant 32 : i32
        %mul3A_145 = vector.broadcast %mul3A_144 : i32 to vector<16xi32>
        %mul3A_146 = arith.muli %add3A_143, %mul3A_145 : vector<16xi32>
        %mul3A_147 = arith.constant 0.62890625 : f32
        %mul3A_148 = vector.broadcast %mul3A_147 : f32 to vector<16xf32>
        %mul3A_149 = arith.mulf %get3A_139, %mul3A_148 : vector<16xf32>
        %convert_element_type3A_150 = arith.fptosi %mul3A_149 : vector<16xf32> to vector<16xi32>
        %mul3A_151 = arith.constant 0.62890625 : f32
        %mul3A_152 = vector.broadcast %mul3A_151 : f32 to vector<16xf32>
        %mul3A_153 = arith.mulf %get3A_141, %mul3A_152 : vector<16xf32>
        %convert_element_type3A_154 = arith.fptosi %mul3A_153 : vector<16xf32> to vector<16xi32>
        %convert_element_type3A_155 = arith.sitofp %convert_element_type3A_150 : vector<16xi32> to vector<16xf32>
        %convert_element_type3A_156 = arith.sitofp %convert_element_type3A_154 : vector<16xi32> to vector<16xf32>
        %mul3A_157 = arith.constant 1.59006214 : f32
        %mul3A_158 = vector.broadcast %mul3A_157 : f32 to vector<16xf32>
        %mul3A_159 = arith.mulf %convert_element_type3A_155, %mul3A_158 : vector<16xf32>
        %sub3A = arith.subf %get3A_139, %mul3A_159 : vector<16xf32>
        %mul3A_160 = arith.constant 0.62890625 : f32
        %mul3A_161 = vector.broadcast %mul3A_160 : f32 to vector<16xf32>
        %mul3A_162 = arith.mulf %sub3A, %mul3A_161 : vector<16xf32>
        %mul3A_163 = arith.constant 1.59006214 : f32
        %mul3A_164 = vector.broadcast %mul3A_163 : f32 to vector<16xf32>
        %mul3A_165 = arith.mulf %convert_element_type3A_156, %mul3A_164 : vector<16xf32>
        %sub3A_166 = arith.subf %get3A_141, %mul3A_165 : vector<16xf32>
        %mul3A_167 = arith.constant 0.62890625 : f32
        %mul3A_168 = vector.broadcast %mul3A_167 : f32 to vector<16xf32>
        %mul3A_169 = arith.mulf %sub3A_166, %mul3A_168 : vector<16xf32>
        %mul3A_170 = arith.constant 322 : i32
        %mul3A_171 = vector.broadcast %mul3A_170 : i32 to vector<16xi32>
        %mul3A_172 = arith.muli %convert_element_type3A_150, %mul3A_171 : vector<16xi32>
        %add3A_173 = arith.addi %mul3A_172, %convert_element_type3A_154 : vector<16xi32>
        %add3A_174 = arith.constant 0 : i32
        %add3A_175 = arith.addi %add3A_174, %mul3A_138 : i32
        %get3A_176 = arith.index_cast %add3A_175 : i32 to index
        %get3A_177 = tpu.vector_load %arg25[%get3A_176] {strides = array<i32>} : memref<2048xf32, #tpu.memory_space<vmem>>, vector<16xf32>,
        %add3A_178 = arith.constant 256 : i32
        %add3A_179 = arith.addi %add3A_178, %mul3A_138 : i32
        %get3A_180 = arith.index_cast %add3A_179 : i32 to index
        %get3A_181 = tpu.vector_load %arg25[%get3A_180] {strides = array<i32>} : memref<2048xf32, #tpu.memory_space<vmem>>, vector<16xf32>,
        %add3A_182 = arith.constant 512 : i32
        %add3A_183 = arith.addi %add3A_182, %mul3A_138 : i32
        %get3A_184 = arith.index_cast %add3A_183 : i32 to index
        %get3A_185 = tpu.vector_load %arg25[%get3A_184] {strides = array<i32>} : memref<2048xf32, #tpu.memory_space<vmem>>, vector<16xf32>,
        %add3A_186 = arith.constant 768 : i32
        %add3A_187 = arith.addi %add3A_186, %mul3A_138 : i32
        %get3A_188 = arith.index_cast %add3A_187 : i32 to index
        %get3A_189 = tpu.vector_load %arg25[%get3A_188] {strides = array<i32>} : memref<2048xf32, #tpu.memory_space<vmem>>, vector<16xf32>,
        %add3A_190 = arith.constant 1024 : i32
        %add3A_191 = arith.addi %add3A_190, %mul3A_138 : i32
        %get3A_192 = arith.index_cast %add3A_191 : i32 to index
        %get3A_193 = tpu.vector_load %arg25[%get3A_192] {strides = array<i32>} : memref<2048xf32, #tpu.memory_space<vmem>>, vector<16xf32>,
        %add3A_194 = arith.constant 1280 : i32
        %add3A_195 = arith.addi %add3A_194, %mul3A_138 : i32
        %get3A_196 = arith.index_cast %add3A_195 : i32 to index
        %get3A_197 = tpu.vector_load %arg25[%get3A_196] {strides = array<i32>} : memref<2048xf32, #tpu.memory_space<vmem>>, vector<16xf32>,
        %add3A_198 = arith.constant 1536 : i32
        %add3A_199 = arith.addi %add3A_198, %mul3A_138 : i32
        %get3A_200 = arith.index_cast %add3A_199 : i32 to index
        %get3A_201 = tpu.vector_load %arg25[%get3A_200] {strides = array<i32>} : memref<2048xf32, #tpu.memory_space<vmem>>, vector<16xf32>,
        %add3A_202 = arith.constant 1792 : i32
        %add3A_203 = arith.addi %add3A_202, %mul3A_138 : i32
        %get3A_204 = arith.index_cast %add3A_203 : i32 to index
        %get3A_205 = tpu.vector_load %arg25[%get3A_204] {strides = array<i32>} : memref<2048xf32, #tpu.memory_space<vmem>>, vector<16xf32>,
        %sub3A_206 = arith.constant 1.000000e+00 : f32
        %sub3A_207 = vector.broadcast %sub3A_206 : f32 to vector<16xf32>
        %sub3A_208 = arith.subf %sub3A_207, %mul3A_169 : vector<16xf32>
        %sub3A_209 = arith.constant 1.000000e+00 : f32
        %sub3A_210 = vector.broadcast %sub3A_209 : f32 to vector<16xf32>
        %sub3A_211 = arith.subf %sub3A_210, %mul3A_162 : vector<16xf32>
        %mul3A_212 = arith.mulf %get3A_177, %sub3A_208 : vector<16xf32>
        %mul3A_213 = arith.mulf %get3A_185, %mul3A_169 : vector<16xf32>
        %add3A_214 = arith.addf %mul3A_212, %mul3A_213 : vector<16xf32>
        %mul3A_215 = arith.mulf %get3A_181, %sub3A_208 : vector<16xf32>
        %mul3A_216 = arith.mulf %get3A_189, %mul3A_169 : vector<16xf32>
        %add3A_217 = arith.addf %mul3A_215, %mul3A_216 : vector<16xf32>
        %mul3A_218 = arith.mulf %get3A_193, %sub3A_208 : vector<16xf32>
        %mul3A_219 = arith.mulf %get3A_201, %mul3A_169 : vector<16xf32>
        %add3A_220 = arith.addf %mul3A_218, %mul3A_219 : vector<16xf32>
        %mul3A_221 = arith.mulf %get3A_197, %sub3A_208 : vector<16xf32>
        %mul3A_222 = arith.mulf %get3A_205, %mul3A_169 : vector<16xf32>
        %add3A_223 = arith.addf %mul3A_221, %mul3A_222 : vector<16xf32>
        %mul3A_224 = arith.mulf %add3A_214, %sub3A_211 : vector<16xf32>
        %mul3A_225 = arith.mulf %add3A_220, %mul3A_162 : vector<16xf32>
        %add3A_226 = arith.addf %mul3A_224, %mul3A_225 : vector<16xf32>
        %mul3A_227 = arith.mulf %add3A_217, %sub3A_211 : vector<16xf32>
        %mul3A_228 = arith.mulf %add3A_223, %mul3A_162 : vector<16xf32>
        %add3A_229 = arith.addf %mul3A_227, %mul3A_228 : vector<16xf32>
        %add3A_230 = arith.constant 26 : i32
        %add3A_231 = vector.broadcast %add3A_230 : i32 to vector<16xi32>
        %add3A_232 = arith.addi %mul3A_146, %add3A_231 : vector<16xi32>
        tpu.vector_store_idx %arg15[%add3A_232], %add3A_226 : memref<8192xf32, #tpu.memory_space<vmem>>[vector<16xi32>], vector<16xf32>,
        %add3A_233 = arith.constant 27 : i32
        %add3A_234 = vector.broadcast %add3A_233 : i32 to vector<16xi32>
        %add3A_235 = arith.addi %mul3A_146, %add3A_234 : vector<16xi32>
        tpu.vector_store_idx %arg15[%add3A_235], %add3A_229 : memref<8192xf32, #tpu.memory_space<vmem>>[vector<16xi32>], vector<16xf32>,
      }
      %scan3A_109 = arith.constant 16 : i32
      %scan3A_110 = arith.constant 0 : i32
      %scan3A_111 = arith.constant 0 : i32
      %scan3A_112 = arith.constant 4 : i32
      %scan3A_113 = arith.addi %scan3A_111, %scan3A_112 : i32
      %scan3A_114 = arith.constant 1 : i32
      scf.for %scan3A_136 = %scan3A_111 to %scan3A_113 step %scan3A_114  : i32 {
        %mul3A_137 = arith.constant 512 : i32
        %mul3A_138 = arith.muli %scan3A_136, %mul3A_137 : i32
        %mul3A_139 = arith.constant 512 : i32
        %mul3A_140 = arith.muli %scan3A_136, %mul3A_139 : i32
        %dma_wait3A = tpu.memref_slice %arg26[%mul3A_140] : memref<2048xf32, #tpu.memory_space<vmem>> -> memref<512xf32, #tpu.memory_space<vmem>>
        %dma_wait3A_141 = tpu.memref_slice %arg20[%mul3A_138] : memref<2048xi32, #tpu.memory_space<vmem>> -> memref<512xi32, #tpu.memory_space<vmem>>
        %dma_wait3A_142 = arith.constant 0 : i32
        %dma_wait3A_143 = tpu.memref_slice %arg9[%dma_wait3A_142] : memref<331298xf32, #tpu.memory_space<hbm>> -> memref<331298xf32, #tpu.memory_space<hbm>>
        tpu.wait_indirect_dma semaphore(%arg30 : memref<!tpu.dma_semaphore, #tpu.memory_space<semaphore_mem>>) src(%dma_wait3A_143 : memref<331298xf32, #tpu.memory_space<hbm>>) dst(%dma_wait3A : memref<512xf32, #tpu.memory_space<vmem>>)
      }
      %scan3A_115 = arith.constant 4 : i32
      %scan3A_116 = arith.constant 0 : i32
      %scan3A_117 = arith.constant 0 : i32
      %scan3A_118 = arith.constant 16 : i32
      %scan3A_119 = arith.addi %scan3A_117, %scan3A_118 : i32
      %scan3A_120 = arith.constant 1 : i32
      scf.for %scan3A_136 = %scan3A_117 to %scan3A_119 step %scan3A_120  : i32 {
        %mul3A_137 = arith.constant 16 : i32
        %mul3A_138 = arith.muli %scan3A_136, %mul3A_137 : i32
        %get3A = arith.index_cast %mul3A_138 : i32 to index
        %get3A_139 = tpu.vector_load %arg13[%get3A] {strides = array<i32>} : memref<256xf32, #tpu.memory_space<vmem>>, vector<16xf32>,
        %get3A_140 = arith.index_cast %mul3A_138 : i32 to index
        %get3A_141 = tpu.vector_load %arg14[%get3A_140] {strides = array<i32>} : memref<256xf32, #tpu.memory_space<vmem>>, vector<16xf32>,
        %add3A_142 = vector.broadcast %mul3A_138 : i32 to vector<16xi32>
        %add3A_143 = arith.addi %add3A_142, %iota3A : vector<16xi32>
        %mul3A_144 = arith.constant 32 : i32
        %mul3A_145 = vector.broadcast %mul3A_144 : i32 to vector<16xi32>
        %mul3A_146 = arith.muli %add3A_143, %mul3A_145 : vector<16xi32>
        %mul3A_147 = arith.constant 0.79296875 : f32
        %mul3A_148 = vector.broadcast %mul3A_147 : f32 to vector<16xf32>
        %mul3A_149 = arith.mulf %get3A_139, %mul3A_148 : vector<16xf32>
        %convert_element_type3A_150 = arith.fptosi %mul3A_149 : vector<16xf32> to vector<16xi32>
        %mul3A_151 = arith.constant 0.79296875 : f32
        %mul3A_152 = vector.broadcast %mul3A_151 : f32 to vector<16xf32>
        %mul3A_153 = arith.mulf %get3A_141, %mul3A_152 : vector<16xf32>
        %convert_element_type3A_154 = arith.fptosi %mul3A_153 : vector<16xf32> to vector<16xi32>
        %convert_element_type3A_155 = arith.sitofp %convert_element_type3A_150 : vector<16xi32> to vector<16xf32>
        %convert_element_type3A_156 = arith.sitofp %convert_element_type3A_154 : vector<16xi32> to vector<16xf32>
        %mul3A_157 = arith.constant 1.26108372 : f32
        %mul3A_158 = vector.broadcast %mul3A_157 : f32 to vector<16xf32>
        %mul3A_159 = arith.mulf %convert_element_type3A_155, %mul3A_158 : vector<16xf32>
        %sub3A = arith.subf %get3A_139, %mul3A_159 : vector<16xf32>
        %mul3A_160 = arith.constant 0.79296875 : f32
        %mul3A_161 = vector.broadcast %mul3A_160 : f32 to vector<16xf32>
        %mul3A_162 = arith.mulf %sub3A, %mul3A_161 : vector<16xf32>
        %mul3A_163 = arith.constant 1.26108372 : f32
        %mul3A_164 = vector.broadcast %mul3A_163 : f32 to vector<16xf32>
        %mul3A_165 = arith.mulf %convert_element_type3A_156, %mul3A_164 : vector<16xf32>
        %sub3A_166 = arith.subf %get3A_141, %mul3A_165 : vector<16xf32>
        %mul3A_167 = arith.constant 0.79296875 : f32
        %mul3A_168 = vector.broadcast %mul3A_167 : f32 to vector<16xf32>
        %mul3A_169 = arith.mulf %sub3A_166, %mul3A_168 : vector<16xf32>
        %mul3A_170 = arith.constant 406 : i32
        %mul3A_171 = vector.broadcast %mul3A_170 : i32 to vector<16xi32>
        %mul3A_172 = arith.muli %convert_element_type3A_150, %mul3A_171 : vector<16xi32>
        %add3A_173 = arith.addi %mul3A_172, %convert_element_type3A_154 : vector<16xi32>
        %add3A_174 = arith.constant 0 : i32
        %add3A_175 = arith.addi %add3A_174, %mul3A_138 : i32
        %get3A_176 = arith.index_cast %add3A_175 : i32 to index
        %get3A_177 = tpu.vector_load %arg26[%get3A_176] {strides = array<i32>} : memref<2048xf32, #tpu.memory_space<vmem>>, vector<16xf32>,
        %add3A_178 = arith.constant 256 : i32
        %add3A_179 = arith.addi %add3A_178, %mul3A_138 : i32
        %get3A_180 = arith.index_cast %add3A_179 : i32 to index
        %get3A_181 = tpu.vector_load %arg26[%get3A_180] {strides = array<i32>} : memref<2048xf32, #tpu.memory_space<vmem>>, vector<16xf32>,
        %add3A_182 = arith.constant 512 : i32
        %add3A_183 = arith.addi %add3A_182, %mul3A_138 : i32
        %get3A_184 = arith.index_cast %add3A_183 : i32 to index
        %get3A_185 = tpu.vector_load %arg26[%get3A_184] {strides = array<i32>} : memref<2048xf32, #tpu.memory_space<vmem>>, vector<16xf32>,
        %add3A_186 = arith.constant 768 : i32
        %add3A_187 = arith.addi %add3A_186, %mul3A_138 : i32
        %get3A_188 = arith.index_cast %add3A_187 : i32 to index
        %get3A_189 = tpu.vector_load %arg26[%get3A_188] {strides = array<i32>} : memref<2048xf32, #tpu.memory_space<vmem>>, vector<16xf32>,
        %add3A_190 = arith.constant 1024 : i32
        %add3A_191 = arith.addi %add3A_190, %mul3A_138 : i32
        %get3A_192 = arith.index_cast %add3A_191 : i32 to index
        %get3A_193 = tpu.vector_load %arg26[%get3A_192] {strides = array<i32>} : memref<2048xf32, #tpu.memory_space<vmem>>, vector<16xf32>,
        %add3A_194 = arith.constant 1280 : i32
        %add3A_195 = arith.addi %add3A_194, %mul3A_138 : i32
        %get3A_196 = arith.index_cast %add3A_195 : i32 to index
        %get3A_197 = tpu.vector_load %arg26[%get3A_196] {strides = array<i32>} : memref<2048xf32, #tpu.memory_space<vmem>>, vector<16xf32>,
        %add3A_198 = arith.constant 1536 : i32
        %add3A_199 = arith.addi %add3A_198, %mul3A_138 : i32
        %get3A_200 = arith.index_cast %add3A_199 : i32 to index
        %get3A_201 = tpu.vector_load %arg26[%get3A_200] {strides = array<i32>} : memref<2048xf32, #tpu.memory_space<vmem>>, vector<16xf32>,
        %add3A_202 = arith.constant 1792 : i32
        %add3A_203 = arith.addi %add3A_202, %mul3A_138 : i32
        %get3A_204 = arith.index_cast %add3A_203 : i32 to index
        %get3A_205 = tpu.vector_load %arg26[%get3A_204] {strides = array<i32>} : memref<2048xf32, #tpu.memory_space<vmem>>, vector<16xf32>,
        %sub3A_206 = arith.constant 1.000000e+00 : f32
        %sub3A_207 = vector.broadcast %sub3A_206 : f32 to vector<16xf32>
        %sub3A_208 = arith.subf %sub3A_207, %mul3A_169 : vector<16xf32>
        %sub3A_209 = arith.constant 1.000000e+00 : f32
        %sub3A_210 = vector.broadcast %sub3A_209 : f32 to vector<16xf32>
        %sub3A_211 = arith.subf %sub3A_210, %mul3A_162 : vector<16xf32>
        %mul3A_212 = arith.mulf %get3A_177, %sub3A_208 : vector<16xf32>
        %mul3A_213 = arith.mulf %get3A_185, %mul3A_169 : vector<16xf32>
        %add3A_214 = arith.addf %mul3A_212, %mul3A_213 : vector<16xf32>
        %mul3A_215 = arith.mulf %get3A_181, %sub3A_208 : vector<16xf32>
        %mul3A_216 = arith.mulf %get3A_189, %mul3A_169 : vector<16xf32>
        %add3A_217 = arith.addf %mul3A_215, %mul3A_216 : vector<16xf32>
        %mul3A_218 = arith.mulf %get3A_193, %sub3A_208 : vector<16xf32>
        %mul3A_219 = arith.mulf %get3A_201, %mul3A_169 : vector<16xf32>
        %add3A_220 = arith.addf %mul3A_218, %mul3A_219 : vector<16xf32>
        %mul3A_221 = arith.mulf %get3A_197, %sub3A_208 : vector<16xf32>
        %mul3A_222 = arith.mulf %get3A_205, %mul3A_169 : vector<16xf32>
        %add3A_223 = arith.addf %mul3A_221, %mul3A_222 : vector<16xf32>
        %mul3A_224 = arith.mulf %add3A_214, %sub3A_211 : vector<16xf32>
        %mul3A_225 = arith.mulf %add3A_220, %mul3A_162 : vector<16xf32>
        %add3A_226 = arith.addf %mul3A_224, %mul3A_225 : vector<16xf32>
        %mul3A_227 = arith.mulf %add3A_217, %sub3A_211 : vector<16xf32>
        %mul3A_228 = arith.mulf %add3A_223, %mul3A_162 : vector<16xf32>
        %add3A_229 = arith.addf %mul3A_227, %mul3A_228 : vector<16xf32>
        %add3A_230 = arith.constant 28 : i32
        %add3A_231 = vector.broadcast %add3A_230 : i32 to vector<16xi32>
        %add3A_232 = arith.addi %mul3A_146, %add3A_231 : vector<16xi32>
        tpu.vector_store_idx %arg15[%add3A_232], %add3A_226 : memref<8192xf32, #tpu.memory_space<vmem>>[vector<16xi32>], vector<16xf32>,
        %add3A_233 = arith.constant 29 : i32
        %add3A_234 = vector.broadcast %add3A_233 : i32 to vector<16xi32>
        %add3A_235 = arith.addi %mul3A_146, %add3A_234 : vector<16xi32>
        tpu.vector_store_idx %arg15[%add3A_235], %add3A_229 : memref<8192xf32, #tpu.memory_space<vmem>>[vector<16xi32>], vector<16xf32>,
      }
      %scan3A_121 = arith.constant 16 : i32
      %scan3A_122 = arith.constant 0 : i32
      %scan3A_123 = arith.constant 0 : i32
      %scan3A_124 = arith.constant 4 : i32
      %scan3A_125 = arith.addi %scan3A_123, %scan3A_124 : i32
      %scan3A_126 = arith.constant 1 : i32
      scf.for %scan3A_136 = %scan3A_123 to %scan3A_125 step %scan3A_126  : i32 {
        %mul3A_137 = arith.constant 512 : i32
        %mul3A_138 = arith.muli %scan3A_136, %mul3A_137 : i32
        %mul3A_139 = arith.constant 512 : i32
        %mul3A_140 = arith.muli %scan3A_136, %mul3A_139 : i32
        %dma_wait3A = tpu.memref_slice %arg27[%mul3A_140] : memref<2048xf32, #tpu.memory_space<vmem>> -> memref<512xf32, #tpu.memory_space<vmem>>
        %dma_wait3A_141 = tpu.memref_slice %arg21[%mul3A_138] : memref<2048xi32, #tpu.memory_space<vmem>> -> memref<512xi32, #tpu.memory_space<vmem>>
        %dma_wait3A_142 = arith.constant 0 : i32
        %dma_wait3A_143 = tpu.memref_slice %arg10[%dma_wait3A_142] : memref<526338xf32, #tpu.memory_space<hbm>> -> memref<526338xf32, #tpu.memory_space<hbm>>
        tpu.wait_indirect_dma semaphore(%arg30 : memref<!tpu.dma_semaphore, #tpu.memory_space<semaphore_mem>>) src(%dma_wait3A_143 : memref<526338xf32, #tpu.memory_space<hbm>>) dst(%dma_wait3A : memref<512xf32, #tpu.memory_space<vmem>>)
      }
      %scan3A_127 = arith.constant 4 : i32
      %scan3A_128 = arith.constant 0 : i32
      %scan3A_129 = arith.constant 0 : i32
      %scan3A_130 = arith.constant 16 : i32
      %scan3A_131 = arith.addi %scan3A_129, %scan3A_130 : i32
      %scan3A_132 = arith.constant 1 : i32
      scf.for %scan3A_136 = %scan3A_129 to %scan3A_131 step %scan3A_132  : i32 {
        %mul3A_137 = arith.constant 16 : i32
        %mul3A_138 = arith.muli %scan3A_136, %mul3A_137 : i32
        %get3A = arith.index_cast %mul3A_138 : i32 to index
        %get3A_139 = tpu.vector_load %arg13[%get3A] {strides = array<i32>} : memref<256xf32, #tpu.memory_space<vmem>>, vector<16xf32>,
        %get3A_140 = arith.index_cast %mul3A_138 : i32 to index
        %get3A_141 = tpu.vector_load %arg14[%get3A_140] {strides = array<i32>} : memref<256xf32, #tpu.memory_space<vmem>>, vector<16xf32>,
        %add3A_142 = vector.broadcast %mul3A_138 : i32 to vector<16xi32>
        %add3A_143 = arith.addi %add3A_142, %iota3A : vector<16xi32>
        %mul3A_144 = arith.constant 32 : i32
        %mul3A_145 = vector.broadcast %mul3A_144 : i32 to vector<16xi32>
        %mul3A_146 = arith.muli %add3A_143, %mul3A_145 : vector<16xi32>
        %mul3A_147 = arith.constant 1.000000e+00 : f32
        %mul3A_148 = vector.broadcast %mul3A_147 : f32 to vector<16xf32>
        %mul3A_149 = arith.mulf %get3A_139, %mul3A_148 : vector<16xf32>
        %convert_element_type3A_150 = arith.fptosi %mul3A_149 : vector<16xf32> to vector<16xi32>
        %mul3A_151 = arith.constant 1.000000e+00 : f32
        %mul3A_152 = vector.broadcast %mul3A_151 : f32 to vector<16xf32>
        %mul3A_153 = arith.mulf %get3A_141, %mul3A_152 : vector<16xf32>
        %convert_element_type3A_154 = arith.fptosi %mul3A_153 : vector<16xf32> to vector<16xi32>
        %convert_element_type3A_155 = arith.sitofp %convert_element_type3A_150 : vector<16xi32> to vector<16xf32>
        %convert_element_type3A_156 = arith.sitofp %convert_element_type3A_154 : vector<16xi32> to vector<16xf32>
        %mul3A_157 = arith.constant 1.000000e+00 : f32
        %mul3A_158 = vector.broadcast %mul3A_157 : f32 to vector<16xf32>
        %mul3A_159 = arith.mulf %convert_element_type3A_155, %mul3A_158 : vector<16xf32>
        %sub3A = arith.subf %get3A_139, %mul3A_159 : vector<16xf32>
        %mul3A_160 = arith.constant 1.000000e+00 : f32
        %mul3A_161 = vector.broadcast %mul3A_160 : f32 to vector<16xf32>
        %mul3A_162 = arith.mulf %sub3A, %mul3A_161 : vector<16xf32>
        %mul3A_163 = arith.constant 1.000000e+00 : f32
        %mul3A_164 = vector.broadcast %mul3A_163 : f32 to vector<16xf32>
        %mul3A_165 = arith.mulf %convert_element_type3A_156, %mul3A_164 : vector<16xf32>
        %sub3A_166 = arith.subf %get3A_141, %mul3A_165 : vector<16xf32>
        %mul3A_167 = arith.constant 1.000000e+00 : f32
        %mul3A_168 = vector.broadcast %mul3A_167 : f32 to vector<16xf32>
        %mul3A_169 = arith.mulf %sub3A_166, %mul3A_168 : vector<16xf32>
        %mul3A_170 = arith.constant 512 : i32
        %mul3A_171 = vector.broadcast %mul3A_170 : i32 to vector<16xi32>
        %mul3A_172 = arith.muli %convert_element_type3A_150, %mul3A_171 : vector<16xi32>
        %add3A_173 = arith.addi %mul3A_172, %convert_element_type3A_154 : vector<16xi32>
        %add3A_174 = arith.constant 0 : i32
        %add3A_175 = arith.addi %add3A_174, %mul3A_138 : i32
        %get3A_176 = arith.index_cast %add3A_175 : i32 to index
        %get3A_177 = tpu.vector_load %arg27[%get3A_176] {strides = array<i32>} : memref<2048xf32, #tpu.memory_space<vmem>>, vector<16xf32>,
        %add3A_178 = arith.constant 256 : i32
        %add3A_179 = arith.addi %add3A_178, %mul3A_138 : i32
        %get3A_180 = arith.index_cast %add3A_179 : i32 to index
        %get3A_181 = tpu.vector_load %arg27[%get3A_180] {strides = array<i32>} : memref<2048xf32, #tpu.memory_space<vmem>>, vector<16xf32>,
        %add3A_182 = arith.constant 512 : i32
        %add3A_183 = arith.addi %add3A_182, %mul3A_138 : i32
        %get3A_184 = arith.index_cast %add3A_183 : i32 to index
        %get3A_185 = tpu.vector_load %arg27[%get3A_184] {strides = array<i32>} : memref<2048xf32, #tpu.memory_space<vmem>>, vector<16xf32>,
        %add3A_186 = arith.constant 768 : i32
        %add3A_187 = arith.addi %add3A_186, %mul3A_138 : i32
        %get3A_188 = arith.index_cast %add3A_187 : i32 to index
        %get3A_189 = tpu.vector_load %arg27[%get3A_188] {strides = array<i32>} : memref<2048xf32, #tpu.memory_space<vmem>>, vector<16xf32>,
        %add3A_190 = arith.constant 1024 : i32
        %add3A_191 = arith.addi %add3A_190, %mul3A_138 : i32
        %get3A_192 = arith.index_cast %add3A_191 : i32 to index
        %get3A_193 = tpu.vector_load %arg27[%get3A_192] {strides = array<i32>} : memref<2048xf32, #tpu.memory_space<vmem>>, vector<16xf32>,
        %add3A_194 = arith.constant 1280 : i32
        %add3A_195 = arith.addi %add3A_194, %mul3A_138 : i32
        %get3A_196 = arith.index_cast %add3A_195 : i32 to index
        %get3A_197 = tpu.vector_load %arg27[%get3A_196] {strides = array<i32>} : memref<2048xf32, #tpu.memory_space<vmem>>, vector<16xf32>,
        %add3A_198 = arith.constant 1536 : i32
        %add3A_199 = arith.addi %add3A_198, %mul3A_138 : i32
        %get3A_200 = arith.index_cast %add3A_199 : i32 to index
        %get3A_201 = tpu.vector_load %arg27[%get3A_200] {strides = array<i32>} : memref<2048xf32, #tpu.memory_space<vmem>>, vector<16xf32>,
        %add3A_202 = arith.constant 1792 : i32
        %add3A_203 = arith.addi %add3A_202, %mul3A_138 : i32
        %get3A_204 = arith.index_cast %add3A_203 : i32 to index
        %get3A_205 = tpu.vector_load %arg27[%get3A_204] {strides = array<i32>} : memref<2048xf32, #tpu.memory_space<vmem>>, vector<16xf32>,
        %sub3A_206 = arith.constant 1.000000e+00 : f32
        %sub3A_207 = vector.broadcast %sub3A_206 : f32 to vector<16xf32>
        %sub3A_208 = arith.subf %sub3A_207, %mul3A_169 : vector<16xf32>
        %sub3A_209 = arith.constant 1.000000e+00 : f32
        %sub3A_210 = vector.broadcast %sub3A_209 : f32 to vector<16xf32>
        %sub3A_211 = arith.subf %sub3A_210, %mul3A_162 : vector<16xf32>
        %mul3A_212 = arith.mulf %get3A_177, %sub3A_208 : vector<16xf32>
        %mul3A_213 = arith.mulf %get3A_185, %mul3A_169 : vector<16xf32>
        %add3A_214 = arith.addf %mul3A_212, %mul3A_213 : vector<16xf32>
        %mul3A_215 = arith.mulf %get3A_181, %sub3A_208 : vector<16xf32>
        %mul3A_216 = arith.mulf %get3A_189, %mul3A_169 : vector<16xf32>
        %add3A_217 = arith.addf %mul3A_215, %mul3A_216 : vector<16xf32>
        %mul3A_218 = arith.mulf %get3A_193, %sub3A_208 : vector<16xf32>
        %mul3A_219 = arith.mulf %get3A_201, %mul3A_169 : vector<16xf32>
        %add3A_220 = arith.addf %mul3A_218, %mul3A_219 : vector<16xf32>
        %mul3A_221 = arith.mulf %get3A_197, %sub3A_208 : vector<16xf32>
        %mul3A_222 = arith.mulf %get3A_205, %mul3A_169 : vector<16xf32>
        %add3A_223 = arith.addf %mul3A_221, %mul3A_222 : vector<16xf32>
        %mul3A_224 = arith.mulf %add3A_214, %sub3A_211 : vector<16xf32>
        %mul3A_225 = arith.mulf %add3A_220, %mul3A_162 : vector<16xf32>
        %add3A_226 = arith.addf %mul3A_224, %mul3A_225 : vector<16xf32>
        %mul3A_227 = arith.mulf %add3A_217, %sub3A_211 : vector<16xf32>
        %mul3A_228 = arith.mulf %add3A_223, %mul3A_162 : vector<16xf32>
        %add3A_229 = arith.addf %mul3A_227, %mul3A_228 : vector<16xf32>
        %add3A_230 = arith.constant 30 : i32
        %add3A_231 = vector.broadcast %add3A_230 : i32 to vector<16xi32>
        %add3A_232 = arith.addi %mul3A_146, %add3A_231 : vector<16xi32>
        tpu.vector_store_idx %arg15[%add3A_232], %add3A_226 : memref<8192xf32, #tpu.memory_space<vmem>>[vector<16xi32>], vector<16xf32>,
        %add3A_233 = arith.constant 31 : i32
        %add3A_234 = vector.broadcast %add3A_233 : i32 to vector<16xi32>
        %add3A_235 = arith.addi %mul3A_146, %add3A_234 : vector<16xi32>
        tpu.vector_store_idx %arg15[%add3A_235], %add3A_229 : memref<8192xf32, #tpu.memory_space<vmem>>[vector<16xi32>], vector<16xf32>,
      }
      %scan3A_133 = arith.constant 16 : i32
      %mul3A_134 = arith.constant 32 : i32
      %mul3A_135 = arith.muli %add3A_13, %mul3A_134 : i32
      "tpu.region"() ({
        %run_scoped3A = tpu.sem_alloc : memref<!tpu.dma_semaphore, #tpu.memory_space<semaphore_mem>>
        %dma_start3A = tpu.memref_slice %arg11[%mul3A_135] : memref<8388608xf32, #tpu.memory_space<hbm>> -> memref<8192xf32, #tpu.memory_space<hbm>>
        %dma_start3A_136 = tpu.memref_slice %arg11[%mul3A_135] : memref<8388608xf32, #tpu.memory_space<hbm>> -> memref<8192xf32, #tpu.memory_space<hbm>>
        tpu.enqueue_dma source(%arg15 : memref<8192xf32, #tpu.memory_space<vmem>>) target(%dma_start3A_136 : memref<8192xf32, #tpu.memory_space<hbm>>) target_semaphore(%run_scoped3A : memref<!tpu.dma_semaphore, #tpu.memory_space<semaphore_mem>>)
        %dma_wait3A = tpu.memref_slice %arg11[%mul3A_135] : memref<8388608xf32, #tpu.memory_space<hbm>> -> memref<8192xf32, #tpu.memory_space<hbm>>
        %dma_wait3A_137 = tpu.memref_slice %arg11[%mul3A_135] : memref<8388608xf32, #tpu.memory_space<hbm>> -> memref<8192xf32, #tpu.memory_space<hbm>>
        tpu.wait_dma2 semaphore(%run_scoped3A : memref<!tpu.dma_semaphore, #tpu.memory_space<semaphore_mem>>) src(%arg15 : memref<8192xf32, #tpu.memory_space<vmem>>) dst(%dma_wait3A_137 : memref<8192xf32, #tpu.memory_space<hbm>>)
        tpu.yield
      }) : () -> ()
    }
    %scan3A_9 = arith.constant 32 : i32
    return
  }
}

</mosaic_0001>

<sc_bundles>
// kernel: kernel.3.cloned.1.call-start
scs
__scs_entry_jumppad:
0x0: {  	(pc) =	sbr.rel $0x88, $3  }
0x1: {  	(tag) =	ssettag $0x0;
	lr =	simm.s32 $0x1  }
0x2: {  	[smem:$0x3F90] =	sst lr;
	_ =	strace $0xD0000000  }
0x3: {  	_ = 	snop  }
0x4: {  	_ = 	snop  }
0x5: {  	_ = 	snop  }
0x6: {  	_ = 	snop  }
0x7: {  	_ = 	snop  }
__scs_overlays_trampoline_lowered:
0x8: {  	[smem:$0x3F9F] =	sst s0  }
0x9: {  	[smem:$0x3FA0] =	sst s1  }
0xa: {  	[smem:$0x3FA1] =	sst s2  }
0xb: {  	[smem:$0x3FA2] =	sst s3  }
0xc: {  	[smem:$0x3FA3] =	sst s4  }
0xd: {  	[smem:$0x3FA4] =	sst s5  }
0xe: {  	[smem:$0x3FA5] =	sst s6  }
0xf: {  	[smem:$0x3FA6] =	sst s7  }
0x10: {  	[smem:$0x3FA7] =	sst s8  }
0x11: {  	[smem:$0x3FA8] =	sst s9;
	s0 =	simm.s32 @!p0 $0x0  }
0x12: {  	s1 =	sld [smem:$0x3F8E];
	s0 =	simm.s32 @p0 $0x1  }
0x13: {  	[smem:$0x3FA9] =	sst s0;
	s0 =	simm.s32 @!p1 $0x0  }
0x14: {  	s2 =	sld [smem:$0x3F8D];
	s0 =	simm.s32 @p1 $0x1  }
0x15: {  	[smem:$0x3FAA] =	sst s0;
	s0 =	simm.s32 @!p2 $0x0  }
0x16: {  	s3 =	sld [smem:$0x3FDB];
	s0 =	simm.s32 @p2 $0x1  }
0x17: {  	s4 =	simm.s32 $0x1BF5;
	[smem:$0x3FAC] =	sst s0  }
0x18: {  	s0 =	sld [smem:$0x3F8F];
	_ =	swait.ge [sflag:s4], $0x0  }
0x19: {  	s7 =	sld [smem:$0x3F90]  }
0x1a: {  	s8 =	sadd.s32 $0xFFFFE003, lr  }
0x1b: {  	s9 =	sadd.s32 $0xFFFFFEF7, lr;
	s5 =	simm.s32 $0xFFFFFFFF;
	p2 =	slt.u32 s8, $0xFFFFF086  }
0x1c: {  	p1 =	slt.u32 s9, $0xF7A;
	s5 =	simm.s32 @!p2 $0x0  }
0x1d: {  	s5 =	simm.s32 @p1 $0x1;
	p0 =	seq.s32 s7, s2  }
0x1e: {  	s7 =	smul.u32 @!p0 $0xF7A, s2;
	p2 =	seq.s32 @!p0 s5, $0x0  }
0x1f: {  	s9 =	smul.u32 $0xF7A, s1;
	s8 =	simm.s32 @!p0 $0x1BF5;
	p2 =	por !p2, p0  }
0x20: {  	[sflag:s8] =	ssyncset.s32 @!p0 $0xFFFFF086;
	s6 =	sadd.s32 @!p0 s3, s7;
	s7 =	simm.s32 @!p0 $0x108  }
0x21: {  	s3 =	sadd.s32 s3, s9;
	s6 =	sadd.s32 @!p0 $0x88, s6;
	s7 =	simm.s32 @p2 $0x1082  }
0x22: {  	[simem:s7], [sflag:s8] =	dma.local @!p0 [hbm:s6], $0xF7A  }
0x23: {  	s9 =	sor.u32 $0xD0000000, s2;
	s6 =	simm.s32 $0x108;
	_ =	swait.ge @!p0 [sflag:s8], $0x0  }
0x24: {  	s3 =	sadd.s32 $0x88, s3;
	s6 =	simm.s32 @!p1 $0x1082;
	[sflag:s4] =	ssyncset.s32 $0xFFFFF086  }
0x25: {  	[simem:s6], [sflag:s4] =	dma.local [hbm:s3], $0xF7A  }
0x26: {  	[smem:$0x3F90] =	sst s1;
	(tag) =	ssettag s2;
	_ =	strace s9  }
0x27: {  	s1 =	sld [smem:$0x3FA0]  }
0x28: {  	s2 =	sld [smem:$0x3FA1]  }
0x29: {  	s4 =	sld [smem:$0x3FA3]  }
0x2a: {  	p0 =	seq.s32 s5, $0x0;
	s5 =	sld [smem:$0x3FA4]  }
0x2b: {  	s6 =	sld [smem:$0x3FA5]  }
0x2c: {  	s7 =	sld [smem:$0x3FA6]  }
0x2d: {  	s3 =	simm.s32 $0x108;
	s8 =	sld [smem:$0x3FA7]  }
0x2e: {  	s3 =	simm.s32 @!p0 $0x1082;
	s9 =	sld [smem:$0x3FA8]  }
0x2f: {  	lr =	sadd.s32 s0, s3;
	s0 =	sld [smem:$0x3F9F]  }
0x30: {  	s3 =	sld [smem:$0x3FA2]  }
0x31: {  	[smem:$0x3FAB] =	sst s10  }
0x32: {  	s10 =	sld [smem:$0x3FA9];
	_ =	sdelay $0x3  }
0x33: {  	p0 =	seq.s32 s10, $0x1;
	s10 =	sld [smem:$0x3FAB];
	_ =	sdelay $0x3  }
0x34: {  	[smem:$0x3FAB] =	sst s10  }
0x35: {  	s10 =	sld [smem:$0x3FAA];
	_ =	sdelay $0x3  }
0x36: {  	p1 =	seq.s32 s10, $0x1;
	s10 =	sld [smem:$0x3FAB];
	_ =	sdelay $0x3  }
0x37: {  	[smem:$0x3FAB] =	sst s10  }
0x38: {  	s10 =	sld [smem:$0x3FAC]  }
0x39: {  	_ = 	snop;
	(pc) =	sbr.ind lr, $3  }
0x3a: {  	_ = 	snop  }
0x3b: {  	_ = 	snop  }
0x3c: {  	p2 =	seq.s32 s10, $0x1;
	s10 =	sld [smem:$0x3FAB]  }
0x3d: {  	_ =	shalt  }
0x3e: {  	_ =	shalt  }
0x3f: {  	_ =	shalt  }
0x40: {  	_ =	shalt  }
0x41: {  	_ =	shalt  }
0x42: {  	_ =	shalt  }
0x43: {  	_ =	shalt  }
0x44: {  	_ =	shalt  }
0x45: {  	_ =	shalt  }
0x46: {  	_ =	shalt  }
0x47: {  	_ =	shalt  }
0x48: {  	_ =	shalt  }
0x49: {  	_ =	shalt  }
0x4a: {  	_ =	shalt  }
0x4b: {  	_ =	shalt  }
0x4c: {  	_ =	shalt  }
0x4d: {  	_ =	shalt  }
0x4e: {  	_ =	shalt  }
0x4f: {  	_ =	shalt  }
0x50: {  	_ =	shalt  }
0x51: {  	_ =	shalt  }
0x52: {  	_ =	shalt  }
0x53: {  	_ =	shalt  }
0x54: {  	_ =	shalt  }
0x55: {  	_ =	shalt  }
0x56: {  	_ =	shalt  }
0x57: {  	_ =	shalt  }
0x58: {  	_ =	shalt  }
0x59: {  	_ =	shalt  }
0x5a: {  	_ =	shalt  }
0x5b: {  	_ =	shalt  }
0x5c: {  	_ =	shalt  }
0x5d: {  	_ =	shalt  }
0x5e: {  	_ =	shalt  }
0x5f: {  	_ =	shalt  }
0x60: {  	_ =	shalt  }
0x61: {  	_ =	shalt  }
0x62: {  	_ =	shalt  }
0x63: {  	_ =	shalt  }
0x64: {  	_ =	shalt  }
0x65: {  	_ =	shalt  }
0x66: {  	_ =	shalt  }
0x67: {  	_ =	shalt  }
0x68: {  	_ =	shalt  }
0x69: {  	_ =	shalt  }
0x6a: {  	_ =	shalt  }
0x6b: {  	_ =	shalt  }
0x6c: {  	_ =	shalt  }
0x6d: {  	_ =	shalt  }
0x6e: {  	_ =	shalt  }
0x6f: {  	_ =	shalt  }
0x70: {  	_ =	shalt  }
0x71: {  	_ =	shalt  }
0x72: {  	_ =	shalt  }
0x73: {  	_ =	shalt  }
0x74: {  	_ =	shalt  }
0x75: {  	_ =	shalt  }
0x76: {  	_ =	shalt  }
0x77: {  	_ =	shalt  }
0x78: {  	_ =	shalt  }
0x79: {  	_ =	shalt  }
0x7a: {  	_ =	shalt  }
0x7b: {  	_ =	shalt  }
0x7c: {  	_ =	shalt  }
0x7d: {  	_ =	shalt  }
0x7e: {  	_ =	shalt  }
0x7f: {  	_ =	shalt  }
0x80: {  	_ =	shalt  }
0x81: {  	_ =	shalt  }
0x82: {  	_ =	shalt  }
0x83: {  	_ =	shalt  }
0x84: {  	_ =	shalt  }
0x85: {  	_ =	shalt  }
0x86: {  	_ =	shalt  }
0x87: {  	_ =	shalt  }
.Lfunc_end0:
.L_simem_size_0:
called_computation.1_lowered:
.L_overlay_start_0:
0x88: {  	s2 =	sld [smem:$0x3FD9]  }
0x89: {  	s3 =	sld [smem:$0x3FFE];
	_ =	sdelay $0x1  }
0x8a: {  	s1 =	srdreg.scid  }
0x8b: {  	s0 =	sand.u32 $0x1, s1  }
0x8c: {  	s14 =	sshll.u32 s0, $0xA;
	s2 =	sadd.s32 s3, s2  }
0x8d: {  	s2 =	sadd.s32 s2, s14  }
0x8e: {  	[smem:$0x3FB7] =	sst s2  }
0x8f: {  	_ = 	snop  }
0x90: {  	s2 =	sld [smem:$0x3FD0];
	_ =	sdelay $0x2  }
0x91: {  	s15 =	simm.s32 $0xA;
	s4 =	simm.s32 $0x10  }
0x92: {  	[smem:s4], [sflag:s15] =	dma.local [hbm:s2], $0x1  }
0x93: {  	_ =	swait.eq [sflag:s15], $0x1  }
0x94: {  	[sflag:s15] =	ssyncset.done $0x0  }
0x95: {  	[sflag:s15] =	ssyncadd.s32 $0xFFFFFFFF  }
0x96: {  	s2 =	sadd.s32 $0x2, s2;
	s5 =	sld [smem:$0x10]  }
0x97: {  	[smem:s4], [sflag:s15] =	dma.local [hbm:s2], $0x1  }
0x98: {  	_ =	swait.eq [sflag:s15], $0x1  }
0x99: {  	[sflag:s15] =	ssyncset.done $0x0  }
0x9a: {  	[sflag:s15] =	ssyncadd.s32 $0xFFFFFFFF  }
0x9b: {  	s16 =	sld [smem:$0x10];
	(tm) =	ssettm $0x1  }
0x9c: {  	s17 =	sld [smem:$0x3FFB];
	_ =	sdelay $0x3  }
0x9d: {  	_ =	strace s17  }
0x9e: {  	s3 =	sld [smem:$0x3FFC];
	_ =	sdelay $0x3  }
0x9f: {  	_ =	strace s3  }
0xa0: {  	s3 =	sld [smem:$0x3FFD];
	_ =	sdelay $0x3  }
0xa1: {  	_ =	strace s3  }
0xa2: {  	_ =	strace $0x8FFFFFFF  }
0xa3: {  	s18 =	sld [smem:$0x3FDB];
	_ =	sdelay $0x1  }
0xa4: {  	s19 =	simm.s32 $_scs_section_size  }
0xa5: {  	s6 =	simm.s32 $_size__tile_overlayer_lowered;
	s7 =	simm.s32 $_tile_overlayer_lowered  }
0xa6: {  	s22 =	simm.s32 $0x1BFF;
	s21 =	sshll.u32 s7, $0x1;
	s3 =	sadd.s32 s19, s18  }
0xa7: {  	s8 =	simm.s32 $0x0;
	s20 =	sshll.u32 s6, $0x1;
	s6 =	sadd.s32 s21, s3  }
0xa8: {  	[timem:s8], [sflag:s22] =	dma.local [hbm:s6], s20  }
0xa9: {  	_ =	swait.ge [sflag:s22], s20  }
0xaa: {  	s4 =	ssub.s32 $0x0, s20;
	[sflag:s22] =	ssyncset.done $0x0  }
0xab: {  	[sflag:s22] =	ssyncadd.s32 s4;
	_ =	sdelay $0x1  }
0xac: {  	s23 =	simm.s32 $0x1B8B  }
0xad: {  	_ =	swait.ge [sflag:s23], $0x1  }
0xae: {  	[sflag:s23] =	ssyncset.done $0x0  }
0xaf: {  	s25 =	simm.s32 $0x1B8E;
	s24 =	sld [smem:$0x3FFE];
	[sflag:s23] =	ssyncadd.s32 $0xFFFFFFFF  }
0xb0: {  	s26 =	simm.s32 $execute0_lowered;
	[smem:$0x3FD2] =	sst s25  }
0xb1: {  	s6 =	sshll.u32 s26, $0x1;
	_ =	strace $0x80000046;
	[dreg:$0x1] =	wrdreg $0xFFFFFFFF  }
0xb2: {  	s28 =	simm.s32 $_size_execute0_lowered;
	s3 =	sadd.s32 s3, s6;
	[dreg:$0x0] =	wrdreg $0x0  }
0xb3: {  	s6 =	sshll.u32 s28, $0x1;
	[dreg:$0x2] =	wrdreg s3  }
0xb4: {  	[dreg:$0x3] =	wrdreg s6  }
0xb5: {  	[dreg:$0x4] =	wrdreg $0xC0  }
0xb6: {  	_ =	task [dreg:s8], $0x5FFFF  }
0xb7: {  	[dreg:$0x1] =	wrdreg $0xFFFFFFFF  }
0xb8: {  	[dreg:$0x0] =	wrdreg $0x60  }
0xb9: {  	[dreg:$0x2] =	wrdreg s24  }
0xba: {  	[dreg:$0x3] =	wrdreg s16  }
0xbb: {  	[dreg:$0x4] =	wrdreg s5  }
0xbc: {  	[dreg:$0x5] =	wrdreg $0x1DE800  }
0xbd: {  	[dreg:$0x6] =	wrdreg $0x1EB580  }
0xbe: {  	[dreg:$0x7] =	wrdreg $0x9  }
0xbf: {  	_ =	task.clear_ibuf [dreg:s8], $0x8FFFF;
	_ =	strace $0x90000046  }
0xc0: {  	s29 =	simm.s32 $0x9;
	_ =	strace $0x80000048  }
0xc1: {  	_ =	swait.ge [sflag:s29], $0x1  }
0xc2: {  	[sflag:s29] =	ssyncadd.s32 $0xFFFFFFFF  }
0xc3: {  	_ =	strace $0x90000048  }
0xc4: {  	_ =	sfence  }
0xc5: {  	s30 =	sld [smem:$0x0];
	_ =	sdelay $0x2  }
0xc6: {  	s31 =	sshll.u32 s1, $0xD;
	s1 =	sshrl.u32 s1, $0x2  }
0xc7: {  	s3 =	sand.u32 $0x4000, s31;
	s1 =	sadd.s32 s1, s30  }
0xc8: {  	s0 =	sor.u32 s3, s0;
	s1 =	sshll.u32 s1, $0x11  }
0xc9: {  	s0 =	sor.u32 s1, s0  }
0xca: {  	s0 =	sadd.s32 $0x8F2B, s0  }
0xcb: {  	[sflag:s0] =	ssyncadd.remote.s32 $0x1  }
0xcc: {  	_ =	sfence.sel $0xFFFF  }
0xcd: {  	[dreg:$0x0] =	wrdreg $0xFFFFFFFF;
	(pc) =	sbr.abs _section_cstart, $3  }
0xce: {  	[dreg:$0x1] =	wrdreg $0xFFFFFFFF  }
0xcf: {  	_ =	task.clear_ibuf [dreg:s8], $0x2FFFF;
	_ =	strace $0x9FFFFFFF  }
0xd0: {  	(tm) =	ssettm $0x7FFFFFFF  }
0xd1: {  	_ =	shalt  }
tec
execute0_lowered:
.L_overlay_start_1:
0x0: {  	(tag) =	ssettag $0x1  }
0x1: {  	s0 =	rddreg [dreg:$0x0]  }
0x2: {  	s1 =	rddreg [dreg:$0x1]  }
0x3: {  	s3 =	rddreg [dreg:$0x3]  }
0x4: {  	s4 =	rddreg [dreg:$0x4]  }
0x5: {  	s5 =	simm.s32 $0x0;
	s21 =	srdreg.scid;
	s24 =	stileid.u32  }
0x6: {  	s16 =	simm.s32 $0x2;
	s19 =	simm.s32 $0x1;
	s28 =	simm.s32 $0x1D480  }
0x7: {  	s29 =	simm.s32 $0x1A680;
	s30 =	simm.s32 $0x1D680;
	s31 =	simm.s32 $0x1A880  }
0x8: {  	s10 =	simm.s32 $0x1AC80;
	s15 =	simm.s32 $0x1DC80;
	s18 =	simm.s32 $0x0  }
0x9: {  	[smem:$0x7FF] =	sst s5;
	s6 =	sadd.s32 $0xE000, s0;
	s7 =	sadd.s32 $0x6000, s0  }
0xa: {  	s2 =	sadd.s32 $0x2EE00, s0;
	s8 =	sadd.s32 $0x16000, s0;
	s22 =	sadd.s32 $0x17A00, s0  }
0xb: {  	s11 =	sadd.s32 $0x1A400, s0;
	_ =	strace $0x80000047;
	[dreg:$0x6] =	wrdreg s2  }
0xc: {  	s12 =	sadd.s32 $0x1E600, s0;
	s13 =	sadd.s32 $0x24C00, s0;
	[dreg:$0x7] =	wrdreg s8  }
0xd: {  	s25 =	sshll.u32 s24, $0xE;
	p0 =	sne.s32 s24, $0x0;
	[dreg:$0x8] =	wrdreg s22  }
0xe: {  	s2 =	sand.u32 $0x1, s21;
	s0 =	sshrl.u32 @!p0 s3, $0x3;
	s21 =	simm.s32 $0x200  }
0xf: {  	s23 =	ssub.s32 $0x2, s2;
	s2 =	sshll.u32 s2, $0xD;
	[dreg:$0xa] =	wrdreg s0  }
0x10: {  	s0 =	sshrl.u32 @!p0 s4, $0x3;
	s9 =	sshrl.u32 s23, $0x1;
	s14 =	sor.u32 s2, s25  }
0x11: {  	[dreg:$0xb] =	wrdreg s0;
	s2 =	simm.s32 $0x15E80;
	s8 =	ssub.s32 s23, s9  }
0x12: {  	v0 =	vlaneseq.u32;
	s0 =	simm.s32 $0x1D880;
	s9 =	simm.s32 $0x1DA80;
	s26 =	smax.u32 s8, $0x1  }
0x13: {  	v0 =	vmul.u32 $0x20, v0;
	s8 =	simm.s32 $0x1AA80;
	[dreg:$0x9] =	wrdreg s26;
	s26 =	simm.s32 $0x1A480  }
.LBB2_1:
0x14: {  	[dreg:$0xc] =	wrdreg s18  }
0x15: {  	s17 =	rddreg [dreg:$0x6]  }
0x16: {  	[tilespmem:s5], [sflag:$0x2] =	stream.linear.gather [hbm4b:s17+s5], $0x15C80, $0x38;
	[tilespmem:$0x1FFB0] =	vst v63  }
0x17: {  	_ =	swait.ge [sflag:s16], $0x15C80  }
0x18: {  	[sflag:s16] =	ssyncset.done $0x0;
	s18 =	rddreg [dreg:$0x7]  }
0x19: {  	s17 =	simm.s32 @!p0 $0x1C02;
	s20 =	rddreg [dreg:$0xa];
	[sflag:s16] =	ssyncadd.s32 $0xFFFEA380  }
0x1a: {  	[spmem:s20], [sflag:s17] =	dma.local @!p0 [hbm:s18], $0x19A1  }
0x1b: {  	s18 =	simm.s32 @!p0 $0x2  }
0x1c: {  	_ =	swait.ge @!p0 [sflag:s18], $0x19A1  }
0x1d: {  	[sflag:s18] =	ssyncset.done @!p0 $0x0;
	s20 =	rddreg [dreg:$0x8]  }
0x1e: {  	s22 =	rddreg [dreg:$0xb];
	[sflag:s18] =	ssyncadd.s32 @!p0 $0xFFFFE65F  }
0x1f: {  	[spmem:s22], [sflag:s17] =	dma.local @!p0 [hbm:s20], $0x28A4  }
0x20: {  	_ =	swait.ge @!p0 [sflag:s18], $0x28A4  }
0x21: {  	[sflag:s18] =	ssyncset.done @!p0 $0x0  }
0x22: {  	[sflag:s18] =	ssyncadd.s32 @!p0 $0xFFFFD75C  }
0x23: {  	s17 =	simm.s32 $0x0;
	[bflag:$0x0] =	sbarrier.arrive $0xFFFF  }
.LBB2_2:
0x24: {  	s18 =	sshll.u32 s17, $0x8  }
0x25: {  	s18 =	sadd.s32 s14, s18  }
0x26: {  	s20 =	sshrl.u32 s18, $0x3  }
0x27: {  	s23 =	simm.s32 $0x0;
	s24 =	simm.s32 $0x15C80;
	s22 =	sadd.s32 s6, s20  }
0x28: {  	[tilespmem:s24], [sflag:$0x2] =	stream.linear.gather [hbm4b:s22+s23], $0x100, $0x38;
	[tilespmem:$0x1FFB0] =	vst v63  }
0x29: {  	_ =	swait.ge [sflag:s16], $0x100  }
0x2a: {  	[sflag:s16] =	ssyncset.done $0x0  }
0x2b: {  	s25 =	simm.s32 $0x15D80;
	s20 =	sadd.s32 s7, s20;
	[sflag:s16] =	ssyncadd.s32 $0xFFFFFF00  }
0x2c: {  	[tilespmem:s25], [sflag:$0x2] =	stream.linear.gather [hbm4b:s20+s23], $0x100, $0x38;
	[tilespmem:$0x1FFB0] =	vst v63  }
0x2d: {  	_ =	swait.ge [sflag:s16], $0x100  }
0x2e: {  	[sflag:s16] =	ssyncset.done $0x0  }
0x2f: {  	s20 =	simm.s32 $0x0;
	[sflag:s16] =	ssyncadd.s32 $0xFFFFFF00  }
0x30: {  	v1 =	vld [tilespmem:s20+$0x15C80];
	_ =	sdelay $0x1  }
0x31: {  	v4 =	vld [tilespmem:s20+$0x15D80];
	_ =	sdelay $0x2  }
0x32: {  	v2 =	vmul.f32 $7.929687500e-01, v1;
	_ =	sdelay $0x1  }
0x33: {  	v3 =	vmul.f32 $7.929687500e-01, v4;
	v2 =	vtrunc.f32 v2  }
0x34: {  	v2 =	vcvt.f32.s32 v2  }
0x35: {  	v3 =	vtrunc.f32 v3  }
0x36: {  	v5 =	vmul.f32 $3.144531250e-01, v1;
	v3 =	vcvt.f32.s32 v3;
	v2 =	vmul.u32 $0x196, v2;
	_ =	sdelay $0x1  }
0x37: {  	v6 =	vmul.f32 $3.144531250e-01, v4;
	v5 =	vtrunc.f32 v5;
	v7 =	vadd.s32 v3, v2  }
0x38: {  	v2 =	vcvt.f32.s32 v5;
	[tilespmem:s20+$0x19E80] =	vst v7;
	v3 =	vadd.s32 $0x288A8, v7  }
0x39: {  	v5 =	vtrunc.f32 v6;
	v6 =	vadd.s32 $0x28711, v7;
	[tilespmem:s20+$0x1A580] =	vst v3  }
0x3a: {  	v19 =	vadd.s32 $0x197, v7;
	v2 =	vmul.u32 $0xA1, v2;
	v3 =	vcvt.f32.s32 v5;
	[tilespmem:s20+$0x19F80] =	vst v6  }
0x3b: {  	v5 =	vadd.s32 $0x1, v7;
	[tilespmem:s20+$0x1A480] =	vst v19  }
0x3c: {  	v6 =	vmul.f32 $3.964843750e-01, v1;
	[tilespmem:s20+$0x1A080] =	vst v5;
	v2 =	vadd.s32 v3, v2  }
0x3d: {  	[tilespmem:s20+$0x17E80] =	vst v2;
	v3 =	vadd.s32 $0x6684, v2  }
0x3e: {  	v5 =	vtrunc.f32 v6;
	v6 =	vmul.f32 $3.964843750e-01, v4;
	v8 =	vadd.s32 $0xA1, v2;
	[tilespmem:s20+$0x17F80] =	vst v3  }
0x3f: {  	v5 =	vcvt.f32.s32 v5;
	v3 =	vadd.s32 $0x1, v2;
	[tilespmem:s20+$0x18280] =	vst v8  }
0x40: {  	v6 =	vtrunc.f32 v6;
	[tilespmem:s20+$0x18080] =	vst v3;
	v3 =	vadd.s32 $0x6685, v2  }
0x41: {  	v8 =	vadd.s32 $0xA2, v2;
	[tilespmem:s20+$0x18180] =	vst v3;
	v3 =	vmul.u32 $0xCB, v5;
	v5 =	vcvt.f32.s32 v6  }
0x42: {  	[tilespmem:s20+$0x18480] =	vst v8;
	v6 =	vadd.s32 $0x6725, v2  }
0x43: {  	v2 =	vadd.s32 $0x6726, v2;
	[tilespmem:s20+$0x18380] =	vst v6;
	v6 =	vmul.f32 $6.289062500e-01, v1;
	v3 =	vadd.s32 v5, v3  }
0x44: {  	[tilespmem:s20+$0x18580] =	vst v2;
	v5 =	vadd.s32 $0xA290, v3  }
0x45: {  	v2 =	vtrunc.f32 v6;
	v6 =	vmul.f32 $6.289062500e-01, v4;
	v8 =	vadd.s32 $0x1, v3;
	[tilespmem:s20+$0x18780] =	vst v5  }
0x46: {  	v9 =	vadd.s32 $0xCB, v3;
	v10 =	vadd.s32 $0xCC, v3;
	v2 =	vcvt.f32.s32 v2;
	[tilespmem:s20+$0x18880] =	vst v8  }
0x47: {  	v5 =	vadd.s32 $0xA291, v3;
	v8 =	vmul.f32 $5.000000000e-01, v1;
	[tilespmem:s20+$0x18A80] =	vst v9;
	v6 =	vtrunc.f32 v6  }
0x48: {  	v1 =	vtrunc.f32 v1;
	[tilespmem:s20+$0x18980] =	vst v5;
	v2 =	vmul.u32 $0x142, v2;
	v5 =	vcvt.f32.s32 v6  }
0x49: {  	v9 =	vmul.f32 $5.000000000e-01, v4;
	[tilespmem:s20+$0x18C80] =	vst v10;
	v1 =	vcvt.f32.s32 v1;
	v6 =	vadd.s32 $0xA35B, v3  }
0x4a: {  	v4 =	vtrunc.f32 v4;
	[tilespmem:s20+$0x18B80] =	vst v6;
	v2 =	vadd.s32 v5, v2;
	v5 =	vadd.s32 $0xA35C, v3  }
0x4b: {  	v6 =	vtrunc.f32 v8;
	v1 =	vshll.u32 v1, $0x9;
	v8 =	vadd.s32 $0x19789, v2;
	[tilespmem:s20+$0x18D80] =	vst v5  }
0x4c: {  	v6 =	vcvt.f32.s32 v6;
	v5 =	vtrunc.f32 v9;
	v9 =	vadd.s32 $0x1, v2;
	[tilespmem:s20+$0x19780] =	vst v8  }
0x4d: {  	v5 =	vcvt.f32.s32 v5;
	v8 =	vadd.s32 $0x1978A, v2;
	[tilespmem:s20+$0x19880] =	vst v9;
	v9 =	vcvt.f32.s32 v4  }
0x4e: {  	v10 =	vadd.s32 $0x142, v2;
	v6 =	vshll.u32 v6, $0x8;
	[tilespmem:s20+$0x19980] =	vst v8;
	v8 =	vadd.s32 $0x198CC, v2  }
0x4f: {  	[tilespmem:s20+$0x19A80] =	vst v10;
	v4 =	vadd.s32 v5, v6;
	v5 =	vadd.s32 $0x198CB, v2;
	v1 =	vadd.s32 v9, v1  }
0x50: {  	v6 =	vadd.s32 $0x143, v2;
	v9 =	vadd.s32 $0x196, v7;
	[tilespmem:s20+$0x19B80] =	vst v5;
	v5 =	vadd.s32 $0x28712, v7  }
0x51: {  	v14 =	vadd.s32 $0x10201, v4;
	[tilespmem:s20+$0x19C80] =	vst v6;
	v6 =	vadd.s32 $0x288A7, v7;
	v17 =	vadd.s32 $0x1, v4  }
0x52: {  	[tilespmem:s20+$0x19D80] =	vst v8;
	v18 =	vadd.s32 $0x10202, v4;
	v16 =	vadd.s32 $0x100, v4;
	v15 =	vadd.s32 $0x10301, v4  }
0x53: {  	v13 =	vadd.s32 $0x101, v4;
	v12 =	vadd.s32 $0x10302, v4;
	v11 =	vadd.s32 $0x40401, v1;
	[tilespmem:s20+$0x1A280] =	vst v9  }
0x54: {  	v10 =	vadd.s32 $0x1, v1;
	v9 =	vadd.s32 $0x40402, v1;
	v8 =	vadd.s32 $0x200, v1;
	[tilespmem:s20+$0x1A180] =	vst v5  }
0x55: {  	s22 =	simm.s32 $0x10;
	s23 =	simm.s32 $0x80;
	v7 =	vadd.s32 $0x40601, v1;
	[tilespmem:s20+$0x1A380] =	vst v6;
	v6 =	vadd.s32 $0x201, v1;
	v5 =	vadd.s32 $0x40602, v1  }
.LBB2_3:
0x56: {  	p1 =	sne.s32 s23, $0x3C0;
	v19 =	vld [tilespmem:s22+$0x15C80];
	[tilespmem:s20+$0x18680] =	vst v3  }
0x57: {  	[tilespmem:s20+$0x18F80] =	vst v14  }
0x58: {  	v3 =	vld [tilespmem:s22+$0x15D80];
	[tilespmem:s20+$0x19080] =	vst v17  }
0x59: {  	[tilespmem:s20+$0x19180] =	vst v18  }
0x5a: {  	[tilespmem:s20+$0x19280] =	vst v16  }
0x5b: {  	v14 =	vmul.f32 $3.144531250e-01, v19;
	v16 =	vmul.f32 $7.929687500e-01, v19;
	[tilespmem:s20+$0x19380] =	vst v15  }
0x5c: {  	v15 =	vmul.f32 $3.964843750e-01, v19;
	v17 =	vmul.f32 $6.289062500e-01, v19;
	[tilespmem:s20+$0x19480] =	vst v13  }
0x5d: {  	v13 =	vtrunc.f32 v16;
	v16 =	vmul.f32 $7.929687500e-01, v3;
	[tilespmem:s20+$0x19580] =	vst v12  }
0x5e: {  	v12 =	vmul.f32 $5.000000000e-01, v19;
	v13 =	vcvt.f32.s32 v13;
	[tilespmem:s20+$0x19680] =	vst v2  }
0x5f: {  	v2 =	vtrunc.f32 v14;
	v14 =	vtrunc.f32 v16;
	[tilespmem:s20+$0x18E80] =	vst v4  }
0x60: {  	v4 =	vtrunc.f32 v15;
	v14 =	vcvt.f32.s32 v14;
	v13 =	vmul.u32 $0x196, v13;
	[tilespmem:s20+$0x1A780] =	vst v11  }
0x61: {  	v15 =	vtrunc.f32 v17;
	v11 =	vmul.f32 $3.144531250e-01, v3;
	[tilespmem:s20+$0x1A880] =	vst v10  }
0x62: {  	v16 =	vmul.f32 $5.000000000e-01, v3;
	v10 =	vmul.f32 $3.964843750e-01, v3;
	v13 =	vadd.s32 v14, v13;
	[tilespmem:s20+$0x1A980] =	vst v9  }
0x63: {  	v2 =	vcvt.f32.s32 v2;
	v9 =	vmul.f32 $6.289062500e-01, v3;
	[tilespmem:s22+$0x19E80] =	vst v13;
	v14 =	vadd.s32 $0x288A8, v13  }
0x64: {  	v4 =	vcvt.f32.s32 v4;
	v15 =	vcvt.f32.s32 v15;
	v17 =	vadd.s32 $0x28711, v13;
	[tilespmem:s22+$0x1A580] =	vst v14  }
0x65: {  	v12 =	vtrunc.f32 v12;
	v2 =	vmul.u32 $0xA1, v2;
	v14 =	vtrunc.f32 v19;
	[tilespmem:s22+$0x19F80] =	vst v17  }
0x66: {  	v12 =	vcvt.f32.s32 v12;
	v11 =	vtrunc.f32 v11;
	v4 =	vmul.u32 $0xCB, v4;
	[tilespmem:s20+$0x1AA80] =	vst v8  }
0x67: {  	v15 =	vmul.u32 $0x142, v15;
	v8 =	vtrunc.f32 v10;
	v10 =	vtrunc.f32 v16;
	[tilespmem:s20+$0x1AB80] =	vst v7  }
0x68: {  	v9 =	vtrunc.f32 v9;
	v7 =	vshll.u32 v12, $0x8;
	v12 =	vcvt.f32.s32 v14;
	[tilespmem:s20+$0x1AC80] =	vst v6  }
0x69: {  	v3 =	vtrunc.f32 v3;
	v6 =	vcvt.f32.s32 v11;
	v11 =	vadd.s32 $0x1, v13;
	[tilespmem:s20+$0x1AD80] =	vst v5  }
0x6a: {  	v5 =	vcvt.f32.s32 v8;
	v8 =	vcvt.f32.s32 v10;
	v10 =	vshll.u32 v12, $0x9;
	[tilespmem:s22+$0x1A080] =	vst v11  }
0x6b: {  	v6 =	vadd.s32 v6, v2;
	v2 =	vcvt.f32.s32 v9;
	v9 =	vcvt.f32.s32 v3;
	[tilespmem:s20+$0x1A680] =	vst v1;
	s20 =	smov.u32 s22  }
0x6c: {  	v1 =	vadd.s32 $0x6684, v6;
	v3 =	vadd.s32 v5, v4;
	v4 =	vadd.s32 v8, v7;
	[tilespmem:s20+$0x17E80] =	vst v6  }
0x6d: {  	v5 =	vadd.s32 $0x1, v6;
	v2 =	vadd.s32 v2, v15;
	[tilespmem:s20+$0x17F80] =	vst v1;
	v1 =	vadd.s32 v9, v10  }
0x6e: {  	v7 =	vadd.s32 $0xA1, v6;
	v8 =	vadd.s32 $0x6725, v6;
	[tilespmem:s20+$0x18080] =	vst v5;
	v5 =	vadd.s32 $0x6685, v6  }
0x6f: {  	v9 =	vadd.s32 $0xA290, v3;
	[tilespmem:s20+$0x18180] =	vst v5;
	v5 =	vadd.s32 $0xA2, v6;
	v6 =	vadd.s32 $0x6726, v6  }
0x70: {  	v11 =	vadd.s32 $0xCB, v3;
	v10 =	vadd.s32 $0xA291, v3;
	[tilespmem:s20+$0x18280] =	vst v7;
	v7 =	vadd.s32 $0x1, v3  }
0x71: {  	v19 =	vadd.s32 $0xCC, v3;
	v20 =	vadd.s32 $0xA35C, v3;
	[tilespmem:s20+$0x18380] =	vst v8;
	v8 =	vadd.s32 $0xA35B, v3  }
0x72: {  	v21 =	vadd.s32 $0x19789, v2;
	v22 =	vadd.s32 $0x1, v2;
	v23 =	vadd.s32 $0x1978A, v2;
	[tilespmem:s20+$0x18480] =	vst v5  }
0x73: {  	v24 =	vadd.s32 $0x142, v2;
	v25 =	vadd.s32 $0x198CB, v2;
	v26 =	vadd.s32 $0x143, v2;
	[tilespmem:s20+$0x18580] =	vst v6  }
0x74: {  	v28 =	vadd.s32 $0x28712, v13;
	v29 =	vadd.s32 $0x196, v13;
	v27 =	vadd.s32 $0x198CC, v2;
	[tilespmem:s20+$0x18780] =	vst v9  }
0x75: {  	v30 =	vadd.s32 $0x288A7, v13;
	v31 =	vadd.s32 $0x197, v13;
	v14 =	vadd.s32 $0x10201, v4;
	[tilespmem:s20+$0x18880] =	vst v7  }
0x76: {  	v17 =	vadd.s32 $0x1, v4;
	v18 =	vadd.s32 $0x10202, v4;
	v16 =	vadd.s32 $0x100, v4;
	[tilespmem:s20+$0x18980] =	vst v10  }
0x77: {  	v15 =	vadd.s32 $0x10301, v4;
	v13 =	vadd.s32 $0x101, v4;
	v12 =	vadd.s32 $0x10302, v4;
	[tilespmem:s20+$0x18A80] =	vst v11  }
0x78: {  	v9 =	vadd.s32 $0x40402, v1;
	v10 =	vadd.s32 $0x1, v1;
	v11 =	vadd.s32 $0x40401, v1;
	[tilespmem:s20+$0x18B80] =	vst v8  }
0x79: {  	v6 =	vadd.s32 $0x201, v1;
	v7 =	vadd.s32 $0x40601, v1;
	v8 =	vadd.s32 $0x200, v1;
	[tilespmem:s20+$0x18C80] =	vst v19  }
0x7a: {  	v5 =	vadd.s32 $0x40602, v1;
	[tilespmem:s20+$0x18D80] =	vst v20  }
0x7b: {  	[tilespmem:s20+$0x19780] =	vst v21  }
0x7c: {  	[tilespmem:s20+$0x19880] =	vst v22  }
0x7d: {  	[tilespmem:s20+$0x19980] =	vst v23  }
0x7e: {  	[tilespmem:s20+$0x19A80] =	vst v24  }
0x7f: {  	[tilespmem:s20+$0x19B80] =	vst v25  }
0x80: {  	[tilespmem:s20+$0x19C80] =	vst v26  }
.Ltmp0:
0x81: {  	[tilespmem:s20+$0x19D80] =	vst v27;
	(pc) =	sbr.rel @p1 .LBB2_3-.Ltmp0, $4  }
0x82: {  	[tilespmem:s20+$0x1A180] =	vst v28  }
0x83: {  	[tilespmem:s20+$0x1A280] =	vst v29  }
0x84: {  	[tilespmem:s20+$0x1A380] =	vst v30  }
0x85: {  	s22 =	sshra.s32 s23, $0x2;
	s23 =	sadd.s32 $0x40, s23;
	[tilespmem:s20+$0x1A480] =	vst v31  }
0x86: {  	v19 =	vld [tilespmem:s22+$0x15C80];
	[tilespmem:s20+$0x18680] =	vst v3  }
0x87: {  	[tilespmem:s20+$0x18F80] =	vst v14  }
0x88: {  	v3 =	vld [tilespmem:s22+$0x15D80];
	[tilespmem:s20+$0x19080] =	vst v17  }
0x89: {  	[tilespmem:s20+$0x19180] =	vst v18  }
0x8a: {  	[tilespmem:s20+$0x19280] =	vst v16  }
0x8b: {  	[tilespmem:s20+$0x19380] =	vst v15;
	v23 =	vmul.f32 $7.929687500e-01, v19  }
0x8c: {  	[tilespmem:s20+$0x19480] =	vst v13  }
0x8d: {  	[tilespmem:s20+$0x19580] =	vst v12;
	v25 =	vmul.f32 $7.929687500e-01, v3;
	v24 =	vtrunc.f32 v23  }
0x8e: {  	[tilespmem:s20+$0x19680] =	vst v2;
	v26 =	vcvt.f32.s32 v24  }
0x8f: {  	[tilespmem:s20+$0x18E80] =	vst v4;
	v2 =	vtrunc.f32 v25  }
0x90: {  	[tilespmem:s20+$0x1A780] =	vst v11;
	v2 =	vcvt.f32.s32 v2;
	v27 =	vmul.u32 $0x196, v26  }
0x91: {  	[tilespmem:s20+$0x1A880] =	vst v10  }
0x92: {  	[tilespmem:s20+$0x1A980] =	vst v9;
	v2 =	vadd.s32 v2, v27  }
0x93: {  	[tilespmem:s22+$0x19E80] =	vst v2;
	v4 =	vadd.s32 $0x288A8, v2  }
0x94: {  	v29 =	vadd.s32 $0x28711, v2;
	[tilespmem:s22+$0x1A580] =	vst v4  }
0x95: {  	[tilespmem:s22+$0x19F80] =	vst v29  }
0x96: {  	[tilespmem:s20+$0x1AA80] =	vst v8  }
0x97: {  	[tilespmem:s20+$0x1AB80] =	vst v7  }
0x98: {  	v28 =	vmul.f32 $3.144531250e-01, v19;
	[tilespmem:s20+$0x1AC80] =	vst v6  }
0x99: {  	v34 =	vadd.s32 $0x1, v2;
	[tilespmem:s20+$0x1AD80] =	vst v5  }
0x9a: {  	v31 =	vmul.f32 $3.144531250e-01, v3;
	v30 =	vtrunc.f32 v28;
	[tilespmem:s22+$0x1A080] =	vst v34  }
0x9b: {  	v60 =	vadd.s32 $0x28712, v2;
	v4 =	vcvt.f32.s32 v30;
	[tilespmem:s20+$0x1A680] =	vst v1  }
0x9c: {  	v32 =	vtrunc.f32 v31;
	v61 =	vadd.s32 $0x196, v2;
	[tilespmem:s22+$0x1A180] =	vst v60  }
0x9d: {  	v33 =	vcvt.f32.s32 v32;
	v62 =	vadd.s32 $0x288A7, v2;
	v4 =	vmul.u32 $0xA1, v4;
	[tilespmem:s22+$0x1A280] =	vst v61  }
0x9e: {  	v2 =	vadd.s32 $0x197, v2;
	[tilespmem:s22+$0x1A380] =	vst v62  }
0x9f: {  	v4 =	vadd.s32 v33, v4;
	[tilespmem:s22+$0x1A480] =	vst v2  }
0xa0: {  	v35 =	vmul.f32 $3.964843750e-01, v19;
	[tilespmem:s22+$0x17E80] =	vst v4;
	v1 =	vadd.s32 $0x6684, v4  }
0xa1: {  	v37 =	vadd.s32 $0xA1, v4;
	[tilespmem:s22+$0x17F80] =	vst v1  }
0xa2: {  	v36 =	vmul.f32 $3.964843750e-01, v3;
	v5 =	vtrunc.f32 v35;
	v39 =	vadd.s32 $0x6725, v4;
	[tilespmem:s22+$0x18280] =	vst v37  }
0xa3: {  	v5 =	vcvt.f32.s32 v5;
	v1 =	vadd.s32 $0x1, v4;
	[tilespmem:s22+$0x18380] =	vst v39  }
0xa4: {  	v6 =	vtrunc.f32 v36;
	[tilespmem:s22+$0x18080] =	vst v1;
	v1 =	vadd.s32 $0x6685, v4  }
0xa5: {  	v38 =	vcvt.f32.s32 v6;
	v40 =	vadd.s32 $0xA2, v4;
	[tilespmem:s22+$0x18180] =	vst v1;
	v1 =	vmul.u32 $0xCB, v5  }
0xa6: {  	[tilespmem:s22+$0x18480] =	vst v40;
	v4 =	vadd.s32 $0x6726, v4  }
0xa7: {  	[tilespmem:s22+$0x18580] =	vst v4;
	v1 =	vadd.s32 v38, v1  }
0xa8: {  	v41 =	vmul.f32 $6.289062500e-01, v19;
	v5 =	vadd.s32 $0xA290, v1;
	[tilespmem:s22+$0x18680] =	vst v1  }
0xa9: {  	v44 =	vadd.s32 $0x1, v1;
	[tilespmem:s22+$0x18780] =	vst v5  }
0xaa: {  	v43 =	vmul.f32 $6.289062500e-01, v3;
	v42 =	vtrunc.f32 v41;
	v45 =	vadd.s32 $0xA291, v1;
	[tilespmem:s22+$0x18880] =	vst v44  }
0xab: {  	v4 =	vcvt.f32.s32 v42;
	v46 =	vadd.s32 $0xCB, v1;
	[tilespmem:s22+$0x18980] =	vst v45  }
0xac: {  	v6 =	vtrunc.f32 v43;
	v48 =	vadd.s32 $0xA35B, v1;
	[tilespmem:s22+$0x18A80] =	vst v46  }
0xad: {  	v47 =	vcvt.f32.s32 v6;
	v4 =	vmul.u32 $0x142, v4;
	v49 =	vadd.s32 $0xCC, v1;
	[tilespmem:s22+$0x18B80] =	vst v48  }
0xae: {  	v50 =	vadd.s32 $0xA35C, v1;
	[tilespmem:s22+$0x18C80] =	vst v49  }
0xaf: {  	v4 =	vadd.s32 v47, v4;
	[tilespmem:s22+$0x18D80] =	vst v50  }
0xb0: {  	v51 =	vadd.s32 $0x19789, v4;
	[tilespmem:s22+$0x19680] =	vst v4  }
0xb1: {  	v56 =	vmul.f32 $5.000000000e-01, v19;
	v52 =	vadd.s32 $0x1, v4;
	[tilespmem:s22+$0x19780] =	vst v51  }
0xb2: {  	v58 =	vmul.f32 $5.000000000e-01, v3;
	v53 =	vadd.s32 $0x1978A, v4;
	[tilespmem:s22+$0x19880] =	vst v52  }
0xb3: {  	v5 =	vtrunc.f32 v56;
	v54 =	vadd.s32 $0x142, v4;
	[tilespmem:s22+$0x19980] =	vst v53  }
0xb4: {  	v6 =	vtrunc.f32 v58;
	v55 =	vadd.s32 $0x198CB, v4;
	v5 =	vcvt.f32.s32 v5;
	[tilespmem:s22+$0x19A80] =	vst v54  }
0xb5: {  	v6 =	vcvt.f32.s32 v6;
	v57 =	vadd.s32 $0x143, v4;
	[tilespmem:s22+$0x19B80] =	vst v55  }
0xb6: {  	v59 =	vadd.s32 $0x198CC, v4;
	[tilespmem:s22+$0x19C80] =	vst v57;
	v5 =	vshll.u32 v5, $0x8  }
0xb7: {  	[tilespmem:s22+$0x19D80] =	vst v59;
	v5 =	vadd.s32 v6, v5  }
0xb8: {  	v2 =	vadd.s32 $0x10201, v5;
	[tilespmem:s22+$0x18E80] =	vst v5  }
0xb9: {  	v1 =	vadd.s32 $0x1, v5;
	[tilespmem:s22+$0x18F80] =	vst v2  }
0xba: {  	v2 =	vadd.s32 $0x10202, v5;
	[tilespmem:s22+$0x19080] =	vst v1  }
0xbb: {  	v1 =	vadd.s32 $0x100, v5;
	[tilespmem:s22+$0x19180] =	vst v2;
	v2 =	vtrunc.f32 v19  }
0xbc: {  	v6 =	vadd.s32 $0x10301, v5;
	[tilespmem:s22+$0x19280] =	vst v1;
	v1 =	vcvt.f32.s32 v2;
	v2 =	vtrunc.f32 v3  }
0xbd: {  	v63 =	vadd.s32 $0x10302, v5;
	[tilespmem:s22+$0x19380] =	vst v6;
	v2 =	vcvt.f32.s32 v2  }
0xbe: {  	[tilespmem:s22+$0x19580] =	vst v63;
	v3 =	vadd.s32 $0x101, v5;
	v1 =	vshll.u32 v1, $0x9  }
0xbf: {  	[tilespmem:s22+$0x19480] =	vst v3;
	v1 =	vadd.s32 v2, v1  }
0xc0: {  	v2 =	vadd.s32 $0x40401, v1;
	[tilespmem:s22+$0x1A680] =	vst v1  }
0xc1: {  	v3 =	vadd.s32 $0x1, v1;
	[tilespmem:s22+$0x1A780] =	vst v2  }
0xc2: {  	v2 =	vadd.s32 $0x40402, v1;
	[tilespmem:s22+$0x1A880] =	vst v3  }
0xc3: {  	v3 =	vadd.s32 $0x200, v1;
	[tilespmem:s22+$0x1A980] =	vst v2  }
0xc4: {  	v2 =	vadd.s32 $0x40601, v1;
	[tilespmem:s22+$0x1AA80] =	vst v3  }
0xc5: {  	v3 =	vadd.s32 $0x201, v1;
	[tilespmem:s22+$0x1AB80] =	vst v2  }
0xc6: {  	v2 =	vadd.s32 $0x40602, v1;
	[tilespmem:s22+$0x1AC80] =	vst v3  }
0xc7: {  	s23 =	simm.s32 $0x1AE80;
	[tilespmem:s22+$0x1AD80] =	vst v2;
	s22 =	simm.s32 $0x17E80  }
0xc8: {  	[tilespmem:s23], [sflag:$0x1] =	stream.indirect.gather [spmem:s3], $0x1, s22, s21, $0xb8;
	[tilespmem:$0x1FFB0] =	vst v63  }
0xc9: {  	s24 =	simm.s32 $0x18080;
	s25 =	simm.s32 $0x1B080  }
0xca: {  	[tilespmem:s25], [sflag:$0x1] =	stream.indirect.gather [spmem:s3], $0x1, s24, s21, $0xb8;
	[tilespmem:$0x1FFB0] =	vst v63  }
0xcb: {  	s22 =	simm.s32 $0x18280;
	s23 =	simm.s32 $0x1B280  }
0xcc: {  	[tilespmem:s23], [sflag:$0x1] =	stream.indirect.gather [spmem:s3], $0x1, s22, s21, $0xb8;
	[tilespmem:$0x1FFB0] =	vst v63  }
0xcd: {  	s24 =	simm.s32 $0x18480;
	s25 =	simm.s32 $0x1B480  }
0xce: {  	[tilespmem:s25], [sflag:$0x1] =	stream.indirect.gather [spmem:s3], $0x1, s24, s21, $0xb8;
	[tilespmem:$0x1FFB0] =	vst v63  }
0xcf: {  	s22 =	simm.s32 $0x18680;
	s23 =	simm.s32 $0x1B680  }
0xd0: {  	[tilespmem:s23], [sflag:$0x1] =	stream.indirect.gather [spmem:s4], $0x1, s22, s21, $0xb8;
	[tilespmem:$0x1FFB0] =	vst v63  }
0xd1: {  	s20 =	simm.s32 $0x0;
	s24 =	simm.s32 $0x18880;
	s25 =	simm.s32 $0x1B880  }
0xd2: {  	[tilespmem:s25], [sflag:$0x1] =	stream.indirect.gather [spmem:s4], $0x1, s24, s21, $0xb8;
	[tilespmem:$0x1FFB0] =	vst v63  }
0xd3: {  	s22 =	simm.s32 $0x18A80;
	s23 =	simm.s32 $0x1BA80;
	s24 =	simm.s32 $0x18C80  }
0xd4: {  	[tilespmem:s23], [sflag:$0x1] =	stream.indirect.gather [spmem:s4], $0x1, s22, s21, $0xb8;
	[tilespmem:$0x1FFB0] =	vst v63  }
0xd5: {  	s25 =	simm.s32 $0x1BC80;
	s22 =	simm.s32 $0x15C80;
	s23 =	simm.s32 $0x15D80  }
0xd6: {  	[tilespmem:s25], [sflag:$0x1] =	stream.indirect.gather [spmem:s4], $0x1, s24, s21, $0xb8;
	[tilespmem:$0x1FFB0] =	vst v63  }
.LBB2_5:
0xd7: {  	v1 =	vld [tilespmem:s22+$0x0]  }
0xd8: {  	v2 =	vld [tilespmem:s23+$0x0];
	_ =	sdelay $0x4  }
0xd9: {  	v3 =	vmul.f32 $3.125000000e-02, v1;
	v4 =	vmul.f32 $3.125000000e-02, v2;
	_ =	sdelay $0x1  }
0xda: {  	v3 =	vtrunc.f32 v3;
	v4 =	vtrunc.f32 v4  }
0xdb: {  	v3 =	vcvt.f32.s32 v3;
	v4 =	vcvt.f32.s32 v4;
	_ =	sdelay $0x1  }
0xdc: {  	v5 =	vshll.u32 v3, $0x5;
	v6 =	vshll.u32 v4, $0x1  }
0xdd: {  	v5 =	vadd.s32 v5, v6  }
0xde: {  	v8 =	vadd.s32 $0x2, v5  }
0xdf: {  	v3 =	vcvt.s32.f32 v3;
	v9 =	vadd.s32 $0x3, v5  }
0xe0: {  	v11 =	vadd.s32 $0x22, v5  }
0xe1: {  	v4 =	vcvt.s32.f32 v4;
	v3 =	vmul.f32 $3.200000000e+01, v3;
	v12 =	vadd.s32 $0x21, v5  }
0xe2: {  	v6 =	vand.u32 $0x6, v6;
	v7 =	vand.u32 $0xFFFFFFF8, v5;
	v5 =	vadd.s32 $0x23, v5  }
0xe3: {  	v6 =	vor.u32 v6, v7;
	v3 =	vsub.f32 v1, v3;
	v8 =	vld.idx.msk [tilespmem:v8+s5+$0x0], $0xffff  }
0xe4: {  	v4 =	vmul.f32 $3.200000000e+01, v4;
	v10 =	vadd.s32 $0x20, v6;
	v9 =	vld.idx.msk [tilespmem:v9+s5+$0x0], $0xffff  }
0xe5: {  	v7 =	vor.u32 $0x1, v6;
	v14 =	vmul.f32 $3.125000000e-02, v3;
	v3 =	vld.idx.msk [tilespmem:v11+s5+$0x0], $0xffff  }
0xe6: {  	v4 =	vsub.f32 v2, v4;
	v26 =	vld.idx.msk [tilespmem:v12+s5+$0x0], $0xffff  }
0xe7: {  	v27 =	vmul.f32 $3.906250000e-02, v1;
	v5 =	vld.idx.msk [tilespmem:v5+s5+$0x0], $0xffff  }
0xe8: {  	v4 =	vmul.f32 $3.125000000e-02, v4;
	v6 =	vld.idx.msk [tilespmem:v6+s5+$0x0], $0xffff  }
0xe9: {  	v12 =	vtrunc.f32 v27;
	v10 =	vld.idx.msk [tilespmem:v10+s5+$0x0], $0xffff  }
0xea: {  	v16 =	vmul.f32 $3.906250000e-02, v2;
	v13 =	vsub.f32 $1.000000000e+00, v4;
	v12 =	vcvt.f32.s32 v12;
	v7 =	vld.idx.msk [tilespmem:v7+s5+$0x0], $0xffff  }
0xeb: {  	v15 =	vmov s20;
	v8 =	vmul.f32 v4, v8;
	v9 =	vmul.f32 v4, v9  }
0xec: {  	v15 =	vshll.u32 v15, $0x5;
	v28 =	vmul.f32 v3, v4;
	v11 =	vmul.f32 v13, v26  }
0xed: {  	v17 =	vsub.f32 $1.000000000e+00, v14;
	v3 =	vtrunc.f32 v16;
	v4 =	vmul.f32 v5, v4  }
0xee: {  	v30 =	vmul.u32 $0x14, v12;
	v6 =	vmul.f32 v13, v6;
	v10 =	vmul.f32 v13, v10  }
0xef: {  	v29 =	vcvt.f32.s32 v3;
	v7 =	vmul.f32 v13, v7;
	v4 =	vadd.f32 v4, v11  }
0xf0: {  	v3 =	vor.u32 v0, v15;
	v6 =	vadd.f32 v6, v8;
	v8 =	vadd.f32 v28, v10  }
0xf1: {  	v32 =	vor.u32 $0x1, v3;
	v31 =	vadd.s32 v29, v30;
	v7 =	vadd.f32 v7, v9  }
0xf2: {  	v9 =	vshll.u32 v31, $0x1;
	v6 =	vmul.f32 v6, v17;
	v8 =	vmul.f32 v8, v14  }
0xf3: {  	v4 =	vmul.f32 v4, v14;
	v33 =	vadd.s32 $0x242, v9;
	v7 =	vmul.f32 v7, v17  }
0xf4: {  	v34 =	vadd.s32 $0x243, v9;
	v6 =	vadd.f32 v8, v6  }
0xf5: {  	v35 =	vadd.s32 $0x244, v9;
	v4 =	vadd.f32 v4, v7  }
0xf6: {  	v36 =	vadd.s32 $0x245, v9;
	[tilespmem:v3+s2+$0x0] =	vst.idx.msk $0xffff, v6  }
0xf7: {  	v5 =	vcvt.s32.f32 v29;
	v38 =	vadd.s32 $0x26A, v9;
	[tilespmem:v32+s2+$0x0] =	vst.idx.msk $0xffff, v4  }
0xf8: {  	v39 =	vadd.s32 $0x26B, v9;
	v10 =	vld.idx.msk [tilespmem:v33+s5+$0x0], $0xffff  }
0xf9: {  	v37 =	vmul.f32 $2.560000040e+01, v5;
	v40 =	vadd.s32 $0x26C, v9;
	v8 =	vld.idx.msk [tilespmem:v34+s5+$0x0], $0xffff  }
0xfa: {  	v12 =	vcvt.s32.f32 v12;
	v9 =	vadd.s32 $0x26D, v9;
	v7 =	vld.idx.msk [tilespmem:v35+s5+$0x0], $0xffff  }
0xfb: {  	v4 =	vsub.f32 v2, v37;
	v6 =	vld.idx.msk [tilespmem:v36+s5+$0x0], $0xffff  }
0xfc: {  	v44 =	vmul.f32 $4.882812500e-02, v2;
	v12 =	vmul.f32 $2.560000040e+01, v12;
	v5 =	vld.idx.msk [tilespmem:v38+s5+$0x0], $0xffff  }
0xfd: {  	v42 =	vmul.f32 $4.882812500e-02, v1;
	v11 =	vld.idx.msk [tilespmem:v39+s5+$0x0], $0xffff;
	v4 =	vmul.f32 $3.906250000e-02, v4  }
0xfe: {  	v46 =	vtrunc.f32 v44;
	v12 =	vsub.f32 v1, v12;
	v13 =	vld.idx.msk [tilespmem:v40+s5+$0x0], $0xffff  }
0xff: {  	v43 =	vtrunc.f32 v42;
	v47 =	vcvt.f32.s32 v46;
	v9 =	vld.idx.msk [tilespmem:v9+s5+$0x0], $0xffff;
	v41 =	vsub.f32 $1.000000000e+00, v4  }
0x100: {  	v12 =	vmul.f32 $3.906250000e-02, v12;
	v14 =	vcvt.f32.s32 v43  }
0x101: {  	v10 =	vmul.f32 v10, v41;
	v7 =	vmul.f32 v7, v4  }
0x102: {  	v49 =	vor.u32 $0x2, v3;
	v8 =	vmul.f32 v8, v41;
	v6 =	vmul.f32 v6, v4  }
0x103: {  	v45 =	vsub.f32 $1.000000000e+00, v12;
	v5 =	vmul.f32 v5, v41;
	v13 =	vmul.f32 v13, v4  }
0x104: {  	v48 =	vmul.u32 $0x19, v14;
	v11 =	vmul.f32 v11, v41;
	v4 =	vmul.f32 v9, v4  }
0x105: {  	v50 =	vor.u32 $0x3, v3;
	v7 =	vadd.f32 v7, v10;
	v5 =	vadd.f32 v13, v5  }
0x106: {  	v9 =	vadd.s32 v47, v48;
	v6 =	vadd.f32 v6, v8;
	v4 =	vadd.f32 v4, v11  }
0x107: {  	v9 =	vshll.u32 v9, $0x1;
	v7 =	vmul.f32 v7, v45;
	v5 =	vmul.f32 v5, v12  }
0x108: {  	v51 =	vadd.s32 $0x5B4, v9;
	v6 =	vmul.f32 v6, v45;
	v4 =	vmul.f32 v4, v12  }
0x109: {  	v52 =	vadd.s32 $0x5B5, v9;
	v5 =	vadd.f32 v5, v7  }
0x10a: {  	v53 =	vadd.s32 $0x5B6, v9;
	v4 =	vadd.f32 v4, v6  }
0x10b: {  	v55 =	vadd.s32 $0x5B7, v9;
	[tilespmem:v49+s2+$0x0] =	vst.idx.msk $0xffff, v5  }
0x10c: {  	v59 =	vadd.s32 $0x5E8, v9;
	[tilespmem:v50+s2+$0x0] =	vst.idx.msk $0xffff, v4  }
0x10d: {  	v56 =	vadd.s32 $0x5E6, v9;
	v57 =	vadd.s32 $0x5E7, v9;
	v9 =	vadd.s32 $0x5E9, v9;
	v10 =	vld.idx.msk [tilespmem:v51+s5+$0x0], $0xffff  }
0x10e: {  	v54 =	vcvt.s32.f32 v47;
	v7 =	vld.idx.msk [tilespmem:v52+s5+$0x0], $0xffff  }
0x10f: {  	v58 =	vcvt.s32.f32 v14;
	v6 =	vld.idx.msk [tilespmem:v53+s5+$0x0], $0xffff  }
0x110: {  	v62 =	vmul.f32 $6.250000000e-02, v2;
	v5 =	vmul.f32 $2.047999950e+01, v54;
	v8 =	vld.idx.msk [tilespmem:v55+s5+$0x0], $0xffff  }
0x111: {  	v12 =	vmul.f32 $2.047999950e+01, v58;
	v13 =	vld.idx.msk [tilespmem:v59+s5+$0x0], $0xffff  }
0x112: {  	v61 =	vmul.f32 $6.250000000e-02, v1;
	v18 =	vtrunc.f32 v62;
	v5 =	vsub.f32 v2, v5;
	v9 =	vld.idx.msk [tilespmem:v9+s5+$0x0], $0xffff  }
0x113: {  	v20 =	vcvt.f32.s32 v18;
	v12 =	vsub.f32 v1, v12;
	v4 =	vld.idx.msk [tilespmem:v56+s5+$0x0], $0xffff  }
0x114: {  	v17 =	vtrunc.f32 v61;
	v11 =	vld.idx.msk [tilespmem:v57+s5+$0x0], $0xffff;
	v5 =	vmul.f32 $4.882812500e-02, v5  }
0x115: {  	v19 =	vcvt.f32.s32 v17;
	v12 =	vmul.f32 $4.882812500e-02, v12  }
0x116: {  	v60 =	vsub.f32 $1.000000000e+00, v5;
	v6 =	vmul.f32 v6, v5;
	v8 =	vmul.f32 v8, v5  }
0x117: {  	v23 =	vshll.u32 v20, $0x1;
	v13 =	vmul.f32 v13, v5;
	v5 =	vmul.f32 v9, v5  }
0x118: {  	v21 =	vor.u32 $0x4, v3;
	v10 =	vmul.f32 v10, v60;
	v4 =	vmul.f32 v4, v60  }
0x119: {  	v63 =	vsub.f32 $1.000000000e+00, v12;
	v7 =	vmul.f32 v7, v60;
	v11 =	vmul.f32 v11, v60  }
0x11a: {  	v24 =	vor.u32 $0x5, v3;
	v6 =	vadd.f32 v6, v10;
	v4 =	vadd.f32 v13, v4  }
0x11b: {  	v22 =	vshll.u32 v19, $0x6;
	v7 =	vadd.f32 v8, v7;
	v5 =	vadd.f32 v5, v11  }
0x11c: {  	v11 =	vadd.s32 v22, v23;
	v6 =	vmul.f32 v6, v63;
	v4 =	vmul.f32 v4, v12  }
0x11d: {  	v25 =	vadd.s32 $0xAFC, v11;
	v7 =	vmul.f32 v7, v63;
	v5 =	vmul.f32 v5, v12  }
0x11e: {  	v26 =	vadd.s32 $0xAFD, v11;
	v4 =	vadd.f32 v4, v6  }
0x11f: {  	v28 =	vadd.s32 $0xAFE, v11;
	v5 =	vadd.f32 v5, v7  }
0x120: {  	v29 =	vadd.s32 $0xAFF, v11;
	[tilespmem:v21+s2+$0x0] =	vst.idx.msk $0xffff, v4  }
0x121: {  	v27 =	vcvt.s32.f32 v20;
	v31 =	vadd.s32 $0xB3C, v11;
	[tilespmem:v24+s2+$0x0] =	vst.idx.msk $0xffff, v5  }
0x122: {  	v32 =	vadd.s32 $0xB3D, v11;
	v10 =	vld.idx.msk [tilespmem:v25+s5+$0x0], $0xffff  }
0x123: {  	v30 =	vmul.f32 $1.600000000e+01, v27;
	v13 =	vadd.s32 $0xB3E, v11;
	v6 =	vld.idx.msk [tilespmem:v26+s5+$0x0], $0xffff  }
0x124: {  	v8 =	vcvt.s32.f32 v19;
	v11 =	vadd.s32 $0xB3F, v11;
	v9 =	vld.idx.msk [tilespmem:v28+s5+$0x0], $0xffff  }
0x125: {  	v5 =	vsub.f32 v2, v30;
	v4 =	vld.idx.msk [tilespmem:v29+s5+$0x0], $0xffff  }
0x126: {  	v34 =	vmul.f32 $7.812500000e-02, v1;
	v8 =	vmul.f32 $1.600000000e+01, v8;
	v7 =	vld.idx.msk [tilespmem:v31+s5+$0x0], $0xffff  }
0x127: {  	v36 =	vmul.f32 $7.812500000e-02, v2;
	v12 =	vld.idx.msk [tilespmem:v32+s5+$0x0], $0xffff;
	v5 =	vmul.f32 $6.250000000e-02, v5  }
0x128: {  	v35 =	vtrunc.f32 v34;
	v8 =	vsub.f32 v1, v8;
	v13 =	vld.idx.msk [tilespmem:v13+s5+$0x0], $0xffff  }
0x129: {  	v38 =	vtrunc.f32 v36;
	v14 =	vcvt.f32.s32 v35;
	v11 =	vld.idx.msk [tilespmem:v11+s5+$0x0], $0xffff;
	v33 =	vsub.f32 $1.000000000e+00, v5  }
0x12a: {  	v39 =	vcvt.f32.s32 v38;
	v8 =	vmul.f32 $6.250000000e-02, v8  }
0x12b: {  	v10 =	vmul.f32 v10, v33;
	v9 =	vmul.f32 v9, v5  }
0x12c: {  	v42 =	vor.u32 $0x7, v3;
	v6 =	vmul.f32 v6, v33;
	v4 =	vmul.f32 v4, v5  }
0x12d: {  	v40 =	vmul.u32 $0x28, v14;
	v7 =	vmul.f32 v7, v33;
	v13 =	vmul.f32 v13, v5  }
0x12e: {  	v37 =	vsub.f32 $1.000000000e+00, v8;
	v12 =	vmul.f32 v12, v33;
	v5 =	vmul.f32 v11, v5  }
0x12f: {  	v41 =	vor.u32 $0x6, v3;
	v9 =	vadd.f32 v9, v10;
	v7 =	vadd.f32 v13, v7  }
0x130: {  	v4 =	vadd.f32 v4, v6;
	v5 =	vadd.f32 v5, v12;
	v10 =	vadd.s32 v39, v40  }
0x131: {  	v10 =	vshll.u32 v10, $0x1;
	v9 =	vmul.f32 v9, v37;
	v7 =	vmul.f32 v7, v8  }
0x132: {  	v4 =	vmul.f32 v4, v37;
	v5 =	vmul.f32 v5, v8;
	v43 =	vadd.s32 $0x137E, v10  }
0x133: {  	v44 =	vadd.s32 $0x137F, v10;
	v7 =	vadd.f32 v7, v9  }
0x134: {  	v46 =	vadd.s32 $0x1380, v10;
	v4 =	vadd.f32 v5, v4  }
0x135: {  	v45 =	vcvt.s32.f32 v39;
	v47 =	vadd.s32 $0x1381, v10;
	[tilespmem:v41+s2+$0x0] =	vst.idx.msk $0xffff, v7  }
0x136: {  	v49 =	vadd.s32 $0x13CE, v10;
	[tilespmem:v42+s2+$0x0] =	vst.idx.msk $0xffff, v4  }
0x137: {  	v48 =	vmul.f32 $1.280000020e+01, v45;
	v50 =	vadd.s32 $0x13CF, v10;
	v8 =	vld.idx.msk [tilespmem:v43+s5+$0x0], $0xffff  }
0x138: {  	v52 =	vadd.s32 $0x13D0, v10;
	v9 =	vld.idx.msk [tilespmem:v44+s5+$0x0], $0xffff  }
0x139: {  	v51 =	vcvt.s32.f32 v14;
	v10 =	vadd.s32 $0x13D1, v10;
	v4 =	vsub.f32 v2, v48;
	v6 =	vld.idx.msk [tilespmem:v46+s5+$0x0], $0xffff  }
0x13a: {  	v54 =	vmul.f32 $9.765625000e-02, v1;
	v7 =	vld.idx.msk [tilespmem:v47+s5+$0x0], $0xffff  }
0x13b: {  	v12 =	vmul.f32 $1.280000020e+01, v51;
	v5 =	vld.idx.msk [tilespmem:v49+s5+$0x0], $0xffff;
	v4 =	vmul.f32 $7.812500000e-02, v4  }
0x13c: {  	v56 =	vmul.f32 $9.765625000e-02, v2;
	v11 =	vld.idx.msk [tilespmem:v50+s5+$0x0], $0xffff  }
0x13d: {  	v55 =	vtrunc.f32 v54;
	v12 =	vsub.f32 v1, v12;
	v13 =	vld.idx.msk [tilespmem:v52+s5+$0x0], $0xffff;
	v53 =	vsub.f32 $1.000000000e+00, v4  }
0x13e: {  	v14 =	vcvt.f32.s32 v55;
	v58 =	vtrunc.f32 v56;
	v10 =	vld.idx.msk [tilespmem:v10+s5+$0x0], $0xffff  }
0x13f: {  	v12 =	vmul.f32 $7.812500000e-02, v12;
	v8 =	vmul.f32 v8, v53  }
0x140: {  	v6 =	vmul.f32 v6, v4;
	v9 =	vmul.f32 v9, v53  }
0x141: {  	v61 =	vor.u32 $0x9, v3;
	v7 =	vmul.f32 v7, v4;
	v5 =	vmul.f32 v5, v53  }
0x142: {  	v59 =	vmul.u32 $0x32, v14;
	v11 =	vmul.f32 v11, v53;
	v13 =	vmul.f32 v13, v4  }
0x143: {  	v4 =	vmul.f32 v10, v4;
	v6 =	vadd.f32 v6, v8;
	v8 =	vcvt.f32.s32 v58  }
0x144: {  	v60 =	vor.u32 $0x8, v3;
	v57 =	vsub.f32 $1.000000000e+00, v12;
	v5 =	vadd.f32 v13, v5  }
0x145: {  	v7 =	vadd.f32 v7, v9;
	v4 =	vadd.f32 v4, v11;
	v9 =	vadd.s32 v8, v59  }
0x146: {  	v6 =	vmul.f32 v6, v57;
	v5 =	vmul.f32 v5, v12;
	v9 =	vshll.u32 v9, $0x1  }
0x147: {  	v7 =	vmul.f32 v7, v57;
	v4 =	vmul.f32 v4, v12;
	v62 =	vadd.s32 $0x20A0, v9  }
0x148: {  	v5 =	vadd.f32 v5, v6;
	v63 =	vadd.s32 $0x20A1, v9  }
0x149: {  	v4 =	vadd.f32 v4, v7;
	v16 =	vadd.s32 $0x20A2, v9  }
0x14a: {  	v18 =	vadd.s32 $0x20A3, v9;
	[tilespmem:v60+s2+$0x0] =	vst.idx.msk $0xffff, v5  }
0x14b: {  	v17 =	vcvt.s32.f32 v8;
	v19 =	vadd.s32 $0x2104, v9;
	[tilespmem:v61+s2+$0x0] =	vst.idx.msk $0xffff, v4  }
0x14c: {  	v20 =	vadd.s32 $0x2105, v9;
	v10 =	vld.idx.msk [tilespmem:v62+s5+$0x0], $0xffff  }
0x14d: {  	v22 =	vadd.s32 $0x2106, v9;
	v5 =	vmul.f32 $1.023999980e+01, v17;
	v6 =	vld.idx.msk [tilespmem:v63+s5+$0x0], $0xffff  }
0x14e: {  	v21 =	vcvt.s32.f32 v14;
	v9 =	vadd.s32 $0x2107, v9;
	v7 =	vld.idx.msk [tilespmem:v16+s5+$0x0], $0xffff  }
0x14f: {  	v5 =	vsub.f32 v2, v5;
	v8 =	vld.idx.msk [tilespmem:v18+s5+$0x0], $0xffff  }
0x150: {  	v24 =	vmul.f32 $1.250000000e-01, v1;
	v12 =	vmul.f32 $1.023999980e+01, v21;
	v4 =	vld.idx.msk [tilespmem:v19+s5+$0x0], $0xffff  }
0x151: {  	v25 =	vmul.f32 $1.250000000e-01, v2;
	v11 =	vld.idx.msk [tilespmem:v20+s5+$0x0], $0xffff;
	v5 =	vmul.f32 $9.765625000e-02, v5  }
0x152: {  	v27 =	vtrunc.f32 v24;
	v12 =	vsub.f32 v1, v12;
	v13 =	vld.idx.msk [tilespmem:v22+s5+$0x0], $0xffff  }
0x153: {  	v28 =	vtrunc.f32 v25;
	v29 =	vcvt.f32.s32 v27;
	v9 =	vld.idx.msk [tilespmem:v9+s5+$0x0], $0xffff;
	v23 =	vsub.f32 $1.000000000e+00, v5  }
0x154: {  	v30 =	vcvt.f32.s32 v28;
	v12 =	vmul.f32 $9.765625000e-02, v12  }
0x155: {  	v10 =	vmul.f32 v10, v23;
	v7 =	vmul.f32 v7, v5  }
0x156: {  	v34 =	vor.u32 $0xB, v3;
	v6 =	vmul.f32 v6, v23;
	v8 =	vmul.f32 v8, v5  }
0x157: {  	v31 =	vor.u32 $0xA, v3;
	v4 =	vmul.f32 v4, v23;
	v13 =	vmul.f32 v13, v5  }
0x158: {  	v26 =	vsub.f32 $1.000000000e+00, v12;
	v11 =	vmul.f32 v11, v23;
	v5 =	vmul.f32 v9, v5  }
0x159: {  	v32 =	vshll.u32 v29, $0x7;
	v7 =	vadd.f32 v7, v10;
	v4 =	vadd.f32 v13, v4  }
0x15a: {  	v33 =	vshll.u32 v30, $0x1;
	v6 =	vadd.f32 v8, v6;
	v5 =	vadd.f32 v5, v11  }
0x15b: {  	v11 =	vadd.s32 v32, v33;
	v7 =	vmul.f32 v7, v26;
	v4 =	vmul.f32 v4, v12  }
0x15c: {  	v35 =	vadd.s32 $0x34F2, v11;
	v6 =	vmul.f32 v6, v26;
	v5 =	vmul.f32 v5, v12  }
0x15d: {  	v36 =	vadd.s32 $0x34F3, v11;
	v4 =	vadd.f32 v4, v7  }
0x15e: {  	v38 =	vadd.s32 $0x34F4, v11;
	v5 =	vadd.f32 v5, v6  }
0x15f: {  	v39 =	vadd.s32 $0x34F5, v11;
	[tilespmem:v31+s2+$0x0] =	vst.idx.msk $0xffff, v4  }
0x160: {  	v37 =	vcvt.s32.f32 v30;
	v41 =	vadd.s32 $0x3572, v11;
	[tilespmem:v34+s2+$0x0] =	vst.idx.msk $0xffff, v5  }
0x161: {  	v42 =	vadd.s32 $0x3573, v11;
	v10 =	vld.idx.msk [tilespmem:v35+s5+$0x0], $0xffff  }
0x162: {  	v40 =	vmul.f32 $8.000000000e+00, v37;
	v13 =	vadd.s32 $0x3574, v11;
	v7 =	vld.idx.msk [tilespmem:v36+s5+$0x0], $0xffff  }
0x163: {  	v8 =	vcvt.s32.f32 v29;
	v11 =	vadd.s32 $0x3575, v11;
	v9 =	vld.idx.msk [tilespmem:v38+s5+$0x0], $0xffff  }
0x164: {  	v5 =	vsub.f32 v2, v40;
	v4 =	vld.idx.msk [tilespmem:v39+s5+$0x0], $0xffff  }
0x165: {  	v44 =	vmul.f32 $1.562500000e-01, v1;
	v8 =	vmul.f32 $8.000000000e+00, v8;
	v6 =	vld.idx.msk [tilespmem:v41+s5+$0x0], $0xffff  }
0x166: {  	v46 =	vmul.f32 $1.562500000e-01, v2;
	v12 =	vld.idx.msk [tilespmem:v42+s5+$0x0], $0xffff;
	v5 =	vmul.f32 $1.250000000e-01, v5  }
0x167: {  	v45 =	vtrunc.f32 v44;
	v8 =	vsub.f32 v1, v8;
	v13 =	vld.idx.msk [tilespmem:v13+s5+$0x0], $0xffff  }
0x168: {  	v48 =	vtrunc.f32 v46;
	v14 =	vcvt.f32.s32 v45;
	v11 =	vld.idx.msk [tilespmem:v11+s5+$0x0], $0xffff;
	v43 =	vsub.f32 $1.000000000e+00, v5  }
0x169: {  	v49 =	vcvt.f32.s32 v48;
	v8 =	vmul.f32 $1.250000000e-01, v8  }
0x16a: {  	v10 =	vmul.f32 v10, v43;
	v9 =	vmul.f32 v9, v5  }
0x16b: {  	v51 =	vor.u32 $0xC, v3;
	v7 =	vmul.f32 v7, v43;
	v4 =	vmul.f32 v4, v5  }
0x16c: {  	v50 =	vmul.u32 $0x50, v14;
	v6 =	vmul.f32 v6, v43;
	v13 =	vmul.f32 v13, v5  }
0x16d: {  	v47 =	vsub.f32 $1.000000000e+00, v8;
	v12 =	vmul.f32 v12, v43;
	v5 =	vmul.f32 v11, v5  }
0x16e: {  	v52 =	vor.u32 $0xD, v3;
	v9 =	vadd.f32 v9, v10;
	v6 =	vadd.f32 v13, v6  }
0x16f: {  	v4 =	vadd.f32 v4, v7;
	v5 =	vadd.f32 v5, v12;
	v10 =	vadd.s32 v49, v50  }
0x170: {  	v10 =	vshll.u32 v10, $0x1;
	v9 =	vmul.f32 v9, v47;
	v6 =	vmul.f32 v6, v8  }
0x171: {  	v4 =	vmul.f32 v4, v47;
	v5 =	vmul.f32 v5, v8;
	v53 =	vadd.s32 $0x55F4, v10  }
0x172: {  	v54 =	vadd.s32 $0x55F5, v10;
	v6 =	vadd.f32 v6, v9  }
0x173: {  	v56 =	vadd.s32 $0x55F6, v10;
	v4 =	vadd.f32 v5, v4  }
0x174: {  	v57 =	vadd.s32 $0x55F7, v10;
	[tilespmem:v51+s2+$0x0] =	vst.idx.msk $0xffff, v6  }
0x175: {  	v55 =	vcvt.s32.f32 v49;
	v59 =	vadd.s32 $0x5694, v10;
	[tilespmem:v52+s2+$0x0] =	vst.idx.msk $0xffff, v4  }
0x176: {  	v60 =	vadd.s32 $0x5696, v10;
	v8 =	vld.idx.msk [tilespmem:v53+s5+$0x0], $0xffff  }
0x177: {  	v58 =	vmul.f32 $6.400000100e+00, v55;
	v62 =	vadd.s32 $0x5695, v10;
	v9 =	vld.idx.msk [tilespmem:v54+s5+$0x0], $0xffff  }
0x178: {  	v61 =	vcvt.s32.f32 v14;
	v10 =	vadd.s32 $0x5697, v10;
	v7 =	vld.idx.msk [tilespmem:v56+s5+$0x0], $0xffff  }
0x179: {  	v4 =	vsub.f32 v2, v58;
	v6 =	vld.idx.msk [tilespmem:v57+s5+$0x0], $0xffff  }
0x17a: {  	v19 =	vmul.f32 $1.972656250e-01, v1;
	v12 =	vmul.f32 $6.400000100e+00, v61;
	v5 =	vld.idx.msk [tilespmem:v59+s5+$0x0], $0xffff  }
0x17b: {  	v20 =	vmul.f32 $1.972656250e-01, v2;
	v11 =	vld.idx.msk [tilespmem:v60+s5+$0x0], $0xffff;
	v4 =	vmul.f32 $1.562500000e-01, v4  }
0x17c: {  	v15 =	vtrunc.f32 v19;
	v12 =	vsub.f32 v1, v12;
	v13 =	vld.idx.msk [tilespmem:v62+s5+$0x0], $0xffff  }
0x17d: {  	v24 =	vtrunc.f32 v20;
	v22 =	vcvt.f32.s32 v15;
	v10 =	vld.idx.msk [tilespmem:v10+s5+$0x0], $0xffff;
	v63 =	vsub.f32 $1.000000000e+00, v4  }
0x17e: {  	v25 =	vcvt.f32.s32 v24;
	v12 =	vmul.f32 $1.562500000e-01, v12  }
0x17f: {  	v8 =	vmul.f32 v8, v63;
	v7 =	vmul.f32 v7, v4  }
0x180: {  	v27 =	vor.u32 $0xE, v3;
	v9 =	vmul.f32 v9, v63;
	v6 =	vmul.f32 v6, v4  }
0x181: {  	v26 =	vmul.u32 $0x65, v22;
	v5 =	vmul.f32 v5, v63;
	v11 =	vmul.f32 v11, v4  }
0x182: {  	v23 =	vsub.f32 $1.000000000e+00, v12;
	v21 =	vmul.f32 v13, v63;
	v4 =	vmul.f32 v10, v4  }
0x183: {  	v28 =	vor.u32 $0xF, v3;
	v7 =	vadd.f32 v7, v8;
	v5 =	vadd.f32 v11, v5  }
0x184: {  	v10 =	vadd.s32 v25, v26;
	v6 =	vadd.f32 v6, v9;
	v4 =	vadd.f32 v4, v21  }
0x185: {  	v10 =	vshll.u32 v10, $0x1;
	v7 =	vmul.f32 v7, v23;
	v5 =	vmul.f32 v5, v12  }
0x186: {  	v29 =	vadd.s32 $0x8936, v10;
	v6 =	vmul.f32 v6, v23;
	v4 =	vmul.f32 v4, v12  }
0x187: {  	v30 =	vadd.s32 $0x8937, v10;
	v5 =	vadd.f32 v5, v7  }
0x188: {  	v31 =	vadd.s32 $0x8938, v10;
	v4 =	vadd.f32 v4, v6  }
0x189: {  	v33 =	vadd.s32 $0x8939, v10;
	[tilespmem:v27+s2+$0x0] =	vst.idx.msk $0xffff, v5  }
0x18a: {  	v34 =	vadd.s32 $0x8A00, v10;
	[tilespmem:v28+s2+$0x0] =	vst.idx.msk $0xffff, v4  }
0x18b: {  	v32 =	vcvt.s32.f32 v25;
	v37 =	vadd.s32 $0x8A02, v10;
	v35 =	vld.idx.msk [tilespmem:v29+s5+$0x0], $0xffff  }
0x18c: {  	v36 =	vadd.s32 $0x8A01, v10;
	v10 =	vadd.s32 $0x8A03, v10;
	v7 =	vld.idx.msk [tilespmem:v30+s5+$0x0], $0xffff  }
0x18d: {  	v13 =	vcvt.s32.f32 v22;
	v5 =	vmul.f32 $5.069306850e+00, v32;
	v6 =	vld.idx.msk [tilespmem:v31+s5+$0x0], $0xffff  }
0x18e: {  	v8 =	vld.idx.msk [tilespmem:v33+s5+$0x0], $0xffff  }
0x18f: {  	v13 =	vmul.f32 $5.069306850e+00, v13;
	v5 =	vsub.f32 v2, v5;
	v4 =	vld.idx.msk [tilespmem:v34+s5+$0x0], $0xffff  }
0x190: {  	v42 =	vmul.f32 $2.500000000e-01, v2;
	v12 =	vld.idx.msk [tilespmem:v37+s5+$0x0], $0xffff  }
0x191: {  	v41 =	vmul.f32 $2.500000000e-01, v1;
	v13 =	vsub.f32 v1, v13;
	v10 =	vld.idx.msk [tilespmem:v10+s5+$0x0], $0xffff;
	v5 =	vmul.f32 $1.972656250e-01, v5  }
0x192: {  	v44 =	vtrunc.f32 v42;
	v11 =	vld.idx.msk [tilespmem:v36+s5+$0x0], $0xffff  }
0x193: {  	v43 =	vtrunc.f32 v41;
	v13 =	vmul.f32 $1.972656250e-01, v13;
	v38 =	vsub.f32 $1.000000000e+00, v5  }
0x194: {  	v6 =	vmul.f32 v6, v5;
	v8 =	vmul.f32 v8, v5  }
0x195: {  	v40 =	vmul.f32 v12, v5;
	v9 =	vmul.f32 v35, v38  }
0x196: {  	v45 =	vor.u32 $0x10, v3;
	v5 =	vmul.f32 v10, v5;
	v7 =	vmul.f32 v7, v38  }
0x197: {  	v4 =	vmul.f32 v4, v38;
	v11 =	vmul.f32 v11, v38;
	v6 =	vadd.f32 v6, v9  }
0x198: {  	v7 =	vadd.f32 v8, v7;
	v8 =	vcvt.f32.s32 v43;
	v9 =	vcvt.f32.s32 v44  }
0x199: {  	v48 =	vor.u32 $0x11, v3;
	v39 =	vsub.f32 $1.000000000e+00, v13;
	v4 =	vadd.f32 v40, v4  }
0x19a: {  	v5 =	vadd.f32 v5, v11;
	v46 =	vshll.u32 v8, $0x8;
	v47 =	vshll.u32 v9, $0x1  }
0x19b: {  	v6 =	vmul.f32 v6, v39;
	v4 =	vmul.f32 v4, v13;
	v11 =	vadd.s32 v46, v47  }
0x19c: {  	v7 =	vmul.f32 v7, v39;
	v5 =	vmul.f32 v5, v13;
	v49 =	vadd.s32 $0xDA7E, v11  }
0x19d: {  	v4 =	vadd.f32 v4, v6;
	v51 =	vadd.s32 $0xDA7F, v11  }
0x19e: {  	v5 =	vadd.f32 v5, v7;
	v53 =	vadd.s32 $0xDA81, v11  }
0x19f: {  	v12 =	vand.u32 $0x6, v47;
	v50 =	vand.u32 $0xFFFFFFF8, v11;
	v55 =	vadd.s32 $0xDB7E, v11;
	[tilespmem:v45+s2+$0x0] =	vst.idx.msk $0xffff, v4  }
0x1a0: {  	v54 =	vcvt.s32.f32 v9;
	v56 =	vadd.s32 $0xDB7F, v11;
	v12 =	vor.u32 v12, v50;
	[tilespmem:v48+s2+$0x0] =	vst.idx.msk $0xffff, v5  }
0x1a1: {  	v52 =	vadd.s32 $0xDA80, v12;
	v10 =	vld.idx.msk [tilespmem:v49+s5+$0x0], $0xffff  }
0x1a2: {  	v12 =	vadd.s32 $0xDB80, v12;
	v5 =	vmul.f32 $4.000000000e+00, v54;
	v6 =	vld.idx.msk [tilespmem:v51+s5+$0x0], $0xffff  }
0x1a3: {  	v8 =	vcvt.s32.f32 v8;
	v11 =	vadd.s32 $0xDB81, v11;
	v4 =	vld.idx.msk [tilespmem:v53+s5+$0x0], $0xffff  }
0x1a4: {  	v2 =	vsub.f32 v2, v5;
	v58 =	vld.idx.msk [tilespmem:v55+s5+$0x0], $0xffff  }
0x1a5: {  	v57 =	vmul.f32 $4.000000000e+00, v8;
	v59 =	vld.idx.msk [tilespmem:v56+s5+$0x0], $0xffff  }
0x1a6: {  	v7 =	vld.idx.msk [tilespmem:v52+s5+$0x0], $0xffff;
	v2 =	vmul.f32 $2.500000000e-01, v2  }
0x1a7: {  	v1 =	vsub.f32 v1, v57;
	v60 =	vld.idx.msk [tilespmem:v12+s5+$0x0], $0xffff  }
0x1a8: {  	v11 =	vld.idx.msk [tilespmem:v11+s5+$0x0], $0xffff;
	v61 =	vsub.f32 $1.000000000e+00, v2  }
0x1a9: {  	v1 =	vmul.f32 $2.500000000e-01, v1  }
0x1aa: {  	v4 =	vmul.f32 v4, v2;
	v10 =	vmul.f32 v10, v61  }
0x1ab: {  	v6 =	vmul.f32 v6, v61;
	v8 =	vmul.f32 v58, v61  }
0x1ac: {  	v7 =	vmul.f32 v7, v2;
	v5 =	vmul.f32 v60, v2  }
0x1ad: {  	v62 =	vsub.f32 $1.000000000e+00, v1;
	v9 =	vmul.f32 v59, v61;
	v2 =	vmul.f32 v11, v2  }
0x1ae: {  	v7 =	vadd.f32 v7, v10;
	v5 =	vadd.f32 v5, v8  }
0x1af: {  	v63 =	vor.u32 $0x12, v3;
	v4 =	vadd.f32 v4, v6;
	v2 =	vadd.f32 v2, v9  }
0x1b0: {  	p1 =	sne.s32 s20, $0xF0;
	v3 =	vor.u32 $0x13, v3;
	v7 =	vmul.f32 v7, v62;
	v5 =	vmul.f32 v5, v1  }
.Ltmp1:
0x1b1: {  	v4 =	vmul.f32 v4, v62;
	v1 =	vmul.f32 v2, v1;
	(pc) =	sbr.rel @p1 .LBB2_5-.Ltmp1, $4  }
0x1b2: {  	v2 =	vadd.f32 v5, v7  }
0x1b3: {  	v1 =	vadd.f32 v1, v4  }
0x1b4: {  	[tilespmem:v63+s2+$0x0] =	vst.idx.msk $0xffff, v2  }
0x1b5: {  	s22 =	sadd.s32 $0x10, s22;
	s23 =	sadd.s32 $0x10, s23;
	s20 =	sadd.s32 $0x10, s20;
	[tilespmem:v3+s2+$0x0] =	vst.idx.msk $0xffff, v1  }
0x1b6: {  	_ =	swait.ge [sflag:s19], $0x200  }
0x1b7: {  	[sflag:s19] =	ssyncset.done $0x0  }
0x1b8: {  	[sflag:s19] =	ssyncadd.s32 $0xFFFFFE00  }
0x1b9: {  	_ =	swait.ge [sflag:s19], $0x200  }
0x1ba: {  	[sflag:s19] =	ssyncset.done $0x0  }
0x1bb: {  	[sflag:s19] =	ssyncadd.s32 $0xFFFFFE00  }
0x1bc: {  	_ =	swait.ge [sflag:s19], $0x200  }
0x1bd: {  	[sflag:s19] =	ssyncset.done $0x0  }
0x1be: {  	[sflag:s19] =	ssyncadd.s32 $0xFFFFFE00  }
0x1bf: {  	_ =	swait.ge [sflag:s19], $0x200  }
0x1c0: {  	[sflag:s19] =	ssyncset.done $0x0  }
0x1c1: {  	s20 =	simm.s32 $0x18E80;
	s22 =	simm.s32 $0x1BE80;
	[sflag:s19] =	ssyncadd.s32 $0xFFFFFE00  }
0x1c2: {  	[tilespmem:s22], [sflag:$0x1] =	stream.indirect.gather [hbm4b:s11+s21], $0x1, s20, s21, $0xb8;
	[tilespmem:$0x1FFB0] =	vst v63  }
0x1c3: {  	s24 =	simm.s32 $0x19080;
	s25 =	simm.s32 $0x1C080  }
0x1c4: {  	[tilespmem:s25], [sflag:$0x1] =	stream.indirect.gather [hbm4b:s11+s21], $0x1, s24, s21, $0xb8;
	[tilespmem:$0x1FFB0] =	vst v63  }
0x1c5: {  	s23 =	simm.s32 $0x1C280;
	s22 =	simm.s32 $0x19280  }
0x1c6: {  	[tilespmem:s23], [sflag:$0x1] =	stream.indirect.gather [hbm4b:s11+s21], $0x1, s22, s21, $0xb8;
	[tilespmem:$0x1FFB0] =	vst v63  }
0x1c7: {  	s24 =	simm.s32 $0x19480;
	s25 =	simm.s32 $0x1C480;
	s23 =	simm.s32 $0x15D80  }
0x1c8: {  	[tilespmem:s25], [sflag:$0x1] =	stream.indirect.gather [hbm4b:s11+s21], $0x1, s24, s21, $0xb8;
	[tilespmem:$0x1FFB0] =	vst v63  }
0x1c9: {  	s24 =	simm.s32 $0x15C80;
	v1 =	vld [tilespmem:s23+$0x0]  }
0x1ca: {  	v2 =	vld [tilespmem:s24+$0x0];
	_ =	sdelay $0x3  }
0x1cb: {  	v3 =	vmul.f32 $3.144531250e-01, v1  }
0x1cc: {  	v4 =	vmul.f32 $3.144531250e-01, v2  }
0x1cd: {  	v3 =	vtrunc.f32 v3  }
0x1ce: {  	s20 =	simm.s32 $0x1B280;
	v4 =	vtrunc.f32 v4;
	v3 =	vcvt.f32.s32 v3  }
0x1cf: {  	v5 =	vld [tilespmem:s20+$0xFFFFFD00];
	v4 =	vcvt.f32.s32 v4  }
0x1d0: {  	v6 =	vld [tilespmem:s20+$0xFFFFFF00];
	v3 =	vcvt.s32.f32 v3  }
0x1d1: {  	v7 =	vld [tilespmem:s20+$0x300];
	v4 =	vcvt.s32.f32 v4  }
0x1d2: {  	v8 =	vld [tilespmem:s20+$0xFFFFFC00];
	v3 =	vmul.f32 $3.180124280e+00, v3  }
0x1d3: {  	v9 =	vld [tilespmem:s20+$0xFFFFFE00];
	v4 =	vmul.f32 $3.180124280e+00, v4  }
0x1d4: {  	v1 =	vsub.f32 v1, v3;
	v3 =	vld [tilespmem:s20+$0x200]  }
0x1d5: {  	v58 =	vld [tilespmem:s20+$0x0];
	v2 =	vsub.f32 v2, v4  }
0x1d6: {  	v10 =	vld [tilespmem:s20+$0x100];
	v1 =	vmul.f32 $3.144531250e-01, v1  }
0x1d7: {  	v2 =	vmul.f32 $3.144531250e-01, v2  }
0x1d8: {  	s25 =	simm.s32 $0x0;
	v11 =	vsub.f32 $1.000000000e+00, v1;
	v9 =	vmul.f32 v1, v9;
	v6 =	vmul.f32 v1, v6  }
0x1d9: {  	v12 =	vmov s25;
	v3 =	vmul.f32 v3, v1;
	v1 =	vmul.f32 v7, v1  }
0x1da: {  	v59 =	vshll.u32 v12, $0x5;
	v8 =	vmul.f32 v11, v8;
	v4 =	vmul.f32 v11, v58  }
0x1db: {  	v60 =	vsub.f32 $1.000000000e+00, v2;
	v5 =	vmul.f32 v11, v5;
	v10 =	vmul.f32 v11, v10  }
0x1dc: {  	v7 =	vor.u32 v0, v59;
	v8 =	vadd.f32 v8, v9;
	v3 =	vadd.f32 v3, v4  }
0x1dd: {  	v62 =	vor.u32 $0x14, v7;
	v61 =	vadd.f32 v5, v6;
	v1 =	vadd.f32 v1, v10  }
0x1de: {  	v7 =	vor.u32 $0x15, v7;
	v63 =	vmul.f32 v8, v60;
	v3 =	vmul.f32 v3, v2  }
0x1df: {  	v4 =	vmul.f32 v61, v60;
	v1 =	vmul.f32 v1, v2  }
0x1e0: {  	v2 =	vadd.f32 v3, v63  }
0x1e1: {  	v1 =	vadd.f32 v1, v4  }
0x1e2: {  	[tilespmem:v62+s2+$0x0] =	vst.idx.msk $0xffff, v2  }
0x1e3: {  	s23 =	simm.s32 $0x15D90;
	[tilespmem:v7+s2+$0x0] =	vst.idx.msk $0xffff, v1  }
0x1e4: {  	s24 =	simm.s32 $0x15C90;
	v1 =	vld [tilespmem:s23+$0x0]  }
0x1e5: {  	s22 =	simm.s32 $0x10;
	s25 =	simm.s32 $0x20;
	v2 =	vld [tilespmem:s24+$0x0]  }
.LBB2_7:
0x1e6: {  	p1 =	sne.s32 s25, $0xF0;
	_ =	sdelay $0x2  }
0x1e7: {  	v3 =	vmul.f32 $3.144531250e-01, v1  }
0x1e8: {  	v4 =	vmul.f32 $3.144531250e-01, v2  }
0x1e9: {  	v3 =	vtrunc.f32 v3  }
0x1ea: {  	s20 =	sadd.s32 $0x10, s20;
	v4 =	vtrunc.f32 v4;
	v3 =	vcvt.f32.s32 v3  }
0x1eb: {  	v4 =	vcvt.f32.s32 v4;
	v5 =	vld [tilespmem:s20+$0xFFFFFD00]  }
0x1ec: {  	v3 =	vcvt.s32.f32 v3;
	v6 =	vld [tilespmem:s20+$0xFFFFFF00]  }
0x1ed: {  	v4 =	vcvt.s32.f32 v4;
	v7 =	vld [tilespmem:s20+$0x300]  }
0x1ee: {  	v3 =	vmul.f32 $3.180124280e+00, v3;
	v8 =	vld [tilespmem:s20+$0xFFFFFC00]  }
0x1ef: {  	v4 =	vmul.f32 $3.180124280e+00, v4;
	v9 =	vld [tilespmem:s20+$0xFFFFFE00]  }
0x1f0: {  	v1 =	vsub.f32 v1, v3;
	v3 =	vld [tilespmem:s20+$0x200]  }
0x1f1: {  	v2 =	vsub.f32 v2, v4;
	v4 =	vld [tilespmem:s20+$0x0]  }
0x1f2: {  	v1 =	vmul.f32 $3.144531250e-01, v1;
	v10 =	vld [tilespmem:s20+$0x100]  }
0x1f3: {  	v2 =	vmul.f32 $3.144531250e-01, v2  }
0x1f4: {  	v11 =	vsub.f32 $1.000000000e+00, v1;
	v9 =	vmul.f32 v1, v9;
	v6 =	vmul.f32 v1, v6  }
0x1f5: {  	v12 =	vmov s22;
	s22 =	smov.u32 s25;
	v3 =	vmul.f32 v3, v1;
	v1 =	vmul.f32 v7, v1  }
0x1f6: {  	v7 =	vshll.u32 v12, $0x5;
	v8 =	vmul.f32 v11, v8;
	v4 =	vmul.f32 v11, v4  }
0x1f7: {  	v12 =	vsub.f32 $1.000000000e+00, v2;
	v5 =	vmul.f32 v11, v5;
	v10 =	vmul.f32 v11, v10  }
0x1f8: {  	v7 =	vor.u32 v0, v7;
	v8 =	vadd.f32 v8, v9;
	v3 =	vadd.f32 v3, v4  }
0x1f9: {  	v4 =	vadd.f32 v5, v6;
	v5 =	vor.u32 $0x14, v7;
	v1 =	vadd.f32 v1, v10  }
0x1fa: {  	v7 =	vor.u32 $0x15, v7;
	v6 =	vmul.f32 v8, v12;
	v3 =	vmul.f32 v3, v2  }
0x1fb: {  	v4 =	vmul.f32 v4, v12;
	v1 =	vmul.f32 v1, v2  }
0x1fc: {  	v2 =	vadd.f32 v3, v6  }
.Ltmp2:
0x1fd: {  	v1 =	vadd.f32 v1, v4;
	(pc) =	sbr.rel @p1 .LBB2_7-.Ltmp2, $4  }
0x1fe: {  	[tilespmem:v5+s2+$0x0] =	vst.idx.msk $0xffff, v2  }
0x1ff: {  	s23 =	sadd.s32 $0x10, s23;
	[tilespmem:v7+s2+$0x0] =	vst.idx.msk $0xffff, v1  }
0x200: {  	s24 =	sadd.s32 $0x10, s24;
	v1 =	vld [tilespmem:s23+$0x0]  }
0x201: {  	s25 =	sadd.s32 $0x10, s25;
	v2 =	vld [tilespmem:s24+$0x0]  }
0x202: {  	_ =	sdelay $0x2  }
0x203: {  	v3 =	vmul.f32 $3.144531250e-01, v1  }
0x204: {  	v4 =	vmul.f32 $3.144531250e-01, v2  }
0x205: {  	v3 =	vtrunc.f32 v3  }
0x206: {  	s20 =	sadd.s32 $0x10, s20;
	v4 =	vtrunc.f32 v4;
	v3 =	vcvt.f32.s32 v3  }
0x207: {  	v5 =	vld [tilespmem:s20+$0xFFFFFD00];
	v4 =	vcvt.f32.s32 v4  }
0x208: {  	v6 =	vld [tilespmem:s20+$0xFFFFFF00];
	v3 =	vcvt.s32.f32 v3  }
0x209: {  	v7 =	vld [tilespmem:s20+$0x300];
	v4 =	vcvt.s32.f32 v4  }
0x20a: {  	v8 =	vld [tilespmem:s20+$0xFFFFFC00];
	v3 =	vmul.f32 $3.180124280e+00, v3  }
0x20b: {  	v9 =	vld [tilespmem:s20+$0xFFFFFE00];
	v4 =	vmul.f32 $3.180124280e+00, v4  }
0x20c: {  	v1 =	vsub.f32 v1, v3;
	v3 =	vld [tilespmem:s20+$0x200]  }
0x20d: {  	v43 =	vld [tilespmem:s20+$0x0];
	v2 =	vsub.f32 v2, v4  }
0x20e: {  	v10 =	vld [tilespmem:s20+$0x100];
	v1 =	vmul.f32 $3.144531250e-01, v1  }
0x20f: {  	v2 =	vmul.f32 $3.144531250e-01, v2  }
0x210: {  	v11 =	vsub.f32 $1.000000000e+00, v1;
	v9 =	vmul.f32 v1, v9;
	v6 =	vmul.f32 v1, v6  }
0x211: {  	v12 =	vmov s22;
	v3 =	vmul.f32 v3, v1;
	v1 =	vmul.f32 v7, v1  }
0x212: {  	v44 =	vshll.u32 v12, $0x5;
	v8 =	vmul.f32 v11, v8;
	v4 =	vmul.f32 v11, v43  }
0x213: {  	v45 =	vsub.f32 $1.000000000e+00, v2;
	v5 =	vmul.f32 v11, v5;
	v10 =	vmul.f32 v11, v10  }
0x214: {  	v7 =	vor.u32 v0, v44;
	v8 =	vadd.f32 v8, v9;
	v3 =	vadd.f32 v3, v4  }
0x215: {  	v47 =	vor.u32 $0x14, v7;
	v46 =	vadd.f32 v5, v6;
	v1 =	vadd.f32 v1, v10  }
0x216: {  	v7 =	vor.u32 $0x15, v7;
	v48 =	vmul.f32 v8, v45;
	v3 =	vmul.f32 v3, v2  }
0x217: {  	v4 =	vmul.f32 v46, v45;
	v1 =	vmul.f32 v1, v2  }
0x218: {  	v2 =	vadd.f32 v3, v48  }
0x219: {  	v1 =	vadd.f32 v1, v4  }
0x21a: {  	[tilespmem:v47+s2+$0x0] =	vst.idx.msk $0xffff, v2  }
0x21b: {  	[tilespmem:v7+s2+$0x0] =	vst.idx.msk $0xffff, v1  }
0x21c: {  	_ =	swait.ge [sflag:s19], $0x200  }
0x21d: {  	[sflag:s19] =	ssyncset.done $0x0  }
0x21e: {  	[sflag:s19] =	ssyncadd.s32 $0xFFFFFE00  }
0x21f: {  	_ =	swait.ge [sflag:s19], $0x200  }
0x220: {  	[sflag:s19] =	ssyncset.done $0x0  }
0x221: {  	[sflag:s19] =	ssyncadd.s32 $0xFFFFFE00  }
0x222: {  	_ =	swait.ge [sflag:s19], $0x200  }
0x223: {  	[sflag:s19] =	ssyncset.done $0x0  }
0x224: {  	[sflag:s19] =	ssyncadd.s32 $0xFFFFFE00  }
0x225: {  	_ =	swait.ge [sflag:s19], $0x200  }
0x226: {  	[sflag:s19] =	ssyncset.done $0x0  }
0x227: {  	s22 =	simm.s32 $0x19680;
	s23 =	simm.s32 $0x1C680;
	[sflag:s19] =	ssyncadd.s32 $0xFFFFFE00  }
0x228: {  	[tilespmem:s23], [sflag:$0x1] =	stream.indirect.gather [hbm4b:s12+s21], $0x1, s22, s21, $0xb8;
	[tilespmem:$0x1FFB0] =	vst v63  }
0x229: {  	s24 =	simm.s32 $0x19880;
	s25 =	simm.s32 $0x1C880  }
0x22a: {  	[tilespmem:s25], [sflag:$0x1] =	stream.indirect.gather [hbm4b:s12+s21], $0x1, s24, s21, $0xb8;
	[tilespmem:$0x1FFB0] =	vst v63  }
0x22b: {  	s22 =	simm.s32 $0x19A80;
	s23 =	simm.s32 $0x1CA80  }
0x22c: {  	[tilespmem:s23], [sflag:$0x1] =	stream.indirect.gather [hbm4b:s12+s21], $0x1, s22, s21, $0xb8;
	[tilespmem:$0x1FFB0] =	vst v63  }
0x22d: {  	s24 =	simm.s32 $0x19C80;
	s25 =	simm.s32 $0x1CC80;
	s23 =	simm.s32 $0x15D80  }
0x22e: {  	[tilespmem:s25], [sflag:$0x1] =	stream.indirect.gather [hbm4b:s12+s21], $0x1, s24, s21, $0xb8;
	[tilespmem:$0x1FFB0] =	vst v63  }
0x22f: {  	s24 =	simm.s32 $0x15C80;
	v1 =	vld [tilespmem:s23+$0x0]  }
0x230: {  	v2 =	vld [tilespmem:s24+$0x0];
	_ =	sdelay $0x3  }
0x231: {  	v3 =	vmul.f32 $3.964843750e-01, v1  }
0x232: {  	v49 =	vmul.f32 $3.964843750e-01, v2  }
0x233: {  	v3 =	vtrunc.f32 v3  }
0x234: {  	s20 =	simm.s32 $0x1BA80;
	v4 =	vtrunc.f32 v49;
	v3 =	vcvt.f32.s32 v3  }
0x235: {  	v50 =	vld [tilespmem:s20+$0xFFFFFD00];
	v4 =	vcvt.f32.s32 v4  }
0x236: {  	v51 =	vld [tilespmem:s20+$0xFFFFFF00];
	v3 =	vcvt.s32.f32 v3  }
0x237: {  	v52 =	vld [tilespmem:s20+$0x300];
	v4 =	vcvt.s32.f32 v4  }
0x238: {  	v53 =	vld [tilespmem:s20+$0xFFFFFC00];
	v3 =	vmul.f32 $2.522167440e+00, v3  }
0x239: {  	v54 =	vld [tilespmem:s20+$0xFFFFFE00];
	v4 =	vmul.f32 $2.522167440e+00, v4  }
0x23a: {  	v1 =	vsub.f32 v1, v3;
	v3 =	vld [tilespmem:s20+$0x200]  }
0x23b: {  	v55 =	vld [tilespmem:s20+$0x0];
	v2 =	vsub.f32 v2, v4  }
0x23c: {  	v56 =	vld [tilespmem:s20+$0x100];
	v1 =	vmul.f32 $3.964843750e-01, v1  }
0x23d: {  	v2 =	vmul.f32 $3.964843750e-01, v2  }
0x23e: {  	s25 =	simm.s32 $0x0;
	v57 =	vsub.f32 $1.000000000e+00, v1;
	v9 =	vmul.f32 v1, v54;
	v6 =	vmul.f32 v1, v51  }
0x23f: {  	v58 =	vmov s25;
	v3 =	vmul.f32 v3, v1;
	v1 =	vmul.f32 v52, v1  }
0x240: {  	v59 =	vshll.u32 v58, $0x5;
	v8 =	vmul.f32 v57, v53;
	v4 =	vmul.f32 v57, v55  }
0x241: {  	v60 =	vsub.f32 $1.000000000e+00, v2;
	v5 =	vmul.f32 v57, v50;
	v10 =	vmul.f32 v57, v56  }
0x242: {  	v7 =	vor.u32 v0, v59;
	v8 =	vadd.f32 v8, v9;
	v3 =	vadd.f32 v3, v4  }
0x243: {  	v62 =	vor.u32 $0x16, v7;
	v61 =	vadd.f32 v5, v6;
	v1 =	vadd.f32 v1, v10  }
0x244: {  	v7 =	vor.u32 $0x17, v7;
	v63 =	vmul.f32 v8, v60;
	v3 =	vmul.f32 v3, v2  }
0x245: {  	v4 =	vmul.f32 v61, v60;
	v1 =	vmul.f32 v1, v2  }
0x246: {  	v2 =	vadd.f32 v3, v63  }
0x247: {  	v1 =	vadd.f32 v1, v4  }
0x248: {  	[tilespmem:v62+s2+$0x0] =	vst.idx.msk $0xffff, v2  }
0x249: {  	s23 =	simm.s32 $0x15D90;
	[tilespmem:v7+s2+$0x0] =	vst.idx.msk $0xffff, v1  }
0x24a: {  	s24 =	simm.s32 $0x15C90;
	v1 =	vld [tilespmem:s23+$0x0]  }
0x24b: {  	s22 =	simm.s32 $0x10;
	s25 =	simm.s32 $0x20;
	v2 =	vld [tilespmem:s24+$0x0]  }
.LBB2_9:
0x24c: {  	p1 =	sne.s32 s25, $0xF0;
	_ =	sdelay $0x2  }
0x24d: {  	v3 =	vmul.f32 $3.964843750e-01, v1  }
0x24e: {  	v4 =	vmul.f32 $3.964843750e-01, v2  }
0x24f: {  	v3 =	vtrunc.f32 v3  }
0x250: {  	s20 =	sadd.s32 $0x10, s20;
	v4 =	vtrunc.f32 v4;
	v3 =	vcvt.f32.s32 v3  }
0x251: {  	v4 =	vcvt.f32.s32 v4;
	v5 =	vld [tilespmem:s20+$0xFFFFFD00]  }
0x252: {  	v3 =	vcvt.s32.f32 v3;
	v6 =	vld [tilespmem:s20+$0xFFFFFF00]  }
0x253: {  	v4 =	vcvt.s32.f32 v4;
	v7 =	vld [tilespmem:s20+$0x300]  }
0x254: {  	v3 =	vmul.f32 $2.522167440e+00, v3;
	v8 =	vld [tilespmem:s20+$0xFFFFFC00]  }
0x255: {  	v4 =	vmul.f32 $2.522167440e+00, v4;
	v9 =	vld [tilespmem:s20+$0xFFFFFE00]  }
0x256: {  	v1 =	vsub.f32 v1, v3;
	v3 =	vld [tilespmem:s20+$0x200]  }
0x257: {  	v2 =	vsub.f32 v2, v4;
	v4 =	vld [tilespmem:s20+$0x0]  }
0x258: {  	v1 =	vmul.f32 $3.964843750e-01, v1;
	v10 =	vld [tilespmem:s20+$0x100]  }
0x259: {  	v2 =	vmul.f32 $3.964843750e-01, v2  }
0x25a: {  	v11 =	vsub.f32 $1.000000000e+00, v1;
	v9 =	vmul.f32 v1, v9;
	v6 =	vmul.f32 v1, v6  }
0x25b: {  	v12 =	vmov s22;
	s22 =	smov.u32 s25;
	v3 =	vmul.f32 v3, v1;
	v1 =	vmul.f32 v7, v1  }
0x25c: {  	v7 =	vshll.u32 v12, $0x5;
	v8 =	vmul.f32 v11, v8;
	v4 =	vmul.f32 v11, v4  }
0x25d: {  	v12 =	vsub.f32 $1.000000000e+00, v2;
	v5 =	vmul.f32 v11, v5;
	v10 =	vmul.f32 v11, v10  }
0x25e: {  	v7 =	vor.u32 v0, v7;
	v8 =	vadd.f32 v8, v9;
	v3 =	vadd.f32 v3, v4  }
0x25f: {  	v4 =	vadd.f32 v5, v6;
	v5 =	vor.u32 $0x16, v7;
	v1 =	vadd.f32 v1, v10  }
0x260: {  	v7 =	vor.u32 $0x17, v7;
	v6 =	vmul.f32 v8, v12;
	v3 =	vmul.f32 v3, v2  }
0x261: {  	v4 =	vmul.f32 v4, v12;
	v1 =	vmul.f32 v1, v2  }
0x262: {  	v2 =	vadd.f32 v3, v6  }
.Ltmp3:
0x263: {  	v1 =	vadd.f32 v1, v4;
	(pc) =	sbr.rel @p1 .LBB2_9-.Ltmp3, $4  }
0x264: {  	[tilespmem:v5+s2+$0x0] =	vst.idx.msk $0xffff, v2  }
0x265: {  	s23 =	sadd.s32 $0x10, s23;
	[tilespmem:v7+s2+$0x0] =	vst.idx.msk $0xffff, v1  }
0x266: {  	s24 =	sadd.s32 $0x10, s24;
	v1 =	vld [tilespmem:s23+$0x0]  }
0x267: {  	s25 =	sadd.s32 $0x10, s25;
	v2 =	vld [tilespmem:s24+$0x0]  }
0x268: {  	_ =	sdelay $0x2  }
0x269: {  	v3 =	vmul.f32 $3.964843750e-01, v1  }
0x26a: {  	v4 =	vmul.f32 $3.964843750e-01, v2  }
0x26b: {  	v3 =	vtrunc.f32 v3  }
0x26c: {  	s20 =	sadd.s32 $0x10, s20;
	v4 =	vtrunc.f32 v4;
	v3 =	vcvt.f32.s32 v3  }
0x26d: {  	v5 =	vld [tilespmem:s20+$0xFFFFFD00];
	v4 =	vcvt.f32.s32 v4  }
0x26e: {  	v6 =	vld [tilespmem:s20+$0xFFFFFF00];
	v3 =	vcvt.s32.f32 v3  }
0x26f: {  	v7 =	vld [tilespmem:s20+$0x300];
	v4 =	vcvt.s32.f32 v4  }
0x270: {  	v8 =	vld [tilespmem:s20+$0xFFFFFC00];
	v3 =	vmul.f32 $2.522167440e+00, v3  }
0x271: {  	v9 =	vld [tilespmem:s20+$0xFFFFFE00];
	v4 =	vmul.f32 $2.522167440e+00, v4  }
0x272: {  	v1 =	vsub.f32 v1, v3;
	v3 =	vld [tilespmem:s20+$0x200]  }
0x273: {  	v43 =	vld [tilespmem:s20+$0x0];
	v2 =	vsub.f32 v2, v4  }
0x274: {  	v10 =	vld [tilespmem:s20+$0x100];
	v1 =	vmul.f32 $3.964843750e-01, v1  }
0x275: {  	v2 =	vmul.f32 $3.964843750e-01, v2  }
0x276: {  	v11 =	vsub.f32 $1.000000000e+00, v1;
	v9 =	vmul.f32 v1, v9;
	v6 =	vmul.f32 v1, v6  }
0x277: {  	v12 =	vmov s22;
	v3 =	vmul.f32 v3, v1;
	v1 =	vmul.f32 v7, v1  }
0x278: {  	v44 =	vshll.u32 v12, $0x5;
	v8 =	vmul.f32 v11, v8;
	v4 =	vmul.f32 v11, v43  }
0x279: {  	v45 =	vsub.f32 $1.000000000e+00, v2;
	v5 =	vmul.f32 v11, v5;
	v10 =	vmul.f32 v11, v10  }
0x27a: {  	v7 =	vor.u32 v0, v44;
	v8 =	vadd.f32 v8, v9;
	v3 =	vadd.f32 v3, v4  }
0x27b: {  	v47 =	vor.u32 $0x16, v7;
	v46 =	vadd.f32 v5, v6;
	v1 =	vadd.f32 v1, v10  }
0x27c: {  	v7 =	vor.u32 $0x17, v7;
	v48 =	vmul.f32 v8, v45;
	v3 =	vmul.f32 v3, v2  }
0x27d: {  	v4 =	vmul.f32 v46, v45;
	v1 =	vmul.f32 v1, v2  }
0x27e: {  	v2 =	vadd.f32 v3, v48  }
0x27f: {  	v1 =	vadd.f32 v1, v4  }
0x280: {  	[tilespmem:v47+s2+$0x0] =	vst.idx.msk $0xffff, v2  }
0x281: {  	[tilespmem:v7+s2+$0x0] =	vst.idx.msk $0xffff, v1  }
0x282: {  	_ =	swait.ge [sflag:s19], $0x200  }
0x283: {  	[sflag:s19] =	ssyncset.done $0x0  }
0x284: {  	[sflag:s19] =	ssyncadd.s32 $0xFFFFFE00  }
0x285: {  	_ =	swait.ge [sflag:s19], $0x200  }
0x286: {  	[sflag:s19] =	ssyncset.done $0x0  }
0x287: {  	[sflag:s19] =	ssyncadd.s32 $0xFFFFFE00  }
0x288: {  	_ =	swait.ge [sflag:s19], $0x200  }
0x289: {  	[sflag:s19] =	ssyncset.done $0x0  }
0x28a: {  	[sflag:s19] =	ssyncadd.s32 $0xFFFFFE00  }
0x28b: {  	_ =	swait.ge [sflag:s19], $0x200  }
0x28c: {  	[sflag:s19] =	ssyncset.done $0x0  }
0x28d: {  	s24 =	simm.s32 $0x19E80;
	s25 =	simm.s32 $0x1CE80;
	[sflag:s19] =	ssyncadd.s32 $0xFFFFFE00  }
0x28e: {  	[tilespmem:s25], [sflag:$0x1] =	stream.indirect.gather [hbm4b:s13+s21], $0x1, s24, s21, $0xb8;
	[tilespmem:$0x1FFB0] =	vst v63  }
0x28f: {  	s22 =	simm.s32 $0x1A080;
	s23 =	simm.s32 $0x1D080  }
0x290: {  	[tilespmem:s23], [sflag:$0x1] =	stream.indirect.gather [hbm4b:s13+s21], $0x1, s22, s21, $0xb8;
	[tilespmem:$0x1FFB0] =	vst v63  }
0x291: {  	s24 =	simm.s32 $0x1A280;
	s25 =	simm.s32 $0x1D280  }
0x292: {  	[tilespmem:s25], [sflag:$0x1] =	stream.indirect.gather [hbm4b:s13+s21], $0x1, s24, s21, $0xb8;
	[tilespmem:$0x1FFB0] =	vst v63  }
0x293: {  	s23 =	simm.s32 $0x15D80  }
0x294: {  	[tilespmem:s28], [sflag:$0x1] =	stream.indirect.gather [hbm4b:s13+s21], $0x1, s26, s21, $0xb8;
	[tilespmem:$0x1FFB0] =	vst v63  }
0x295: {  	s24 =	simm.s32 $0x15C80;
	v1 =	vld [tilespmem:s23+$0x0]  }
0x296: {  	v2 =	vld [tilespmem:s24+$0x0];
	_ =	sdelay $0x3  }
0x297: {  	v3 =	vmul.f32 $5.000000000e-01, v1  }
0x298: {  	v49 =	vmul.f32 $5.000000000e-01, v2  }
0x299: {  	v3 =	vtrunc.f32 v3  }
0x29a: {  	s20 =	simm.s32 $0x1C280;
	v4 =	vtrunc.f32 v49;
	v3 =	vcvt.f32.s32 v3  }
0x29b: {  	v50 =	vld [tilespmem:s20+$0xFFFFFD00];
	v4 =	vcvt.f32.s32 v4  }
0x29c: {  	v51 =	vld [tilespmem:s20+$0xFFFFFF00];
	v3 =	vcvt.s32.f32 v3  }
0x29d: {  	v52 =	vld [tilespmem:s20+$0x300];
	v4 =	vcvt.s32.f32 v4  }
0x29e: {  	v53 =	vld [tilespmem:s20+$0xFFFFFC00];
	v3 =	vadd.f32 v3, v3  }
0x29f: {  	v54 =	vld [tilespmem:s20+$0xFFFFFE00];
	v4 =	vadd.f32 v4, v4  }
0x2a0: {  	v1 =	vsub.f32 v1, v3;
	v3 =	vld [tilespmem:s20+$0x200]  }
0x2a1: {  	v55 =	vld [tilespmem:s20+$0x0];
	v2 =	vsub.f32 v2, v4  }
0x2a2: {  	v56 =	vld [tilespmem:s20+$0x100];
	v1 =	vmul.f32 $5.000000000e-01, v1  }
0x2a3: {  	v2 =	vmul.f32 $5.000000000e-01, v2  }
0x2a4: {  	s25 =	simm.s32 $0x0;
	v57 =	vsub.f32 $1.000000000e+00, v1;
	v9 =	vmul.f32 v1, v54;
	v6 =	vmul.f32 v1, v51  }
0x2a5: {  	v58 =	vmov s25;
	v3 =	vmul.f32 v3, v1;
	v1 =	vmul.f32 v52, v1  }
0x2a6: {  	v59 =	vshll.u32 v58, $0x5;
	v8 =	vmul.f32 v57, v53;
	v4 =	vmul.f32 v57, v55  }
0x2a7: {  	v60 =	vsub.f32 $1.000000000e+00, v2;
	v5 =	vmul.f32 v57, v50;
	v10 =	vmul.f32 v57, v56  }
0x2a8: {  	v7 =	vor.u32 v0, v59;
	v8 =	vadd.f32 v8, v9;
	v3 =	vadd.f32 v3, v4  }
0x2a9: {  	v62 =	vor.u32 $0x18, v7;
	v61 =	vadd.f32 v5, v6;
	v1 =	vadd.f32 v1, v10  }
0x2aa: {  	v7 =	vor.u32 $0x19, v7;
	v63 =	vmul.f32 v8, v60;
	v3 =	vmul.f32 v3, v2  }
0x2ab: {  	v4 =	vmul.f32 v61, v60;
	v1 =	vmul.f32 v1, v2  }
0x2ac: {  	v2 =	vadd.f32 v3, v63  }
0x2ad: {  	v1 =	vadd.f32 v1, v4  }
0x2ae: {  	[tilespmem:v62+s2+$0x0] =	vst.idx.msk $0xffff, v2  }
0x2af: {  	s23 =	simm.s32 $0x15D90;
	[tilespmem:v7+s2+$0x0] =	vst.idx.msk $0xffff, v1  }
0x2b0: {  	s24 =	simm.s32 $0x15C90;
	v1 =	vld [tilespmem:s23+$0x0]  }
0x2b1: {  	s22 =	simm.s32 $0x10;
	s25 =	simm.s32 $0x20;
	v2 =	vld [tilespmem:s24+$0x0]  }
.LBB2_11:
0x2b2: {  	p1 =	sne.s32 s25, $0xF0;
	_ =	sdelay $0x2  }
0x2b3: {  	v3 =	vmul.f32 $5.000000000e-01, v1  }
0x2b4: {  	v4 =	vmul.f32 $5.000000000e-01, v2  }
0x2b5: {  	v3 =	vtrunc.f32 v3  }
0x2b6: {  	s20 =	sadd.s32 $0x10, s20;
	v4 =	vtrunc.f32 v4;
	v3 =	vcvt.f32.s32 v3  }
0x2b7: {  	v4 =	vcvt.f32.s32 v4;
	v5 =	vld [tilespmem:s20+$0xFFFFFD00]  }
0x2b8: {  	v3 =	vcvt.s32.f32 v3;
	v6 =	vld [tilespmem:s20+$0xFFFFFF00]  }
0x2b9: {  	v4 =	vcvt.s32.f32 v4;
	v7 =	vld [tilespmem:s20+$0x300]  }
0x2ba: {  	v3 =	vadd.f32 v3, v3;
	v8 =	vld [tilespmem:s20+$0xFFFFFC00]  }
0x2bb: {  	v4 =	vadd.f32 v4, v4;
	v9 =	vld [tilespmem:s20+$0xFFFFFE00]  }
0x2bc: {  	v1 =	vsub.f32 v1, v3;
	v3 =	vld [tilespmem:s20+$0x200]  }
0x2bd: {  	v2 =	vsub.f32 v2, v4;
	v4 =	vld [tilespmem:s20+$0x0]  }
0x2be: {  	v1 =	vmul.f32 $5.000000000e-01, v1;
	v10 =	vld [tilespmem:s20+$0x100]  }
0x2bf: {  	v2 =	vmul.f32 $5.000000000e-01, v2  }
0x2c0: {  	v11 =	vsub.f32 $1.000000000e+00, v1;
	v9 =	vmul.f32 v1, v9;
	v6 =	vmul.f32 v1, v6  }
0x2c1: {  	v12 =	vmov s22;
	s22 =	smov.u32 s25;
	v3 =	vmul.f32 v3, v1;
	v1 =	vmul.f32 v7, v1  }
0x2c2: {  	v7 =	vshll.u32 v12, $0x5;
	v8 =	vmul.f32 v11, v8;
	v4 =	vmul.f32 v11, v4  }
0x2c3: {  	v12 =	vsub.f32 $1.000000000e+00, v2;
	v5 =	vmul.f32 v11, v5;
	v10 =	vmul.f32 v11, v10  }
0x2c4: {  	v7 =	vor.u32 v0, v7;
	v8 =	vadd.f32 v8, v9;
	v3 =	vadd.f32 v3, v4  }
0x2c5: {  	v4 =	vadd.f32 v5, v6;
	v5 =	vor.u32 $0x18, v7;
	v1 =	vadd.f32 v1, v10  }
0x2c6: {  	v7 =	vor.u32 $0x19, v7;
	v6 =	vmul.f32 v8, v12;
	v3 =	vmul.f32 v3, v2  }
0x2c7: {  	v4 =	vmul.f32 v4, v12;
	v1 =	vmul.f32 v1, v2  }
0x2c8: {  	v2 =	vadd.f32 v3, v6  }
.Ltmp4:
0x2c9: {  	v1 =	vadd.f32 v1, v4;
	(pc) =	sbr.rel @p1 .LBB2_11-.Ltmp4, $4  }
0x2ca: {  	[tilespmem:v5+s2+$0x0] =	vst.idx.msk $0xffff, v2  }
0x2cb: {  	s23 =	sadd.s32 $0x10, s23;
	[tilespmem:v7+s2+$0x0] =	vst.idx.msk $0xffff, v1  }
0x2cc: {  	s24 =	sadd.s32 $0x10, s24;
	v1 =	vld [tilespmem:s23+$0x0]  }
0x2cd: {  	s25 =	sadd.s32 $0x10, s25;
	v2 =	vld [tilespmem:s24+$0x0]  }
0x2ce: {  	_ =	sdelay $0x2  }
0x2cf: {  	v3 =	vmul.f32 $5.000000000e-01, v1  }
0x2d0: {  	v4 =	vmul.f32 $5.000000000e-01, v2  }
0x2d1: {  	v3 =	vtrunc.f32 v3  }
0x2d2: {  	s20 =	sadd.s32 $0x10, s20;
	v4 =	vtrunc.f32 v4;
	v3 =	vcvt.f32.s32 v3  }
0x2d3: {  	v5 =	vld [tilespmem:s20+$0xFFFFFD00];
	v4 =	vcvt.f32.s32 v4  }
0x2d4: {  	v6 =	vld [tilespmem:s20+$0xFFFFFF00];
	v3 =	vcvt.s32.f32 v3  }
0x2d5: {  	v7 =	vld [tilespmem:s20+$0x300];
	v4 =	vcvt.s32.f32 v4  }
0x2d6: {  	v8 =	vld [tilespmem:s20+$0xFFFFFC00];
	v3 =	vadd.f32 v3, v3  }
0x2d7: {  	v9 =	vld [tilespmem:s20+$0xFFFFFE00];
	v4 =	vadd.f32 v4, v4  }
0x2d8: {  	v1 =	vsub.f32 v1, v3;
	v3 =	vld [tilespmem:s20+$0x200]  }
0x2d9: {  	v43 =	vld [tilespmem:s20+$0x0];
	v2 =	vsub.f32 v2, v4  }
0x2da: {  	v10 =	vld [tilespmem:s20+$0x100];
	v1 =	vmul.f32 $5.000000000e-01, v1  }
0x2db: {  	v2 =	vmul.f32 $5.000000000e-01, v2  }
0x2dc: {  	v11 =	vsub.f32 $1.000000000e+00, v1;
	v9 =	vmul.f32 v1, v9;
	v6 =	vmul.f32 v1, v6  }
0x2dd: {  	v12 =	vmov s22;
	v3 =	vmul.f32 v3, v1;
	v1 =	vmul.f32 v7, v1  }
0x2de: {  	v44 =	vshll.u32 v12, $0x5;
	v8 =	vmul.f32 v11, v8;
	v4 =	vmul.f32 v11, v43  }
0x2df: {  	v45 =	vsub.f32 $1.000000000e+00, v2;
	v5 =	vmul.f32 v11, v5;
	v10 =	vmul.f32 v11, v10  }
0x2e0: {  	v7 =	vor.u32 v0, v44;
	v8 =	vadd.f32 v8, v9;
	v3 =	vadd.f32 v3, v4  }
0x2e1: {  	v47 =	vor.u32 $0x18, v7;
	v46 =	vadd.f32 v5, v6;
	v1 =	vadd.f32 v1, v10  }
0x2e2: {  	v7 =	vor.u32 $0x19, v7;
	v48 =	vmul.f32 v8, v45;
	v3 =	vmul.f32 v3, v2  }
0x2e3: {  	v4 =	vmul.f32 v46, v45;
	v1 =	vmul.f32 v1, v2  }
0x2e4: {  	v2 =	vadd.f32 v3, v48  }
0x2e5: {  	v1 =	vadd.f32 v1, v4  }
0x2e6: {  	[tilespmem:v47+s2+$0x0] =	vst.idx.msk $0xffff, v2  }
0x2e7: {  	[tilespmem:v7+s2+$0x0] =	vst.idx.msk $0xffff, v1  }
0x2e8: {  	_ =	swait.ge [sflag:s19], $0x200  }
0x2e9: {  	[sflag:s19] =	ssyncset.done $0x0  }
0x2ea: {  	[sflag:s19] =	ssyncadd.s32 $0xFFFFFE00  }
0x2eb: {  	_ =	swait.ge [sflag:s19], $0x200  }
0x2ec: {  	[sflag:s19] =	ssyncset.done $0x0  }
0x2ed: {  	[sflag:s19] =	ssyncadd.s32 $0xFFFFFE00  }
0x2ee: {  	_ =	swait.ge [sflag:s19], $0x200  }
0x2ef: {  	[sflag:s19] =	ssyncset.done $0x0  }
0x2f0: {  	[sflag:s19] =	ssyncadd.s32 $0xFFFFFE00  }
0x2f1: {  	_ =	swait.ge [sflag:s19], $0x200  }
0x2f2: {  	[sflag:s19] =	ssyncset.done $0x0  }
0x2f3: {  	[sflag:s19] =	ssyncadd.s32 $0xFFFFFE00  }
0x2f4: {  	[tilespmem:s30], [sflag:$0x1] =	stream.indirect.gather [hbm4b:s1+s21], $0x1, s29, s21, $0xb8;
	[tilespmem:$0x1FFB0] =	vst v63  }
0x2f5: {  	_ = 	snop  }
0x2f6: {  	[tilespmem:s0], [sflag:$0x1] =	stream.indirect.gather [hbm4b:s1+s21], $0x1, s31, s21, $0xb8;
	[tilespmem:$0x1FFB0] =	vst v63  }
0x2f7: {  	_ = 	snop  }
0x2f8: {  	[tilespmem:s9], [sflag:$0x1] =	stream.indirect.gather [hbm4b:s1+s21], $0x1, s8, s21, $0xb8;
	[tilespmem:$0x1FFB0] =	vst v63  }
0x2f9: {  	s23 =	simm.s32 $0x15D80  }
0x2fa: {  	[tilespmem:s15], [sflag:$0x1] =	stream.indirect.gather [hbm4b:s1+s21], $0x1, s10, s21, $0xb8;
	[tilespmem:$0x1FFB0] =	vst v63  }
0x2fb: {  	s24 =	simm.s32 $0x15C80;
	v1 =	vld [tilespmem:s23+$0x0]  }
0x2fc: {  	v2 =	vld [tilespmem:s24+$0x0];
	_ =	sdelay $0x3  }
0x2fd: {  	v3 =	vmul.f32 $6.289062500e-01, v1  }
0x2fe: {  	v49 =	vmul.f32 $6.289062500e-01, v2  }
0x2ff: {  	v3 =	vtrunc.f32 v3  }
0x300: {  	s20 =	simm.s32 $0x1CA80;
	v4 =	vtrunc.f32 v49;
	v3 =	vcvt.f32.s32 v3  }
0x301: {  	v50 =	vld [tilespmem:s20+$0xFFFFFD00];
	v4 =	vcvt.f32.s32 v4  }
0x302: {  	v51 =	vld [tilespmem:s20+$0xFFFFFF00];
	v3 =	vcvt.s32.f32 v3  }
0x303: {  	v52 =	vld [tilespmem:s20+$0x300];
	v4 =	vcvt.s32.f32 v4  }
0x304: {  	v53 =	vld [tilespmem:s20+$0xFFFFFC00];
	v3 =	vmul.f32 $1.590062140e+00, v3  }
0x305: {  	v54 =	vld [tilespmem:s20+$0xFFFFFE00];
	v4 =	vmul.f32 $1.590062140e+00, v4  }
0x306: {  	v1 =	vsub.f32 v1, v3;
	v3 =	vld [tilespmem:s20+$0x200]  }
0x307: {  	v55 =	vld [tilespmem:s20+$0x0];
	v2 =	vsub.f32 v2, v4  }
0x308: {  	v56 =	vld [tilespmem:s20+$0x100];
	v1 =	vmul.f32 $6.289062500e-01, v1  }
0x309: {  	v2 =	vmul.f32 $6.289062500e-01, v2  }
0x30a: {  	s25 =	simm.s32 $0x0;
	v57 =	vsub.f32 $1.000000000e+00, v1;
	v9 =	vmul.f32 v1, v54;
	v6 =	vmul.f32 v1, v51  }
0x30b: {  	v58 =	vmov s25;
	v3 =	vmul.f32 v3, v1;
	v1 =	vmul.f32 v52, v1  }
0x30c: {  	v59 =	vshll.u32 v58, $0x5;
	v8 =	vmul.f32 v57, v53;
	v4 =	vmul.f32 v57, v55  }
0x30d: {  	v60 =	vsub.f32 $1.000000000e+00, v2;
	v5 =	vmul.f32 v57, v50;
	v10 =	vmul.f32 v57, v56  }
0x30e: {  	v7 =	vor.u32 v0, v59;
	v8 =	vadd.f32 v8, v9;
	v3 =	vadd.f32 v3, v4  }
0x30f: {  	v62 =	vor.u32 $0x1A, v7;
	v61 =	vadd.f32 v5, v6;
	v1 =	vadd.f32 v1, v10  }
0x310: {  	v7 =	vor.u32 $0x1B, v7;
	v63 =	vmul.f32 v8, v60;
	v3 =	vmul.f32 v3, v2  }
0x311: {  	v4 =	vmul.f32 v61, v60;
	v1 =	vmul.f32 v1, v2  }
0x312: {  	v2 =	vadd.f32 v3, v63  }
0x313: {  	v1 =	vadd.f32 v1, v4  }
0x314: {  	[tilespmem:v62+s2+$0x0] =	vst.idx.msk $0xffff, v2  }
0x315: {  	s23 =	simm.s32 $0x15D90;
	[tilespmem:v7+s2+$0x0] =	vst.idx.msk $0xffff, v1  }
0x316: {  	s24 =	simm.s32 $0x15C90;
	v1 =	vld [tilespmem:s23+$0x0]  }
0x317: {  	s22 =	simm.s32 $0x10;
	s25 =	simm.s32 $0x20;
	v2 =	vld [tilespmem:s24+$0x0]  }
.LBB2_13:
0x318: {  	p1 =	sne.s32 s25, $0xF0;
	_ =	sdelay $0x2  }
0x319: {  	v3 =	vmul.f32 $6.289062500e-01, v1  }
0x31a: {  	v4 =	vmul.f32 $6.289062500e-01, v2  }
0x31b: {  	v3 =	vtrunc.f32 v3  }
0x31c: {  	s20 =	sadd.s32 $0x10, s20;
	v4 =	vtrunc.f32 v4;
	v3 =	vcvt.f32.s32 v3  }
0x31d: {  	v4 =	vcvt.f32.s32 v4;
	v5 =	vld [tilespmem:s20+$0xFFFFFD00]  }
0x31e: {  	v3 =	vcvt.s32.f32 v3;
	v6 =	vld [tilespmem:s20+$0xFFFFFF00]  }
0x31f: {  	v4 =	vcvt.s32.f32 v4;
	v7 =	vld [tilespmem:s20+$0x300]  }
0x320: {  	v3 =	vmul.f32 $1.590062140e+00, v3;
	v8 =	vld [tilespmem:s20+$0xFFFFFC00]  }
0x321: {  	v4 =	vmul.f32 $1.590062140e+00, v4;
	v9 =	vld [tilespmem:s20+$0xFFFFFE00]  }
0x322: {  	v1 =	vsub.f32 v1, v3;
	v3 =	vld [tilespmem:s20+$0x200]  }
0x323: {  	v2 =	vsub.f32 v2, v4;
	v4 =	vld [tilespmem:s20+$0x0]  }
0x324: {  	v1 =	vmul.f32 $6.289062500e-01, v1;
	v10 =	vld [tilespmem:s20+$0x100]  }
0x325: {  	v2 =	vmul.f32 $6.289062500e-01, v2  }
0x326: {  	v11 =	vsub.f32 $1.000000000e+00, v1;
	v9 =	vmul.f32 v1, v9;
	v6 =	vmul.f32 v1, v6  }
0x327: {  	v12 =	vmov s22;
	s22 =	smov.u32 s25;
	v3 =	vmul.f32 v3, v1;
	v1 =	vmul.f32 v7, v1  }
0x328: {  	v7 =	vshll.u32 v12, $0x5;
	v8 =	vmul.f32 v11, v8;
	v4 =	vmul.f32 v11, v4  }
0x329: {  	v12 =	vsub.f32 $1.000000000e+00, v2;
	v5 =	vmul.f32 v11, v5;
	v10 =	vmul.f32 v11, v10  }
0x32a: {  	v7 =	vor.u32 v0, v7;
	v8 =	vadd.f32 v8, v9;
	v3 =	vadd.f32 v3, v4  }
0x32b: {  	v4 =	vadd.f32 v5, v6;
	v5 =	vor.u32 $0x1A, v7;
	v1 =	vadd.f32 v1, v10  }
0x32c: {  	v7 =	vor.u32 $0x1B, v7;
	v6 =	vmul.f32 v8, v12;
	v3 =	vmul.f32 v3, v2  }
0x32d: {  	v4 =	vmul.f32 v4, v12;
	v1 =	vmul.f32 v1, v2  }
0x32e: {  	v2 =	vadd.f32 v3, v6  }
.Ltmp5:
0x32f: {  	v1 =	vadd.f32 v1, v4;
	(pc) =	sbr.rel @p1 .LBB2_13-.Ltmp5, $4  }
0x330: {  	[tilespmem:v5+s2+$0x0] =	vst.idx.msk $0xffff, v2  }
0x331: {  	s23 =	sadd.s32 $0x10, s23;
	[tilespmem:v7+s2+$0x0] =	vst.idx.msk $0xffff, v1  }
0x332: {  	s24 =	sadd.s32 $0x10, s24;
	v1 =	vld [tilespmem:s23+$0x0]  }
0x333: {  	s25 =	sadd.s32 $0x10, s25;
	v2 =	vld [tilespmem:s24+$0x0]  }
0x334: {  	_ =	sdelay $0x2  }
0x335: {  	v3 =	vmul.f32 $6.289062500e-01, v1  }
0x336: {  	v4 =	vmul.f32 $6.289062500e-01, v2  }
0x337: {  	v3 =	vtrunc.f32 v3  }
0x338: {  	s20 =	sadd.s32 $0x10, s20;
	v4 =	vtrunc.f32 v4;
	v3 =	vcvt.f32.s32 v3  }
0x339: {  	v5 =	vld [tilespmem:s20+$0xFFFFFD00];
	v4 =	vcvt.f32.s32 v4  }
0x33a: {  	v6 =	vld [tilespmem:s20+$0xFFFFFF00];
	v3 =	vcvt.s32.f32 v3  }
0x33b: {  	v7 =	vld [tilespmem:s20+$0x300];
	v4 =	vcvt.s32.f32 v4  }
0x33c: {  	v8 =	vld [tilespmem:s20+$0xFFFFFC00];
	v3 =	vmul.f32 $1.590062140e+00, v3  }
0x33d: {  	v9 =	vld [tilespmem:s20+$0xFFFFFE00];
	v4 =	vmul.f32 $1.590062140e+00, v4  }
0x33e: {  	v1 =	vsub.f32 v1, v3;
	v3 =	vld [tilespmem:s20+$0x200]  }
0x33f: {  	v43 =	vld [tilespmem:s20+$0x0];
	v2 =	vsub.f32 v2, v4  }
0x340: {  	v10 =	vld [tilespmem:s20+$0x100];
	v1 =	vmul.f32 $6.289062500e-01, v1  }
0x341: {  	v2 =	vmul.f32 $6.289062500e-01, v2  }
0x342: {  	v11 =	vsub.f32 $1.000000000e+00, v1;
	v9 =	vmul.f32 v1, v9;
	v6 =	vmul.f32 v1, v6  }
0x343: {  	v12 =	vmov s22;
	v3 =	vmul.f32 v3, v1;
	v1 =	vmul.f32 v7, v1  }
0x344: {  	v44 =	vshll.u32 v12, $0x5;
	v8 =	vmul.f32 v11, v8;
	v4 =	vmul.f32 v11, v43  }
0x345: {  	v45 =	vsub.f32 $1.000000000e+00, v2;
	v5 =	vmul.f32 v11, v5;
	v10 =	vmul.f32 v11, v10  }
0x346: {  	v7 =	vor.u32 v0, v44;
	v8 =	vadd.f32 v8, v9;
	v3 =	vadd.f32 v3, v4  }
0x347: {  	v47 =	vor.u32 $0x1A, v7;
	v46 =	vadd.f32 v5, v6;
	v1 =	vadd.f32 v1, v10  }
0x348: {  	v7 =	vor.u32 $0x1B, v7;
	v48 =	vmul.f32 v8, v45;
	v3 =	vmul.f32 v3, v2  }
0x349: {  	v4 =	vmul.f32 v46, v45;
	v1 =	vmul.f32 v1, v2  }
0x34a: {  	v2 =	vadd.f32 v3, v48  }
0x34b: {  	v1 =	vadd.f32 v1, v4  }
0x34c: {  	[tilespmem:v47+s2+$0x0] =	vst.idx.msk $0xffff, v2  }
0x34d: {  	[tilespmem:v7+s2+$0x0] =	vst.idx.msk $0xffff, v1  }
0x34e: {  	_ =	swait.ge [sflag:s19], $0x200  }
0x34f: {  	[sflag:s19] =	ssyncset.done $0x0  }
0x350: {  	[sflag:s19] =	ssyncadd.s32 $0xFFFFFE00  }
0x351: {  	_ =	swait.ge [sflag:s19], $0x200  }
0x352: {  	[sflag:s19] =	ssyncset.done $0x0  }
0x353: {  	[sflag:s19] =	ssyncadd.s32 $0xFFFFFE00  }
0x354: {  	_ =	swait.ge [sflag:s19], $0x200  }
0x355: {  	[sflag:s19] =	ssyncset.done $0x0  }
0x356: {  	[sflag:s19] =	ssyncadd.s32 $0xFFFFFE00  }
0x357: {  	_ =	swait.ge [sflag:s19], $0x200  }
0x358: {  	[sflag:s19] =	ssyncset.done $0x0  }
0x359: {  	s23 =	simm.s32 $0x15D80;
	[sflag:s19] =	ssyncadd.s32 $0xFFFFFE00  }
0x35a: {  	s24 =	simm.s32 $0x15C80;
	v1 =	vld [tilespmem:s23+$0x0]  }
0x35b: {  	v2 =	vld [tilespmem:s24+$0x0];
	_ =	sdelay $0x3  }
0x35c: {  	v3 =	vmul.f32 $7.929687500e-01, v1  }
0x35d: {  	v49 =	vmul.f32 $7.929687500e-01, v2  }
0x35e: {  	v3 =	vtrunc.f32 v3  }
0x35f: {  	s20 =	simm.s32 $0x1D280;
	v4 =	vtrunc.f32 v49;
	v3 =	vcvt.f32.s32 v3  }
0x360: {  	v50 =	vld [tilespmem:s20+$0xFFFFFD00];
	v4 =	vcvt.f32.s32 v4  }
0x361: {  	v51 =	vld [tilespmem:s20+$0xFFFFFF00];
	v3 =	vcvt.s32.f32 v3  }
0x362: {  	v52 =	vld [tilespmem:s20+$0x300];
	v4 =	vcvt.s32.f32 v4  }
0x363: {  	v53 =	vld [tilespmem:s20+$0xFFFFFC00];
	v3 =	vmul.f32 $1.261083720e+00, v3  }
0x364: {  	v54 =	vld [tilespmem:s20+$0xFFFFFE00];
	v4 =	vmul.f32 $1.261083720e+00, v4  }
0x365: {  	v1 =	vsub.f32 v1, v3;
	v3 =	vld [tilespmem:s20+$0x200]  }
0x366: {  	v55 =	vld [tilespmem:s20+$0x0];
	v2 =	vsub.f32 v2, v4  }
0x367: {  	v56 =	vld [tilespmem:s20+$0x100];
	v1 =	vmul.f32 $7.929687500e-01, v1  }
0x368: {  	v2 =	vmul.f32 $7.929687500e-01, v2  }
0x369: {  	s25 =	simm.s32 $0x0;
	v57 =	vsub.f32 $1.000000000e+00, v1;
	v9 =	vmul.f32 v1, v54;
	v6 =	vmul.f32 v1, v51  }
0x36a: {  	v58 =	vmov s25;
	v3 =	vmul.f32 v3, v1;
	v1 =	vmul.f32 v52, v1  }
0x36b: {  	v59 =	vshll.u32 v58, $0x5;
	v8 =	vmul.f32 v57, v53;
	v4 =	vmul.f32 v57, v55  }
0x36c: {  	v60 =	vsub.f32 $1.000000000e+00, v2;
	v5 =	vmul.f32 v57, v50;
	v10 =	vmul.f32 v57, v56  }
0x36d: {  	v7 =	vor.u32 v0, v59;
	v8 =	vadd.f32 v8, v9;
	v3 =	vadd.f32 v3, v4  }
0x36e: {  	v62 =	vor.u32 $0x1C, v7;
	v61 =	vadd.f32 v5, v6;
	v1 =	vadd.f32 v1, v10  }
0x36f: {  	v7 =	vor.u32 $0x1D, v7;
	v63 =	vmul.f32 v8, v60;
	v3 =	vmul.f32 v3, v2  }
0x370: {  	v4 =	vmul.f32 v61, v60;
	v1 =	vmul.f32 v1, v2  }
0x371: {  	v2 =	vadd.f32 v3, v63  }
0x372: {  	v1 =	vadd.f32 v1, v4  }
0x373: {  	[tilespmem:v62+s2+$0x0] =	vst.idx.msk $0xffff, v2  }
0x374: {  	s23 =	simm.s32 $0x15D90;
	[tilespmem:v7+s2+$0x0] =	vst.idx.msk $0xffff, v1  }
0x375: {  	s24 =	simm.s32 $0x15C90;
	v1 =	vld [tilespmem:s23+$0x0]  }
0x376: {  	s22 =	simm.s32 $0x10;
	s25 =	simm.s32 $0x20;
	v2 =	vld [tilespmem:s24+$0x0]  }
.LBB2_15:
0x377: {  	p1 =	sne.s32 s25, $0xF0;
	_ =	sdelay $0x2  }
0x378: {  	v3 =	vmul.f32 $7.929687500e-01, v1  }
0x379: {  	v4 =	vmul.f32 $7.929687500e-01, v2  }
0x37a: {  	v3 =	vtrunc.f32 v3  }
0x37b: {  	s20 =	sadd.s32 $0x10, s20;
	v4 =	vtrunc.f32 v4;
	v3 =	vcvt.f32.s32 v3  }
0x37c: {  	v4 =	vcvt.f32.s32 v4;
	v5 =	vld [tilespmem:s20+$0xFFFFFD00]  }
0x37d: {  	v3 =	vcvt.s32.f32 v3;
	v6 =	vld [tilespmem:s20+$0xFFFFFF00]  }
0x37e: {  	v4 =	vcvt.s32.f32 v4;
	v7 =	vld [tilespmem:s20+$0x300]  }
0x37f: {  	v3 =	vmul.f32 $1.261083720e+00, v3;
	v8 =	vld [tilespmem:s20+$0xFFFFFC00]  }
0x380: {  	v4 =	vmul.f32 $1.261083720e+00, v4;
	v9 =	vld [tilespmem:s20+$0xFFFFFE00]  }
0x381: {  	v1 =	vsub.f32 v1, v3;
	v3 =	vld [tilespmem:s20+$0x200]  }
0x382: {  	v2 =	vsub.f32 v2, v4;
	v4 =	vld [tilespmem:s20+$0x0]  }
0x383: {  	v1 =	vmul.f32 $7.929687500e-01, v1;
	v10 =	vld [tilespmem:s20+$0x100]  }
0x384: {  	v2 =	vmul.f32 $7.929687500e-01, v2  }
0x385: {  	v11 =	vsub.f32 $1.000000000e+00, v1;
	v9 =	vmul.f32 v1, v9;
	v6 =	vmul.f32 v1, v6  }
0x386: {  	v12 =	vmov s22;
	s22 =	smov.u32 s25;
	v3 =	vmul.f32 v3, v1;
	v1 =	vmul.f32 v7, v1  }
0x387: {  	v7 =	vshll.u32 v12, $0x5;
	v8 =	vmul.f32 v11, v8;
	v4 =	vmul.f32 v11, v4  }
0x388: {  	v12 =	vsub.f32 $1.000000000e+00, v2;
	v5 =	vmul.f32 v11, v5;
	v10 =	vmul.f32 v11, v10  }
0x389: {  	v7 =	vor.u32 v0, v7;
	v8 =	vadd.f32 v8, v9;
	v3 =	vadd.f32 v3, v4  }
0x38a: {  	v4 =	vadd.f32 v5, v6;
	v5 =	vor.u32 $0x1C, v7;
	v1 =	vadd.f32 v1, v10  }
0x38b: {  	v7 =	vor.u32 $0x1D, v7;
	v6 =	vmul.f32 v8, v12;
	v3 =	vmul.f32 v3, v2  }
0x38c: {  	v4 =	vmul.f32 v4, v12;
	v1 =	vmul.f32 v1, v2  }
0x38d: {  	v2 =	vadd.f32 v3, v6  }
.Ltmp6:
0x38e: {  	v1 =	vadd.f32 v1, v4;
	(pc) =	sbr.rel @p1 .LBB2_15-.Ltmp6, $4  }
0x38f: {  	[tilespmem:v5+s2+$0x0] =	vst.idx.msk $0xffff, v2  }
0x390: {  	s23 =	sadd.s32 $0x10, s23;
	[tilespmem:v7+s2+$0x0] =	vst.idx.msk $0xffff, v1  }
0x391: {  	s24 =	sadd.s32 $0x10, s24;
	v1 =	vld [tilespmem:s23+$0x0]  }
0x392: {  	s25 =	sadd.s32 $0x10, s25;
	v2 =	vld [tilespmem:s24+$0x0]  }
0x393: {  	_ =	sdelay $0x2  }
0x394: {  	v3 =	vmul.f32 $7.929687500e-01, v1  }
0x395: {  	v4 =	vmul.f32 $7.929687500e-01, v2  }
0x396: {  	v3 =	vtrunc.f32 v3  }
0x397: {  	s20 =	sadd.s32 $0x10, s20;
	v4 =	vtrunc.f32 v4;
	v3 =	vcvt.f32.s32 v3  }
0x398: {  	v5 =	vld [tilespmem:s20+$0xFFFFFD00];
	v4 =	vcvt.f32.s32 v4  }
0x399: {  	v6 =	vld [tilespmem:s20+$0xFFFFFF00];
	v3 =	vcvt.s32.f32 v3  }
0x39a: {  	v7 =	vld [tilespmem:s20+$0x300];
	v4 =	vcvt.s32.f32 v4  }
0x39b: {  	v8 =	vld [tilespmem:s20+$0xFFFFFC00];
	v3 =	vmul.f32 $1.261083720e+00, v3  }
0x39c: {  	v9 =	vld [tilespmem:s20+$0xFFFFFE00];
	v4 =	vmul.f32 $1.261083720e+00, v4  }
0x39d: {  	v1 =	vsub.f32 v1, v3;
	v3 =	vld [tilespmem:s20+$0x200]  }
0x39e: {  	v40 =	vld [tilespmem:s20+$0x0];
	v2 =	vsub.f32 v2, v4  }
0x39f: {  	v10 =	vld [tilespmem:s20+$0x100];
	v1 =	vmul.f32 $7.929687500e-01, v1  }
0x3a0: {  	v2 =	vmul.f32 $7.929687500e-01, v2  }
0x3a1: {  	v11 =	vsub.f32 $1.000000000e+00, v1;
	v9 =	vmul.f32 v1, v9;
	v6 =	vmul.f32 v1, v6  }
0x3a2: {  	v12 =	vmov s22;
	v3 =	vmul.f32 v3, v1;
	v1 =	vmul.f32 v7, v1  }
0x3a3: {  	v41 =	vshll.u32 v12, $0x5;
	v8 =	vmul.f32 v11, v8;
	v4 =	vmul.f32 v11, v40  }
0x3a4: {  	v42 =	vsub.f32 $1.000000000e+00, v2;
	v5 =	vmul.f32 v11, v5;
	v10 =	vmul.f32 v11, v10  }
0x3a5: {  	v7 =	vor.u32 v0, v41;
	v8 =	vadd.f32 v8, v9;
	v3 =	vadd.f32 v3, v4  }
0x3a6: {  	v44 =	vor.u32 $0x1C, v7;
	v43 =	vadd.f32 v5, v6;
	v1 =	vadd.f32 v1, v10  }
0x3a7: {  	v7 =	vor.u32 $0x1D, v7;
	v45 =	vmul.f32 v8, v42;
	v3 =	vmul.f32 v3, v2  }
0x3a8: {  	v4 =	vmul.f32 v43, v42;
	v1 =	vmul.f32 v1, v2  }
0x3a9: {  	v2 =	vadd.f32 v3, v45  }
0x3aa: {  	v1 =	vadd.f32 v1, v4  }
0x3ab: {  	[tilespmem:v44+s2+$0x0] =	vst.idx.msk $0xffff, v2  }
0x3ac: {  	[tilespmem:v7+s2+$0x0] =	vst.idx.msk $0xffff, v1  }
0x3ad: {  	_ =	swait.ge [sflag:s19], $0x200  }
0x3ae: {  	[sflag:s19] =	ssyncset.done $0x0  }
0x3af: {  	[sflag:s19] =	ssyncadd.s32 $0xFFFFFE00  }
0x3b0: {  	_ =	swait.ge [sflag:s19], $0x200  }
0x3b1: {  	[sflag:s19] =	ssyncset.done $0x0  }
0x3b2: {  	[sflag:s19] =	ssyncadd.s32 $0xFFFFFE00  }
0x3b3: {  	_ =	swait.ge [sflag:s19], $0x200  }
0x3b4: {  	[sflag:s19] =	ssyncset.done $0x0  }
0x3b5: {  	[sflag:s19] =	ssyncadd.s32 $0xFFFFFE00  }
0x3b6: {  	_ =	swait.ge [sflag:s19], $0x200  }
0x3b7: {  	[sflag:s19] =	ssyncset.done $0x0  }
0x3b8: {  	s24 =	simm.s32 $0x15D80;
	[sflag:s19] =	ssyncadd.s32 $0xFFFFFE00  }
0x3b9: {  	v1 =	vld [tilespmem:s24+$0x0]  }
0x3ba: {  	s25 =	simm.s32 $0x1DA80  }
0x3bb: {  	s20 =	simm.s32 $0x15C80;
	v2 =	vld [tilespmem:s25+$0xFFFFFD00]  }
0x3bc: {  	v3 =	vld [tilespmem:s20+$0x0]  }
0x3bd: {  	v46 =	vld [tilespmem:s25+$0xFFFFFF00]  }
0x3be: {  	v48 =	vld [tilespmem:s25+$0x300];
	v47 =	vtrunc.f32 v1  }
0x3bf: {  	v49 =	vld [tilespmem:s25+$0xFFFFFC00];
	v5 =	vcvt.f32.s32 v47  }
0x3c0: {  	v50 =	vld [tilespmem:s25+$0xFFFFFE00]  }
0x3c1: {  	v52 =	vld [tilespmem:s25+$0x200];
	v51 =	vtrunc.f32 v3;
	v5 =	vcvt.s32.f32 v5  }
0x3c2: {  	v53 =	vld [tilespmem:s25+$0x0];
	v9 =	vcvt.f32.s32 v51  }
0x3c3: {  	s23 =	simm.s32 $0x0;
	v54 =	vld [tilespmem:s25+$0x100];
	v1 =	vsub.f32 v1, v5  }
0x3c4: {  	v55 =	vmov s23;
	v9 =	vcvt.s32.f32 v9  }
0x3c5: {  	v13 =	vsub.f32 $1.000000000e+00, v1;
	v8 =	vmul.f32 v1, v50;
	v4 =	vmul.f32 v46, v1  }
0x3c6: {  	v3 =	vsub.f32 v3, v9;
	v56 =	vmul.f32 v52, v1;
	v1 =	vmul.f32 v48, v1  }
0x3c7: {  	v57 =	vshll.u32 v55, $0x5;
	v7 =	vmul.f32 v13, v49;
	v58 =	vmul.f32 v53, v13  }
0x3c8: {  	v59 =	vsub.f32 $1.000000000e+00, v3;
	v2 =	vmul.f32 v13, v2;
	v5 =	vmul.f32 v54, v13  }
0x3c9: {  	v6 =	vor.u32 v0, v57;
	v7 =	vadd.f32 v7, v8;
	v60 =	vadd.f32 v56, v58  }
0x3ca: {  	v61 =	vor.u32 $0x1E, v6;
	v2 =	vadd.f32 v4, v2;
	v1 =	vadd.f32 v1, v5  }
0x3cb: {  	v6 =	vor.u32 $0x1F, v6;
	v62 =	vmul.f32 v7, v59;
	v63 =	vmul.f32 v60, v3  }
0x3cc: {  	v2 =	vmul.f32 v2, v59;
	v1 =	vmul.f32 v1, v3  }
0x3cd: {  	v3 =	vadd.f32 v63, v62  }
0x3ce: {  	v1 =	vadd.f32 v1, v2  }
0x3cf: {  	[tilespmem:v61+s2+$0x0] =	vst.idx.msk $0xffff, v3  }
0x3d0: {  	s24 =	simm.s32 $0x15D90;
	[tilespmem:v6+s2+$0x0] =	vst.idx.msk $0xffff, v1  }
0x3d1: {  	v1 =	vld [tilespmem:s24+$0x0]  }
0x3d2: {  	s22 =	simm.s32 $0x10;
	s23 =	simm.s32 $0x1DA90;
	s25 =	simm.s32 $0x20  }
.LBB2_17:
0x3d3: {  	p1 =	sne.s32 s25, $0xF0;
	v2 =	vld [tilespmem:s23+$0xFFFFFD00];
	s20 =	sadd.s32 $0x10, s20  }
0x3d4: {  	v3 =	vld [tilespmem:s20+$0x0]  }
0x3d5: {  	v4 =	vld [tilespmem:s23+$0xFFFFFF00]  }
0x3d6: {  	v5 =	vtrunc.f32 v1;
	v6 =	vld [tilespmem:s23+$0x300]  }
0x3d7: {  	v5 =	vcvt.f32.s32 v5;
	v7 =	vld [tilespmem:s23+$0xFFFFFC00]  }
0x3d8: {  	v8 =	vld [tilespmem:s23+$0xFFFFFE00]  }
0x3d9: {  	v9 =	vtrunc.f32 v3;
	v5 =	vcvt.s32.f32 v5;
	v10 =	vld [tilespmem:s23+$0x200]  }
0x3da: {  	v9 =	vcvt.f32.s32 v9;
	v11 =	vld [tilespmem:s23+$0x0]  }
0x3db: {  	v1 =	vsub.f32 v1, v5;
	v5 =	vld [tilespmem:s23+$0x100]  }
0x3dc: {  	v12 =	vmov s22;
	s22 =	smov.u32 s25;
	v9 =	vcvt.s32.f32 v9  }
0x3dd: {  	v13 =	vsub.f32 $1.000000000e+00, v1;
	v8 =	vmul.f32 v1, v8;
	v4 =	vmul.f32 v4, v1  }
0x3de: {  	v3 =	vsub.f32 v3, v9;
	v9 =	vmul.f32 v10, v1;
	v1 =	vmul.f32 v6, v1  }
0x3df: {  	v6 =	vshll.u32 v12, $0x5;
	v7 =	vmul.f32 v13, v7;
	v10 =	vmul.f32 v11, v13  }
0x3e0: {  	v2 =	vmul.f32 v13, v2;
	v11 =	vsub.f32 $1.000000000e+00, v3;
	v5 =	vmul.f32 v5, v13  }
0x3e1: {  	v6 =	vor.u32 v0, v6;
	v7 =	vadd.f32 v7, v8;
	v8 =	vadd.f32 v9, v10  }
0x3e2: {  	v2 =	vadd.f32 v4, v2;
	v4 =	vor.u32 $0x1E, v6;
	v1 =	vadd.f32 v1, v5  }
0x3e3: {  	v6 =	vor.u32 $0x1F, v6;
	v5 =	vmul.f32 v7, v11;
	v7 =	vmul.f32 v8, v3  }
0x3e4: {  	v2 =	vmul.f32 v2, v11;
	v1 =	vmul.f32 v1, v3  }
0x3e5: {  	v3 =	vadd.f32 v7, v5  }
.Ltmp7:
0x3e6: {  	v1 =	vadd.f32 v1, v2;
	(pc) =	sbr.rel @p1 .LBB2_17-.Ltmp7, $4  }
0x3e7: {  	[tilespmem:v4+s2+$0x0] =	vst.idx.msk $0xffff, v3  }
0x3e8: {  	s24 =	sadd.s32 $0x10, s24;
	[tilespmem:v6+s2+$0x0] =	vst.idx.msk $0xffff, v1  }
0x3e9: {  	v1 =	vld [tilespmem:s24+$0x0]  }
0x3ea: {  	s25 =	sadd.s32 $0x10, s25;
	s23 =	sadd.s32 $0x10, s23  }
0x3eb: {  	v2 =	vld [tilespmem:s23+$0xFFFFFD00];
	s20 =	sadd.s32 $0x10, s20  }
0x3ec: {  	v3 =	vld [tilespmem:s20+$0x0]  }
0x3ed: {  	v4 =	vld [tilespmem:s23+$0xFFFFFF00]  }
0x3ee: {  	v6 =	vld [tilespmem:s23+$0x300];
	v5 =	vtrunc.f32 v1  }
0x3ef: {  	v7 =	vld [tilespmem:s23+$0xFFFFFC00];
	v5 =	vcvt.f32.s32 v5  }
0x3f0: {  	v8 =	vld [tilespmem:s23+$0xFFFFFE00]  }
0x3f1: {  	v10 =	vld [tilespmem:s23+$0x200];
	v9 =	vtrunc.f32 v3;
	v5 =	vcvt.s32.f32 v5  }
0x3f2: {  	v11 =	vld [tilespmem:s23+$0x0];
	v9 =	vcvt.f32.s32 v9  }
0x3f3: {  	v55 =	vld [tilespmem:s23+$0x100];
	v1 =	vsub.f32 v1, v5  }
0x3f4: {  	v12 =	vmov s22;
	v9 =	vcvt.s32.f32 v9  }
0x3f5: {  	v13 =	vsub.f32 $1.000000000e+00, v1;
	v8 =	vmul.f32 v1, v8;
	v4 =	vmul.f32 v4, v1  }
0x3f6: {  	v56 =	vmul.f32 v10, v1;
	v1 =	vmul.f32 v6, v1;
	v3 =	vsub.f32 v3, v9  }
0x3f7: {  	v57 =	vshll.u32 v12, $0x5;
	v7 =	vmul.f32 v13, v7;
	v58 =	vmul.f32 v11, v13  }
0x3f8: {  	v2 =	vmul.f32 v13, v2;
	v5 =	vmul.f32 v55, v13;
	v59 =	vsub.f32 $1.000000000e+00, v3  }
0x3f9: {  	v6 =	vor.u32 v0, v57;
	v7 =	vadd.f32 v7, v8;
	v60 =	vadd.f32 v56, v58  }
0x3fa: {  	v61 =	vor.u32 $0x1E, v6;
	v2 =	vadd.f32 v4, v2;
	v1 =	vadd.f32 v1, v5  }
0x3fb: {  	v6 =	vor.u32 $0x1F, v6;
	v62 =	vmul.f32 v7, v59;
	v63 =	vmul.f32 v60, v3  }
0x3fc: {  	v2 =	vmul.f32 v2, v59;
	v1 =	vmul.f32 v1, v3  }
0x3fd: {  	v3 =	vadd.f32 v63, v62  }
0x3fe: {  	s17 =	sadd.s32 $0x1, s17;
	v1 =	vadd.f32 v1, v2  }
0x3ff: {  	s18 =	sshll.u32 s18, $0x2;
	s25 =	rddreg [dreg:$0x2];
	p1 =	sne.s32 s17, $0x20;
	[tilespmem:v61+s2+$0x0] =	vst.idx.msk $0xffff, v3  }
.Ltmp8:
0x400: {  	s18 =	sadd.s32 s25, s18;
	[tilespmem:v6+s2+$0x0] =	vst.idx.msk $0xffff, v1;
	(pc) =	sbr.rel @p1 .LBB2_2-.Ltmp8, $4  }
0x401: {  	[hbm4b:s18+s5] =	stream.linear.scatter [tilespmem:s2], [sflag:$0x2], $0x2000, $0x38;
	[tilespmem:$0x1FFB0] =	vst v63  }
0x402: {  	_ =	swait.ge [sflag:s16], $0x2000  }
0x403: {  	[sflag:s16] =	ssyncset.done $0x0  }
0x404: {  	[sflag:s16] =	ssyncadd.s32 $0xFFFFE000  }
0x405: {  	s18 =	rddreg [dreg:$0xc]  }
0x406: {  	s17 =	rddreg [dreg:$0x9];
	s18 =	sadd.s32 $0x1, s18  }
0x407: {  	p1 =	sne.s32 s18, s17  }
.Ltmp9:
0x408: {  	_ = 	snop;
	(pc) =	sbr.rel @p1 .LBB2_1-.Ltmp9, $1  }
0x409: {  	_ =	sdelay $0x3  }
0x40a: {  	_ =	sfence.sel $0x180000  }
0x40b: {  	[bflag:$0x0] =	sbarrier.arrive $0xFFFF  }
0x40c: {  	_ =	strace $0x90000047  }
0x40d: {  	[bflag:$0x2] =	sbarrier.arrive $0xFFFF  }
0x40e: {  	s0 =	rddreg [dreg:$0x5]  }
0x40f: {  	s0 =	sadd.s32 @!p0 $0x100000, s0  }
0x410: {  	[sflag:s0] =	ssyncadd.tile.s32 @!p0 $0x1;
	_ =	shalt  }
.Lfunc_end2:
_tile_overlayer_lowered:
.L_overlay_start_2:
0x411: {  	(tag) =	ssettag $0x2  }
0x412: {  	s0 =	rddreg [dreg:$0x0];
	s2 =	stileid.u32  }
0x413: {  	s1 =	rddreg [dreg:$0x1];
	p0 =	sne.s32 s2, $0x0  }
0x414: {  	s3 =	rddreg [dreg:$0x2];
	[bflag:$0x3] =	sbarrier.arrive $0xFFFF;
	s2 =	simm.s32 @!p0 $0x1C02  }
0x415: {  	[timem:s3], [sflag:s2] =	dma.local @!p0 [hbm:s0], s1  }
0x416: {  	s0 =	simm.s32 @!p0 $0x2  }
0x417: {  	_ =	swait.ge @!p0 [sflag:s0], s1  }
0x418: {  	s1 =	ssub.s32 @!p0 $0x0, s1;
	[sflag:s0] =	ssyncset.done @!p0 $0x0  }
0x419: {  	[sflag:s0] =	ssyncadd.s32 @!p0 s1  }
0x41a: {  	[bflag:$0x3] =	sbarrier.arrive $0xFFFF  }
0x41b: {  	_ =	shalt  }

// kernel: sparse-core-data-format-call.cloned.1.call-start
scs
called_computation_lowered:
.L_overlay_start_0:
0x0: {  	s2 =	sld [smem:$0x3FD9]  }
0x1: {  	s3 =	sld [smem:$0x3FFE];
	_ =	sdelay $0x1  }
0x2: {  	s1 =	srdreg.scid  }
0x3: {  	s0 =	sand.u32 $0x1, s1  }
0x4: {  	s15 =	sshll.u32 s0, $0xA;
	s2 =	sadd.s32 s3, s2  }
0x5: {  	s2 =	sadd.s32 s2, s15  }
0x6: {  	[smem:$0x3FB7] =	sst s2  }
0x7: {  	_ = 	snop  }
0x8: {  	s2 =	sld [smem:$0x3FD0];
	_ =	sdelay $0x2  }
0x9: {  	s16 =	simm.s32 $0xA;
	s4 =	simm.s32 $0x10  }
0xa: {  	[smem:s4], [sflag:s16] =	dma.local [hbm:s2], $0x1  }
0xb: {  	_ =	swait.eq [sflag:s16], $0x1  }
0xc: {  	[sflag:s16] =	ssyncset.done $0x0  }
0xd: {  	[sflag:s16] =	ssyncadd.s32 $0xFFFFFFFF  }
0xe: {  	s17 =	sld [smem:$0x10];
	(tm) =	ssettm $0x1  }
0xf: {  	s18 =	sld [smem:$0x3FFB];
	_ =	sdelay $0x3  }
0x10: {  	_ =	strace s18  }
0x11: {  	s3 =	sld [smem:$0x3FFC];
	_ =	sdelay $0x3  }
0x12: {  	_ =	strace s3  }
0x13: {  	s3 =	sld [smem:$0x3FFD];
	_ =	sdelay $0x3  }
0x14: {  	_ =	strace s3  }
0x15: {  	_ =	strace $0x8FFFFFFF  }
0x16: {  	s19 =	sld [smem:$0x3FDB];
	_ =	sdelay $0x1  }
0x17: {  	s20 =	simm.s32 $_scs_section_size  }
0x18: {  	s5 =	simm.s32 $_size__tile_overlayer_lowered;
	s6 =	simm.s32 $_tile_overlayer_lowered  }
0x19: {  	s23 =	simm.s32 $0x1BFF;
	s22 =	sshll.u32 s6, $0x1;
	s3 =	sadd.s32 s20, s19  }
0x1a: {  	s7 =	simm.s32 $0x0;
	s21 =	sshll.u32 s5, $0x1;
	s5 =	sadd.s32 s22, s3  }
0x1b: {  	[timem:s7], [sflag:s23] =	dma.local [hbm:s5], s21  }
0x1c: {  	_ =	swait.ge [sflag:s23], s21  }
0x1d: {  	s4 =	ssub.s32 $0x0, s21;
	[sflag:s23] =	ssyncset.done $0x0  }
0x1e: {  	[sflag:s23] =	ssyncadd.s32 s4;
	_ =	sdelay $0x1  }
0x1f: {  	s24 =	simm.s32 $0x1B8B  }
0x20: {  	_ =	swait.ge [sflag:s24], $0x1  }
0x21: {  	[sflag:s24] =	ssyncset.done $0x0  }
0x22: {  	s26 =	simm.s32 $0x1B8E;
	s25 =	sld [smem:$0x3FFE];
	[sflag:s24] =	ssyncadd.s32 $0xFFFFFFFF  }
0x23: {  	s27 =	simm.s32 $execute0_lowered;
	[smem:$0x3FD2] =	sst s26  }
0x24: {  	s5 =	sshll.u32 s27, $0x1;
	_ =	strace $0x80000049;
	[dreg:$0x1] =	wrdreg $0xFFFFFFFF  }
0x25: {  	s28 =	simm.s32 $_size_execute0_lowered;
	s3 =	sadd.s32 s3, s5;
	[dreg:$0x0] =	wrdreg $0x0  }
0x26: {  	s5 =	sshll.u32 s28, $0x1;
	[dreg:$0x2] =	wrdreg s3  }
0x27: {  	[dreg:$0x3] =	wrdreg s5  }
0x28: {  	[dreg:$0x4] =	wrdreg $0xC0  }
0x29: {  	_ =	task [dreg:s7], $0x5FFFF  }
0x2a: {  	[dreg:$0x1] =	wrdreg $0xFFFFFFFF  }
0x2b: {  	[dreg:$0x0] =	wrdreg $0x60  }
0x2c: {  	[dreg:$0x2] =	wrdreg s25  }
0x2d: {  	[dreg:$0x3] =	wrdreg s17  }
0x2e: {  	[dreg:$0x4] =	wrdreg $0x9  }
0x2f: {  	_ =	task.clear_ibuf [dreg:s7], $0x5FFFF;
	_ =	strace $0x90000049  }
0x30: {  	s29 =	simm.s32 $0x9;
	_ =	strace $0x8000004B  }
0x31: {  	_ =	swait.ge [sflag:s29], $0x1  }
0x32: {  	[sflag:s29] =	ssyncadd.s32 $0xFFFFFFFF  }
0x33: {  	_ =	strace $0x9000004B  }
0x34: {  	_ =	sfence  }
0x35: {  	s30 =	sld [smem:$0x0];
	_ =	sdelay $0x2  }
0x36: {  	s31 =	sshll.u32 s1, $0xD;
	s1 =	sshrl.u32 s1, $0x2  }
0x37: {  	s3 =	sand.u32 $0x4000, s31;
	s1 =	sadd.s32 s1, s30  }
0x38: {  	s0 =	sor.u32 s3, s0;
	s1 =	sshll.u32 s1, $0x11  }
0x39: {  	s0 =	sor.u32 s1, s0  }
0x3a: {  	s0 =	sadd.s32 $0x8F2B, s0  }
0x3b: {  	[sflag:s0] =	ssyncadd.remote.s32 $0x1  }
0x3c: {  	_ =	sfence.sel $0xFFFF  }
0x3d: {  	[dreg:$0x0] =	wrdreg $0xFFFFFFFF;
	(pc) =	sbr.abs _section_cstart, $3  }
0x3e: {  	[dreg:$0x1] =	wrdreg $0xFFFFFFFF  }
0x3f: {  	_ =	task.clear_ibuf [dreg:s7], $0x2FFFF;
	_ =	strace $0x9FFFFFFF  }
0x40: {  	(tm) =	ssettm $0x7FFFFFFF  }
0x41: {  	_ =	shalt  }
tec
execute0_lowered:
.L_overlay_start_1:
0x0: {  	(tag) =	ssettag $0x1  }
0x1: {  	s0 =	srdreg.scid  }
0x2: {  	s1 =	sshll.u32 s0, $0x4  }
0x3: {  	s4 =	rddreg [dreg:$0x0];
	s0 =	stileid.u32;
	s1 =	sand.u32 $0x10, s1  }
0x4: {  	s2 =	rddreg [dreg:$0x1];
	s7 =	simm.s32 $0x1;
	s1 =	sor.u32 s0, s1  }
0x5: {  	s8 =	simm.s32 $0x2;
	s11 =	simm.s32 $0x0;
	s3 =	sshll.u32 s1, $0x7  }
0x6: {  	s10 =	simm.s32 $0x0;
	s4 =	sadd.s32 $0x39A00, s4;
	s6 =	ssub.s32 $0x40000, s3  }
.Ltmp0:
0x7: {  	s1 =	rddreg [dreg:$0x2];
	s5 =	sand.u32 $0xF80, s6;
	(pc) =	sbr.rel .LBB1_1-.Ltmp0, $4  }
0x8: {  	_ =	strace $0x8000004A;
	s9 =	smov.u32 s3;
	p0 =	sne.s32 s5, $0x0  }
0x9: {  	s6 =	sshrl.u32 s6, $0xC;
	s5 =	simm.s32 $0x1;
	s7 =	simm.s32 @!p0 $0x0  }
0xa: {  	[sflag:s5] =	ssyncpa.u1 $0x0;
	p0 =	por $0x0, $0x0;
	s6 =	sadd.s32 s7, s6  }
0xb: {  	[sflag:s8] =	ssyncpa.u1 $0x0;
	s8 =	simm.s32 $0x200000;
	s7 =	sadd.s32 $0x1, s6  }
.LBB1_4:
0xc: {  	s13 =	sshll.u32 s11, $0x3  }
0xd: {  	s15 =	sand.u32 $0x78, s11;
	s13 =	sand.u32 $0x3FC00, s13  }
0xe: {  	s30 =	sand.u32 $0xF8000, s11;
	s31 =	sand.u32 $0x7, s11;
	s13 =	sor.u32 s15, s13  }
0xf: {  	s11 =	sshll.u32 s31, $0x12;
	s15 =	sadd.s32 s2, s30;
	s13 =	sshrl.u32 s13, $0x3  }
0x10: {  	[tilespmem:s14+$0x0 ss:$0x81] =	vst.msk $0xffff, v0;
	s11 =	sor.u32 $0x400, s11;
	s13 =	sadd.s32 s13, s15  }
0x11: {  	[hbm4b:s13+s11] =	stream.strided.scatter [tilespmem:s12], [sflag:$0x2], $0x1000, s8, s11, $0x20;
	[tilespmem:$0x4040] =	vst v63  }
.LBB1_5:
0x12: {  	s13 =	sadd.s32 $0x1000, s9  }
0x13: {  	p2 =	sgt.s32 s13, $0x3FFFF  }
0x14: {  	s13 =	smov.u32 @p2 s3;
	p2 =	sne.s32 s10, s7  }
.Ltmp1:
0x15: {  	p1 =	slt.u32 s10, $0x2;
	(pc) =	sbr.rel @!p2 .LBB1_6-.Ltmp1, $4  }
0x16: {  	s12 =	simm.s32 @!p1 $0x2  }
0x17: {  	s14 =	sadd.s32 $0x1, s10;
	_ =	swait.ge @!p1 [sflag:s12], $0x1000  }
0x18: {  	s11 =	smov.u32 s9;
	p0 =	por !p0, !p0;
	[sflag:s12] =	ssyncset.done @!p1 $0x0  }
0x19: {  	s10 =	smov.u32 s14;
	s9 =	smov.u32 s13;
	[sflag:s12] =	ssyncadd.s32 @!p1 $0xFFFFF000  }
.LBB1_1:
0x1a: {  	p1 =	sge.u32 s10, s6  }
0x1b: {  	s31 =	sadd.s32 $0xFFFFFFFF, s10;
	s12 =	sxor.u32 @!p1 $0xFFFFFFFF, s10;
	s13 =	sshll.u32 @!p1 s9, $0x4  }
0x1c: {  	s14 =	simm.s32 @!p1 $0x20;
	s12 =	sshll.u32 @!p1 s12, $0xC;
	s13 =	sand.u32 @!p1 $0x3FFFF0, s13  }
0x1d: {  	s15 =	simm.s32 @!p1 $0x80;
	s12 =	sand.u32 @!p1 $0x1000, s12;
	s13 =	sadd.s32 @!p1 s4, s13  }
0x1e: {  	[tilespmem:s12], [sflag:$0x1] =	stream.strided.gather @!p1 [hbm4b:s13+s14], $0x1000, s15, s14, $0x38;
	[tilespmem:$0x4040] =	vst v63  }
0x1f: {  	p1 =	sge.u32 s31, s6  }
.Ltmp2:
0x20: {  	_ = 	snop;
	(pc) =	sbr.rel @p1 .LBB1_5-.Ltmp2, $1  }
0x21: {  	_ =	sdelay $0x3  }
0x22: {  	s12 =	simm.s32 $0x1  }
0x23: {  	_ =	swait.ge [sflag:s5], $0x1000;
	s12 =	simm.s32 @!p0 $0x0  }
0x24: {  	[sflag:s5] =	ssyncset.done $0x0;
	s13 =	sshll.u32 s12, $0xC  }
0x25: {  	[sflag:s5] =	ssyncadd.s32 $0xFFFFF000;
	s16 =	sor.u32 $0x10, s13  }
0x26: {  	s12 =	smul.u32 $0x4080, s12;
	v1 =	vld [tilespmem:s16+$0x0]  }
0x27: {  	s30 =	sand.u32 $0x1, s10;
	v0 =	vld [tilespmem:s16+$0xFFFFFFF0]  }
0x28: {  	s14 =	smul.u32 $0x4080, s30;
	s12 =	sshrl.u32 s12, $0x2  }
0x29: {  	s13 =	sor.u32 $0x2000, s12  }
0x2a: {  	s31 =	sshrl.u32 s14, $0x2;
	s14 =	sadd.s32 $0x0, s13  }
0x2b: {  	s15 =	simm.s32 $0x4;
	s16 =	sadd.s32 $0x20, s16;
	s12 =	sor.u32 $0x2000, s31;
	[tilespmem:s14+$0x810 ss:$0x81] =	vst.msk $0xffff, v1  }
.LBB1_3:
0x2c: {  	v1 =	vld [tilespmem:s16+$0x0];
	p1 =	sne.s32 s15, $0x1FC;
	[tilespmem:s14+$0x0 ss:$0x81] =	vst.msk $0xffff, v0;
	s14 =	smov.u32 s15;
	s15 =	sadd.s32 $0x4, s15  }
.Ltmp3:
0x2d: {  	v0 =	vld [tilespmem:s16+$0xFFFFFFF0];
	(pc) =	sbr.rel @p1 .LBB1_3-.Ltmp3, $4  }
0x2e: {  	_ = 	snop  }
0x2f: {  	s14 =	sshra.s32 s14, $0x2  }
0x30: {  	s14 =	sadd.s32 s14, s13  }
0x31: {  	s16 =	sadd.s32 $0x20, s16;
	[tilespmem:s14+$0x810 ss:$0x81] =	vst.msk $0xffff, v1  }
.Ltmp4:
0x32: {  	_ = 	snop;
	(pc) =	sbr.rel .LBB1_4-.Ltmp4, $1  }
0x33: {  	_ =	sdelay $0x3  }
.LBB1_6:
0x34: {  	_ =	sfence.sel $0x180000  }
0x35: {  	s2 =	simm.s32 $0x1;
	[bflag:$0x0] =	sbarrier.arrive $0xFFFF  }
0x36: {  	s31 =	simm.s32 $0x2;
	[sflag:s2] =	ssyncpa.u1 $0x1  }
0x37: {  	[sflag:s31] =	ssyncpa.u1 $0x1  }
0x38: {  	p0 =	sne.s32 s0, $0x0;
	_ =	strace $0x9000004A  }
0x39: {  	s0 =	sadd.s32 @!p0 $0x100000, s1;
	[bflag:$0x2] =	sbarrier.arrive $0xFFFF  }
0x3a: {  	[sflag:s0] =	ssyncadd.tile.s32 @!p0 $0x1;
	_ =	shalt  }
.Lfunc_end1:
_tile_overlayer_lowered:
.L_overlay_start_2:
0x3b: {  	(tag) =	ssettag $0x2  }
0x3c: {  	s0 =	rddreg [dreg:$0x0];
	s2 =	stileid.u32  }
0x3d: {  	s1 =	rddreg [dreg:$0x1];
	p0 =	sne.s32 s2, $0x0  }
0x3e: {  	s3 =	rddreg [dreg:$0x2];
	[bflag:$0x3] =	sbarrier.arrive $0xFFFF;
	s2 =	simm.s32 @!p0 $0x1C01  }
0x3f: {  	[timem:s3], [sflag:s2] =	dma.local @!p0 [hbm:s0], s1  }
0x40: {  	s0 =	simm.s32 @!p0 $0x1  }
0x41: {  	_ =	swait.ge @!p0 [sflag:s0], s1  }
0x42: {  	s1 =	ssub.s32 @!p0 $0x0, s1;
	[sflag:s0] =	ssyncset.done @!p0 $0x0  }
0x43: {  	[sflag:s0] =	ssyncadd.s32 @!p0 s1  }
0x44: {  	[bflag:$0x3] =	sbarrier.arrive $0xFFFF  }
0x45: {  	_ =	shalt  }

</sc_bundles>
